<compile_context>
chip_gen: v7x
topology: tpu7x:2x2x1
jax: 0.10.2.dev20260603
libtpu: 0.0.44.dev20260713+nightly
codegen_flags: <defaults>
</compile_context>

<pallas_src>
import functools

import jax
import jax.numpy as jnp
from jax import lax
from jax.experimental import pallas as pl
from jax.experimental.pallas import tpu as pltpu
from jax.experimental.pallas import tpu_sc as plsc

N = 10000
E = 320000
H = 64
HP = 128

NC = 2
NS = 16
NW = NC * NS
EPW = E // NW
CHUNK = 80
NCHUNK = EPW // CHUNK
N_PAD = 10240
ROWS_PER_TILE = N_PAD // NS
ZROWS = 128


def _sc_edge_aggregate(xproj, ceproj, senders, receivers):

  mesh = plsc.VectorSubcoreMesh(core_axis_name="c", subcore_axis_name="s")

  @functools.partial(
      pl.kernel,
      out_type=jax.ShapeDtypeStruct((NC, N_PAD, HP), jnp.float32),
      mesh=mesh,
      scratch_types=[
          pltpu.VMEM((1, CHUNK), jnp.int32),
          pltpu.VMEM((1, CHUNK), jnp.int32),
          pltpu.VMEM((1, CHUNK), jnp.int32),
          pltpu.VMEM((1, CHUNK), jnp.int32),
          pltpu.VMEM((CHUNK, H), jnp.float32),
          pltpu.VMEM((CHUNK, HP), jnp.float32),
          pltpu.VMEM((CHUNK, HP), jnp.float32),
          pltpu.VMEM((ZROWS, HP), jnp.float32),
          pltpu.VMEM_SHARED((N_PAD, HP), jnp.float32),
          pltpu.SemaphoreType.DMA,
          pltpu.SemaphoreType.DMA,
          pltpu.SemaphoreType.DMA,
          pltpu.SemaphoreType.DMA,
          pltpu.SemaphoreType.DMA,
          pltpu.SemaphoreType.DMA,
          pltpu.SemaphoreType.DMA,
      ],
  )
  def k(xproj_hbm, ceproj_hbm, snd_hbm, rcv_hbm, out_hbm,
        sidx0, sidx1, ridx0, ridx1, ce, xs, he, zbuf, acc,
        sem_ce, sem_g, sem_s0, sem_s1, sem_r0, sem_r1, sem_sc):
    c = lax.axis_index("c")
    s = lax.axis_index("s")
    wid = s * NC + c
    ebase = wid * EPW
    sidx = (sidx0, sidx1)
    ridx = (ridx0, ridx1)
    sem_s = (sem_s0, sem_s1)
    sem_r = (sem_r0, sem_r1)

    def zrow(r, carry):
      for q in range(HP // 16):
        zbuf[r, pl.ds(q * 16, 16)] = jnp.zeros((16,), jnp.float32)
      return carry
    lax.fori_loop(0, ZROWS, zrow, 0)

    def zhe(r, carry):
      for q in range(H // 16, HP // 16):
        he[r, pl.ds(q * 16, 16)] = jnp.zeros((16,), jnp.float32)
      return carry
    lax.fori_loop(0, CHUNK, zhe, 0)
    for kk in range(ROWS_PER_TILE // ZROWS):
      pltpu.sync_copy(zbuf, acc.at[pl.ds(s * ROWS_PER_TILE + kk * ZROWS, ZROWS)])
    plsc.subcore_barrier()

    def fetch_idx(j, p):
      pltpu.async_copy(snd_hbm.at[pl.ds(ebase + j * CHUNK, CHUNK)],
                       sidx[p].at[0], sem_s[p])
      pltpu.async_copy(rcv_hbm.at[pl.ds(ebase + j * CHUNK, CHUNK)],
                       ridx[p].at[0], sem_r[p])

    def work(j, p, wait_sc):
      pltpu.make_async_copy(snd_hbm.at[pl.ds(0, CHUNK)],
                            sidx[p].at[0], sem_s[p]).wait()
      pltpu.async_copy(ceproj_hbm.at[pl.ds(ebase + j * CHUNK, CHUNK)],
                       ce, sem_ce)
      pltpu.async_copy(xproj_hbm.at[sidx[p].at[0]], xs, sem_g)
      if wait_sc:
        pltpu.make_async_copy(he, acc.at[ridx[p].at[0]], sem_sc).wait()
      pltpu.make_async_copy(ceproj_hbm.at[pl.ds(ebase + j * CHUNK, CHUNK)],
                            ce, sem_ce).wait()
      pltpu.make_async_copy(xproj_hbm.at[pl.ds(0, CHUNK)], xs, sem_g).wait()

      @plsc.parallel_loop(0, CHUNK, unroll=4)
      def _(r):
        for q in range(H // 16):
          sl = pl.ds(q * 16, 16)
          he[r, sl] = jnp.maximum(ce[r, sl] + xs[r, sl], 0.0)

      pltpu.make_async_copy(rcv_hbm.at[pl.ds(0, CHUNK)],
                            ridx[p].at[0], sem_r[p]).wait()
      pltpu.async_copy(he, acc.at[ridx[p].at[0]], sem_sc, add=True)

    fetch_idx(0, 0)
    fetch_idx(1, 1)
    work(0, 0, False)
    fetch_idx(2, 0)

    def two(t, carry):
      j = 2 * t + 1
      work(j, 1, True)
      fetch_idx(j + 2, 1)
      work(j + 1, 0, True)
      fetch_idx(j + 3, 0)
      return carry
    lax.fori_loop(0, (NCHUNK - 3) // 2, two, 0)
    work(NCHUNK - 2, 1, True)
    work(NCHUNK - 1, 0, True)
    pltpu.make_async_copy(he, acc.at[ridx[0].at[0]], sem_sc).wait()
    plsc.subcore_barrier()

    pltpu.sync_copy(acc.at[pl.ds(s * ROWS_PER_TILE, ROWS_PER_TILE)],
                    out_hbm.at[c, pl.ds(s * ROWS_PER_TILE, ROWS_PER_TILE)])

  return k(xproj, ceproj, senders, receivers)




def _proj_body(x_ref, wx_ref, g_ref, wg_ref, b_ref, e_ref, we_ref,
               xo_ref, ceo_ref):
  i = pl.program_id(0)

  @pl.when(i == 0)
  def _():
    cst = jnp.dot(g_ref[...], wg_ref[...], preferred_element_type=jnp.float32)
    proj = (jnp.dot(x_ref[...], wx_ref[...],
                    preferred_element_type=jnp.float32) + cst + b_ref[...])
    xo_ref[...] = jnp.concatenate(
        [proj, jnp.zeros((proj.shape[0], HP - H), jnp.float32)], axis=1)

  @pl.when(i > 0)
  def _():
    ceo_ref[...] = jnp.dot(e_ref[...], we_ref[...],
                           preferred_element_type=jnp.float32)


def _node_body(aggp_ref, x_ref, wa_ref, wx_ref, g_ref, wg_ref, b_ref,
               wg1_ref, wg2_ref, wg3_ref, bgb_ref,
               wa2_ref, wv2_ref, wgn_ref, b2a_ref, w2b_ref, b2b_ref,
               out_ref, gnew_ref, agg_s, hv_s, acc_ref):
  i = pl.program_id(0)
  BN = aggp_ref.shape[1]

  @pl.when(i < 5)
  def _():
    pk = aggp_ref[0, :, :H] + aggp_ref[1, :, :H]
    agg_s[pl.ds(i * BN, BN), :] = pk
    cst = jnp.dot(g_ref[...], wg_ref[...], preferred_element_type=jnp.float32)
    hv = jnp.maximum(
        jnp.dot(pk, wa_ref[...], preferred_element_type=jnp.float32)
        + jnp.dot(x_ref[...], wx_ref[...], preferred_element_type=jnp.float32)
        + cst + b_ref[...], 0.0)
    hv_s[pl.ds(i * BN, BN), :] = hv
    part = jnp.concatenate(
        [jnp.sum(pk, axis=0, keepdims=True),
         jnp.sum(hv, axis=0, keepdims=True)], axis=0)

    @pl.when(i == 0)
    def _():
      acc_ref[...] = jnp.zeros_like(acc_ref)

    acc_ref[0:2, 0:H] += part

  @pl.when(i >= 5)
  def _():
    ii = i - 5
    pk = agg_s[pl.ds(ii * BN, BN), :]
    hv = hv_s[pl.ds(ii * BN, BN), :]
    mean_he = acc_ref[0:1, 0:H] * (1.0 / E)
    mean_hv = acc_ref[1:2, 0:H] * (1.0 / N)
    g_new = jnp.maximum(
        jnp.dot(mean_he, wg1_ref[...], preferred_element_type=jnp.float32)
        + jnp.dot(mean_hv, wg2_ref[...], preferred_element_type=jnp.float32)
        + jnp.dot(g_ref[...], wg3_ref[...], preferred_element_type=jnp.float32)
        + bgb_ref[...], 0.0)
    gterm = (jnp.dot(g_new, wgn_ref[...], preferred_element_type=jnp.float32)
             + b2a_ref[...])
    h2 = jnp.maximum(
        jnp.dot(pk, wa2_ref[...], preferred_element_type=jnp.float32)
        + jnp.dot(hv, wv2_ref[...], preferred_element_type=jnp.float32)
        + gterm, 0.0)
    out_ref[...] = (jnp.dot(h2, w2b_ref[...], preferred_element_type=jnp.float32)
                    + b2b_ref[...])

    @pl.when(i == 5)
    def _():
      gnew_ref[...] = g_new


def _full(shape):
  nd = len(shape)
  return pl.BlockSpec(shape, lambda i: (0,) * nd)


def kernel(cat_x, cat_e, edge_index, global_attr, W_eb, b_eb, W_nb, b_nb,
           W_gb, b_gb, W_n2a, b_n2a, W_n2b, b_n2b):
  IN_X = cat_x.shape[1]
  IN_E = cat_e.shape[1]
  G = global_attr.shape[0]
  senders = edge_index[0]
  receivers = edge_index[1]
  g_row = global_attr.reshape(1, G)

  W_eb_e = W_eb[:IN_E]
  W_eb_x = W_eb[IN_E:IN_E + IN_X]
  W_eb_g = W_eb[IN_E + IN_X:]

  BE = 16000
  xproj, ceproj = pl.pallas_call(
      _proj_body,
      grid=(1 + E // BE,),
      in_specs=[_full((N, IN_X)), _full((IN_X, H)),
                _full((1, G)), _full((G, H)), _full((1, H)),
                pl.BlockSpec((BE, IN_E), lambda i: (jnp.maximum(i - 1, 0), 0)),
                _full((IN_E, H))],
      out_specs=[_full((N, HP)),
                 pl.BlockSpec((BE, H), lambda i: (jnp.maximum(i - 1, 0), 0))],
      out_shape=[jax.ShapeDtypeStruct((N, HP), jnp.float32),
                 jax.ShapeDtypeStruct((E, H), jnp.float32)],
  )(cat_x, W_eb_x, g_row, W_eb_g, b_eb.reshape(1, H), cat_e, W_eb_e)

  agg_packed = _sc_edge_aggregate(xproj, ceproj, senders, receivers)

  W_nb_a = W_nb[:H]
  W_nb_x = W_nb[H:H + IN_X]
  W_nb_g = W_nb[H + IN_X:]
  OUT = W_n2b.shape[1]
  W_gb1 = W_gb[:H]
  W_gb2 = W_gb[H:2 * H]
  W_gb3 = W_gb[2 * H:]
  W_n2a_a = W_n2a[:H]
  W_n2a_v = W_n2a[H:2 * H]
  W_n2a_g = W_n2a[2 * H:]
  BN = 2000
  out_nodes, g_new = pl.pallas_call(
      _node_body,
      grid=(10,),
      in_specs=[pl.BlockSpec((NC, BN, HP), lambda i: (0, jnp.minimum(i, 4), 0)),
                pl.BlockSpec((BN, IN_X), lambda i: (jnp.minimum(i, 4), 0)),
                _full((H, H)), _full((IN_X, H)), _full((1, G)), _full((G, H)),
                _full((1, H)),
                _full((H, G)), _full((H, G)), _full((G, G)), _full((1, G)),
                _full((H, H)), _full((H, H)), _full((G, H)), _full((1, H)),
                _full((H, OUT)), _full((1, OUT))],
      out_specs=[pl.BlockSpec((BN, OUT), lambda i: (jnp.maximum(i - 5, 0), 0)),
                 _full((1, G))],
      out_shape=[jax.ShapeDtypeStruct((N, OUT), jnp.float32),
                 jax.ShapeDtypeStruct((1, G), jnp.float32)],
      scratch_shapes=[pltpu.VMEM((N, H), jnp.float32),
                      pltpu.VMEM((N, H), jnp.float32),
                      pltpu.VMEM((8, 128), jnp.float32)],
  )(agg_packed, cat_x, W_nb_a, W_nb_x, g_row, W_nb_g, b_nb.reshape(1, H),
    W_gb1, W_gb2, W_gb3, b_gb.reshape(1, G),
    W_n2a_a, W_n2a_v, W_n2a_g, b_n2a.reshape(1, H),
    W_n2b, b_n2b.reshape(1, OUT))

  return (out_nodes, g_new.reshape(G))

# --- scband reference (transcript-rebuilt; emitter-appended) ---
"""Pipeline reference for scband-sgn-31885837206089 (READ-ONLY COPY).

The authoritative reference and input builder live on the scoring server;
editing this copy changes nothing except your own understanding.
"""

import jax, jax.numpy as jnp
import numpy as np

N = 10000
E = 320000
IN_NODE = 128
IN_EDGE = 16
RGN = 32
SGN_H = 64
SGN_G = 32
OUT_NODE = 128


def _lin_init(key, fan_in, fan_out):
    return jax.random.normal(key, (fan_in, fan_out), jnp.float32) * (1.0 / np.sqrt(fan_in))


def setup_inputs(seed: int = 0):
    key = jax.random.key(seed)
    ks = jax.random.split(key, 12)
    cat_x = jax.random.normal(ks[0], (N, IN_NODE + RGN), jnp.float32)
    cat_e = jax.random.normal(ks[1], (E, IN_EDGE + RGN), jnp.float32)
    edge_index = jax.random.randint(ks[2], (2, E), 0, N, dtype=jnp.int32)
    global_attr = jax.random.normal(ks[3], (SGN_G,), jnp.float32)
    eb_in = (IN_EDGE + RGN) + (IN_NODE + RGN) + SGN_G
    nb_in = SGN_H + (IN_NODE + RGN) + SGN_G
    gb_in = SGN_H + SGN_H + SGN_G
    n2_in = SGN_H + SGN_H + SGN_G
    return {
        'cat_x': cat_x,
        'cat_e': cat_e,
        'edge_index': edge_index,
        'global_attr': global_attr,
        'W_eb': _lin_init(ks[4], eb_in, SGN_H),
        'b_eb': jnp.zeros((SGN_H,), jnp.float32),
        'W_nb': _lin_init(ks[5], nb_in, SGN_H),
        'b_nb': jnp.zeros((SGN_H,), jnp.float32),
        'W_gb': _lin_init(ks[6], gb_in, SGN_G),
        'b_gb': jnp.zeros((SGN_G,), jnp.float32),
        'W_n2a': _lin_init(ks[7], n2_in, SGN_H),
        'b_n2a': jnp.zeros((SGN_H,), jnp.float32),
        'W_n2b': _lin_init(ks[8], SGN_H, OUT_NODE),
        'b_n2b': jnp.zeros((OUT_NODE,), jnp.float32),
    }


def reference(cat_x, cat_e, edge_index, global_attr, W_eb, b_eb, W_nb, b_nb, W_gb, b_gb, W_n2a, b_n2a, W_n2b, b_n2b):
    senders = edge_index[0]
    receivers = edge_index[1]
    n = cat_x.shape[0]
    e = cat_e.shape[0]
    g = global_attr.shape[0]
    # EdgeBlock: cat(edge 'cat_e', sender node 'cat_x', global) -> Linear -> ReLU -> h_e
    ge = jnp.broadcast_to(global_attr[None, :], (e, g))
    edge_in = jnp.concatenate([cat_e, jnp.take(cat_x, senders, axis=0), ge], axis=1)
    h_e = jax.nn.relu(edge_in @ W_eb + b_eb)
    # NodeBlock: cat(agg received edges, node 'cat_x', global) -> Linear -> ReLU -> h_v
    agg = jax.ops.segment_sum(h_e, receivers, num_segments=n)
    gn = jnp.broadcast_to(global_attr[None, :], (n, g))
    node_in = jnp.concatenate([agg, cat_x, gn], axis=1)
    h_v = jax.nn.relu(node_in @ W_nb + b_nb)
    # GlobalBlock: cat(mean edges, mean nodes, global) -> Linear -> ReLU -> new global
    g_in = jnp.concatenate([jnp.mean(h_e, axis=0), jnp.mean(h_v, axis=0), global_attr], axis=0)
    g_new = jax.nn.relu(g_in @ W_gb + b_gb)
    # NodeBlock 2: cat(agg received h_e, h_v, new global) -> Linear -> ReLU -> Linear
    agg2 = jax.ops.segment_sum(h_e, receivers, num_segments=n)
    gn2 = jnp.broadcast_to(g_new[None, :], (n, g_new.shape[0]))
    node_in2 = jnp.concatenate([agg2, h_v, gn2], axis=1)
    h2 = jax.nn.relu(node_in2 @ W_n2a + b_n2a)
    out_nodes = h2 @ W_n2b + b_n2b
    return (out_nodes, g_new)

if __name__ == "__main__":
    import jax
    _d = setup_inputs()
    print(jax.jit(kernel)(*tuple(_d.values())))

</pallas_src>

<mosaic_0001>
#map = affine_map<(d0, d1) -> (0, 0)>
#map1 = affine_map<(d0, d1) -> (0)>
#map2 = affine_map<(d0, d1) -> (0, 0, 0)>
module attributes {stable_mosaic.version = 14 : i64} {
  func.func @k(%arg0: i32, %arg1: i32, %arg2: memref<10000x128xf32, #tpu.memory_space<hbm>>, %arg3: memref<320000x64xf32, #tpu.memory_space<hbm>>, %arg4: memref<320000xi32, #tpu.memory_space<hbm>>, %arg5: memref<320000xi32, #tpu.memory_space<hbm>>, %arg6: memref<2x10240x128xf32, #tpu.memory_space<hbm>>, %arg7: memref<1x80xi32, #tpu.memory_space<vmem>>, %arg8: memref<1x80xi32, #tpu.memory_space<vmem>>, %arg9: memref<1x80xi32, #tpu.memory_space<vmem>>, %arg10: memref<1x80xi32, #tpu.memory_space<vmem>>, %arg11: memref<80x64xf32, #tpu.memory_space<vmem>>, %arg12: memref<80x128xf32, #tpu.memory_space<vmem>>, %arg13: memref<80x128xf32, #tpu.memory_space<vmem>>, %arg14: memref<128x128xf32, #tpu.memory_space<vmem>>, %arg15: memref<10240x128xf32, #tpu.memory_space<vmem_shared>>, %arg16: memref<!tpu.dma_semaphore, #tpu.memory_space<semaphore_mem>>, %arg17: memref<!tpu.dma_semaphore, #tpu.memory_space<semaphore_mem>>, %arg18: memref<!tpu.dma_semaphore, #tpu.memory_space<semaphore_mem>>, %arg19: memref<!tpu.dma_semaphore, #tpu.memory_space<semaphore_mem>>, %arg20: memref<!tpu.dma_semaphore, #tpu.memory_space<semaphore_mem>>, %arg21: memref<!tpu.dma_semaphore, #tpu.memory_space<semaphore_mem>>, %arg22: memref<!tpu.dma_semaphore, #tpu.memory_space<semaphore_mem>>) attributes {dimension_semantics = [#tpu.dimension_semantics<core_parallel>, #tpu.dimension_semantics<subcore_parallel>], iteration_bounds = array<i64: 2, 16>, scalar_prefetch = 0 : i64, scratch_operands = 16 : i64, tpu.core_type = #tpu.core_type<sc_vector_subcore>, window_params = [{transform_indices = #map}, {transform_indices = #map}, {transform_indices = #map1}, {transform_indices = #map1}, {transform_indices = #map2}]} {
    %mul3A = arith.constant 2 : i32
    %mul3A_0 = arith.muli %arg1, %mul3A : i32
    %add3A = arith.addi %mul3A_0, %arg0 : i32
    %mul3A_1 = arith.constant 10000 : i32
    %mul3A_2 = arith.muli %add3A, %mul3A_1 : i32
    %scan3A = arith.constant 0 : i32
    %scan3A_3 = arith.constant 0 : i32
    %scan3A_4 = arith.constant 128 : i32
    %scan3A_5 = arith.addi %scan3A_3, %scan3A_4 : i32
    %scan3A_6 = arith.constant 1 : i32
    scf.for %scan3A_300 = %scan3A_3 to %scan3A_5 step %scan3A_6  : i32 {
      %broadcast_in_dim3A = arith.constant 0.000000e+00 : f32
      %broadcast_in_dim3A_301 = vector.broadcast %broadcast_in_dim3A : f32 to vector<16xf32>
      %swap3A = arith.index_cast %scan3A_300 : i32 to index
      %swap3A_302 = arith.constant 0 : index
      %swap3A_303 = tpu.vector_load %arg14[%swap3A, %swap3A_302] {strides = array<i32>} : memref<128x128xf32, #tpu.memory_space<vmem>>, vector<1x16xf32>,
      %swap3A_304 = vector.shape_cast %swap3A_303 : vector<1x16xf32> to vector<16xf32>
      %swap3A_305 = vector.shape_cast %broadcast_in_dim3A_301 : vector<16xf32> to vector<1x16xf32>
      tpu.vector_store %arg14[%swap3A, %swap3A_302], %swap3A_305 {strides = array<i32>} : memref<128x128xf32, #tpu.memory_space<vmem>>, vector<1x16xf32>,
      %broadcast_in_dim3A_306 = arith.constant 0.000000e+00 : f32
      %broadcast_in_dim3A_307 = vector.broadcast %broadcast_in_dim3A_306 : f32 to vector<16xf32>
      %swap3A_308 = arith.index_cast %scan3A_300 : i32 to index
      %swap3A_309 = arith.constant 16 : index
      %swap3A_310 = tpu.vector_load %arg14[%swap3A_308, %swap3A_309] {strides = array<i32>} : memref<128x128xf32, #tpu.memory_space<vmem>>, vector<1x16xf32>,
      %swap3A_311 = vector.shape_cast %swap3A_310 : vector<1x16xf32> to vector<16xf32>
      %swap3A_312 = vector.shape_cast %broadcast_in_dim3A_307 : vector<16xf32> to vector<1x16xf32>
      tpu.vector_store %arg14[%swap3A_308, %swap3A_309], %swap3A_312 {strides = array<i32>} : memref<128x128xf32, #tpu.memory_space<vmem>>, vector<1x16xf32>,
      %broadcast_in_dim3A_313 = arith.constant 0.000000e+00 : f32
      %broadcast_in_dim3A_314 = vector.broadcast %broadcast_in_dim3A_313 : f32 to vector<16xf32>
      %swap3A_315 = arith.index_cast %scan3A_300 : i32 to index
      %swap3A_316 = arith.constant 32 : index
      %swap3A_317 = tpu.vector_load %arg14[%swap3A_315, %swap3A_316] {strides = array<i32>} : memref<128x128xf32, #tpu.memory_space<vmem>>, vector<1x16xf32>,
      %swap3A_318 = vector.shape_cast %swap3A_317 : vector<1x16xf32> to vector<16xf32>
      %swap3A_319 = vector.shape_cast %broadcast_in_dim3A_314 : vector<16xf32> to vector<1x16xf32>
      tpu.vector_store %arg14[%swap3A_315, %swap3A_316], %swap3A_319 {strides = array<i32>} : memref<128x128xf32, #tpu.memory_space<vmem>>, vector<1x16xf32>,
      %broadcast_in_dim3A_320 = arith.constant 0.000000e+00 : f32
      %broadcast_in_dim3A_321 = vector.broadcast %broadcast_in_dim3A_320 : f32 to vector<16xf32>
      %swap3A_322 = arith.index_cast %scan3A_300 : i32 to index
      %swap3A_323 = arith.constant 48 : index
      %swap3A_324 = tpu.vector_load %arg14[%swap3A_322, %swap3A_323] {strides = array<i32>} : memref<128x128xf32, #tpu.memory_space<vmem>>, vector<1x16xf32>,
      %swap3A_325 = vector.shape_cast %swap3A_324 : vector<1x16xf32> to vector<16xf32>
      %swap3A_326 = vector.shape_cast %broadcast_in_dim3A_321 : vector<16xf32> to vector<1x16xf32>
      tpu.vector_store %arg14[%swap3A_322, %swap3A_323], %swap3A_326 {strides = array<i32>} : memref<128x128xf32, #tpu.memory_space<vmem>>, vector<1x16xf32>,
      %broadcast_in_dim3A_327 = arith.constant 0.000000e+00 : f32
      %broadcast_in_dim3A_328 = vector.broadcast %broadcast_in_dim3A_327 : f32 to vector<16xf32>
      %swap3A_329 = arith.index_cast %scan3A_300 : i32 to index
      %swap3A_330 = arith.constant 64 : index
      %swap3A_331 = tpu.vector_load %arg14[%swap3A_329, %swap3A_330] {strides = array<i32>} : memref<128x128xf32, #tpu.memory_space<vmem>>, vector<1x16xf32>,
      %swap3A_332 = vector.shape_cast %swap3A_331 : vector<1x16xf32> to vector<16xf32>
      %swap3A_333 = vector.shape_cast %broadcast_in_dim3A_328 : vector<16xf32> to vector<1x16xf32>
      tpu.vector_store %arg14[%swap3A_329, %swap3A_330], %swap3A_333 {strides = array<i32>} : memref<128x128xf32, #tpu.memory_space<vmem>>, vector<1x16xf32>,
      %broadcast_in_dim3A_334 = arith.constant 0.000000e+00 : f32
      %broadcast_in_dim3A_335 = vector.broadcast %broadcast_in_dim3A_334 : f32 to vector<16xf32>
      %swap3A_336 = arith.index_cast %scan3A_300 : i32 to index
      %swap3A_337 = arith.constant 80 : index
      %swap3A_338 = tpu.vector_load %arg14[%swap3A_336, %swap3A_337] {strides = array<i32>} : memref<128x128xf32, #tpu.memory_space<vmem>>, vector<1x16xf32>,
      %swap3A_339 = vector.shape_cast %swap3A_338 : vector<1x16xf32> to vector<16xf32>
      %swap3A_340 = vector.shape_cast %broadcast_in_dim3A_335 : vector<16xf32> to vector<1x16xf32>
      tpu.vector_store %arg14[%swap3A_336, %swap3A_337], %swap3A_340 {strides = array<i32>} : memref<128x128xf32, #tpu.memory_space<vmem>>, vector<1x16xf32>,
      %broadcast_in_dim3A_341 = arith.constant 0.000000e+00 : f32
      %broadcast_in_dim3A_342 = vector.broadcast %broadcast_in_dim3A_341 : f32 to vector<16xf32>
      %swap3A_343 = arith.index_cast %scan3A_300 : i32 to index
      %swap3A_344 = arith.constant 96 : index
      %swap3A_345 = tpu.vector_load %arg14[%swap3A_343, %swap3A_344] {strides = array<i32>} : memref<128x128xf32, #tpu.memory_space<vmem>>, vector<1x16xf32>,
      %swap3A_346 = vector.shape_cast %swap3A_345 : vector<1x16xf32> to vector<16xf32>
      %swap3A_347 = vector.shape_cast %broadcast_in_dim3A_342 : vector<16xf32> to vector<1x16xf32>
      tpu.vector_store %arg14[%swap3A_343, %swap3A_344], %swap3A_347 {strides = array<i32>} : memref<128x128xf32, #tpu.memory_space<vmem>>, vector<1x16xf32>,
      %broadcast_in_dim3A_348 = arith.constant 0.000000e+00 : f32
      %broadcast_in_dim3A_349 = vector.broadcast %broadcast_in_dim3A_348 : f32 to vector<16xf32>
      %swap3A_350 = arith.index_cast %scan3A_300 : i32 to index
      %swap3A_351 = arith.constant 112 : index
      %swap3A_352 = tpu.vector_load %arg14[%swap3A_350, %swap3A_351] {strides = array<i32>} : memref<128x128xf32, #tpu.memory_space<vmem>>, vector<1x16xf32>,
      %swap3A_353 = vector.shape_cast %swap3A_352 : vector<1x16xf32> to vector<16xf32>
      %swap3A_354 = vector.shape_cast %broadcast_in_dim3A_349 : vector<16xf32> to vector<1x16xf32>
      tpu.vector_store %arg14[%swap3A_350, %swap3A_351], %swap3A_354 {strides = array<i32>} : memref<128x128xf32, #tpu.memory_space<vmem>>, vector<1x16xf32>,
    }
    %scan3A_7 = arith.constant 128 : i32
    %scan3A_8 = arith.constant 0 : i32
    %scan3A_9 = arith.constant 0 : i32
    %scan3A_10 = arith.constant 80 : i32
    %scan3A_11 = arith.addi %scan3A_9, %scan3A_10 : i32
    %scan3A_12 = arith.constant 1 : i32
    scf.for %scan3A_300 = %scan3A_9 to %scan3A_11 step %scan3A_12  : i32 {
      %broadcast_in_dim3A = arith.constant 0.000000e+00 : f32
      %broadcast_in_dim3A_301 = vector.broadcast %broadcast_in_dim3A : f32 to vector<16xf32>
      %swap3A = arith.index_cast %scan3A_300 : i32 to index
      %swap3A_302 = arith.constant 64 : index
      %swap3A_303 = tpu.vector_load %arg13[%swap3A, %swap3A_302] {strides = array<i32>} : memref<80x128xf32, #tpu.memory_space<vmem>>, vector<1x16xf32>,
      %swap3A_304 = vector.shape_cast %swap3A_303 : vector<1x16xf32> to vector<16xf32>
      %swap3A_305 = vector.shape_cast %broadcast_in_dim3A_301 : vector<16xf32> to vector<1x16xf32>
      tpu.vector_store %arg13[%swap3A, %swap3A_302], %swap3A_305 {strides = array<i32>} : memref<80x128xf32, #tpu.memory_space<vmem>>, vector<1x16xf32>,
      %broadcast_in_dim3A_306 = arith.constant 0.000000e+00 : f32
      %broadcast_in_dim3A_307 = vector.broadcast %broadcast_in_dim3A_306 : f32 to vector<16xf32>
      %swap3A_308 = arith.index_cast %scan3A_300 : i32 to index
      %swap3A_309 = arith.constant 80 : index
      %swap3A_310 = tpu.vector_load %arg13[%swap3A_308, %swap3A_309] {strides = array<i32>} : memref<80x128xf32, #tpu.memory_space<vmem>>, vector<1x16xf32>,
      %swap3A_311 = vector.shape_cast %swap3A_310 : vector<1x16xf32> to vector<16xf32>
      %swap3A_312 = vector.shape_cast %broadcast_in_dim3A_307 : vector<16xf32> to vector<1x16xf32>
      tpu.vector_store %arg13[%swap3A_308, %swap3A_309], %swap3A_312 {strides = array<i32>} : memref<80x128xf32, #tpu.memory_space<vmem>>, vector<1x16xf32>,
      %broadcast_in_dim3A_313 = arith.constant 0.000000e+00 : f32
      %broadcast_in_dim3A_314 = vector.broadcast %broadcast_in_dim3A_313 : f32 to vector<16xf32>
      %swap3A_315 = arith.index_cast %scan3A_300 : i32 to index
      %swap3A_316 = arith.constant 96 : index
      %swap3A_317 = tpu.vector_load %arg13[%swap3A_315, %swap3A_316] {strides = array<i32>} : memref<80x128xf32, #tpu.memory_space<vmem>>, vector<1x16xf32>,
      %swap3A_318 = vector.shape_cast %swap3A_317 : vector<1x16xf32> to vector<16xf32>
      %swap3A_319 = vector.shape_cast %broadcast_in_dim3A_314 : vector<16xf32> to vector<1x16xf32>
      tpu.vector_store %arg13[%swap3A_315, %swap3A_316], %swap3A_319 {strides = array<i32>} : memref<80x128xf32, #tpu.memory_space<vmem>>, vector<1x16xf32>,
      %broadcast_in_dim3A_320 = arith.constant 0.000000e+00 : f32
      %broadcast_in_dim3A_321 = vector.broadcast %broadcast_in_dim3A_320 : f32 to vector<16xf32>
      %swap3A_322 = arith.index_cast %scan3A_300 : i32 to index
      %swap3A_323 = arith.constant 112 : index
      %swap3A_324 = tpu.vector_load %arg13[%swap3A_322, %swap3A_323] {strides = array<i32>} : memref<80x128xf32, #tpu.memory_space<vmem>>, vector<1x16xf32>,
      %swap3A_325 = vector.shape_cast %swap3A_324 : vector<1x16xf32> to vector<16xf32>
      %swap3A_326 = vector.shape_cast %broadcast_in_dim3A_321 : vector<16xf32> to vector<1x16xf32>
      tpu.vector_store %arg13[%swap3A_322, %swap3A_323], %swap3A_326 {strides = array<i32>} : memref<80x128xf32, #tpu.memory_space<vmem>>, vector<1x16xf32>,
    }
    %scan3A_13 = arith.constant 80 : i32
    %mul3A_14 = arith.constant 640 : i32
    %mul3A_15 = arith.muli %arg1, %mul3A_14 : i32
    %add3A_16 = arith.constant 0 : i32
    %add3A_17 = arith.addi %mul3A_15, %add3A_16 : i32
    "tpu.region"() ({
      %run_scoped3A = tpu.sem_alloc : memref<!tpu.dma_semaphore, #tpu.memory_space<semaphore_mem>>
      %dma_start3A_300 = arith.constant 0 : i32
      %dma_start3A_301 = tpu.memref_slice %arg15[%add3A_17, %dma_start3A_300] : memref<10240x128xf32, #tpu.memory_space<vmem_shared>> -> memref<128x128xf32, #tpu.memory_space<vmem_shared>>
      %dma_start3A_302 = arith.constant 0 : i32
      %dma_start3A_303 = tpu.memref_slice %arg15[%add3A_17, %dma_start3A_302] : memref<10240x128xf32, #tpu.memory_space<vmem_shared>> -> memref<128x128xf32, #tpu.memory_space<vmem_shared>>
      tpu.enqueue_dma source(%arg14 : memref<128x128xf32, #tpu.memory_space<vmem>>) target(%dma_start3A_303 : memref<128x128xf32, #tpu.memory_space<vmem_shared>>) target_semaphore(%run_scoped3A : memref<!tpu.dma_semaphore, #tpu.memory_space<semaphore_mem>>)
      %dma_wait3A_304 = arith.constant 0 : i32
      %dma_wait3A_305 = tpu.memref_slice %arg15[%add3A_17, %dma_wait3A_304] : memref<10240x128xf32, #tpu.memory_space<vmem_shared>> -> memref<128x128xf32, #tpu.memory_space<vmem_shared>>
      %dma_wait3A_306 = arith.constant 0 : i32
      %dma_wait3A_307 = tpu.memref_slice %arg15[%add3A_17, %dma_wait3A_306] : memref<10240x128xf32, #tpu.memory_space<vmem_shared>> -> memref<128x128xf32, #tpu.memory_space<vmem_shared>>
      tpu.wait_dma2 semaphore(%run_scoped3A : memref<!tpu.dma_semaphore, #tpu.memory_space<semaphore_mem>>) src(%arg14 : memref<128x128xf32, #tpu.memory_space<vmem>>) dst(%dma_wait3A_307 : memref<128x128xf32, #tpu.memory_space<vmem_shared>>)
      tpu.yield
    }) : () -> ()
    %mul3A_18 = arith.constant 640 : i32
    %mul3A_19 = arith.muli %arg1, %mul3A_18 : i32
    %add3A_20 = arith.constant 128 : i32
    %add3A_21 = arith.addi %mul3A_19, %add3A_20 : i32
    "tpu.region"() ({
      %run_scoped3A = tpu.sem_alloc : memref<!tpu.dma_semaphore, #tpu.memory_space<semaphore_mem>>
      %dma_start3A_300 = arith.constant 0 : i32
      %dma_start3A_301 = tpu.memref_slice %arg15[%add3A_21, %dma_start3A_300] : memref<10240x128xf32, #tpu.memory_space<vmem_shared>> -> memref<128x128xf32, #tpu.memory_space<vmem_shared>>
      %dma_start3A_302 = arith.constant 0 : i32
      %dma_start3A_303 = tpu.memref_slice %arg15[%add3A_21, %dma_start3A_302] : memref<10240x128xf32, #tpu.memory_space<vmem_shared>> -> memref<128x128xf32, #tpu.memory_space<vmem_shared>>
      tpu.enqueue_dma source(%arg14 : memref<128x128xf32, #tpu.memory_space<vmem>>) target(%dma_start3A_303 : memref<128x128xf32, #tpu.memory_space<vmem_shared>>) target_semaphore(%run_scoped3A : memref<!tpu.dma_semaphore, #tpu.memory_space<semaphore_mem>>)
      %dma_wait3A_304 = arith.constant 0 : i32
      %dma_wait3A_305 = tpu.memref_slice %arg15[%add3A_21, %dma_wait3A_304] : memref<10240x128xf32, #tpu.memory_space<vmem_shared>> -> memref<128x128xf32, #tpu.memory_space<vmem_shared>>
      %dma_wait3A_306 = arith.constant 0 : i32
      %dma_wait3A_307 = tpu.memref_slice %arg15[%add3A_21, %dma_wait3A_306] : memref<10240x128xf32, #tpu.memory_space<vmem_shared>> -> memref<128x128xf32, #tpu.memory_space<vmem_shared>>
      tpu.wait_dma2 semaphore(%run_scoped3A : memref<!tpu.dma_semaphore, #tpu.memory_space<semaphore_mem>>) src(%arg14 : memref<128x128xf32, #tpu.memory_space<vmem>>) dst(%dma_wait3A_307 : memref<128x128xf32, #tpu.memory_space<vmem_shared>>)
      tpu.yield
    }) : () -> ()
    %mul3A_22 = arith.constant 640 : i32
    %mul3A_23 = arith.muli %arg1, %mul3A_22 : i32
    %add3A_24 = arith.constant 256 : i32
    %add3A_25 = arith.addi %mul3A_23, %add3A_24 : i32
    "tpu.region"() ({
      %run_scoped3A = tpu.sem_alloc : memref<!tpu.dma_semaphore, #tpu.memory_space<semaphore_mem>>
      %dma_start3A_300 = arith.constant 0 : i32
      %dma_start3A_301 = tpu.memref_slice %arg15[%add3A_25, %dma_start3A_300] : memref<10240x128xf32, #tpu.memory_space<vmem_shared>> -> memref<128x128xf32, #tpu.memory_space<vmem_shared>>
      %dma_start3A_302 = arith.constant 0 : i32
      %dma_start3A_303 = tpu.memref_slice %arg15[%add3A_25, %dma_start3A_302] : memref<10240x128xf32, #tpu.memory_space<vmem_shared>> -> memref<128x128xf32, #tpu.memory_space<vmem_shared>>
      tpu.enqueue_dma source(%arg14 : memref<128x128xf32, #tpu.memory_space<vmem>>) target(%dma_start3A_303 : memref<128x128xf32, #tpu.memory_space<vmem_shared>>) target_semaphore(%run_scoped3A : memref<!tpu.dma_semaphore, #tpu.memory_space<semaphore_mem>>)
      %dma_wait3A_304 = arith.constant 0 : i32
      %dma_wait3A_305 = tpu.memref_slice %arg15[%add3A_25, %dma_wait3A_304] : memref<10240x128xf32, #tpu.memory_space<vmem_shared>> -> memref<128x128xf32, #tpu.memory_space<vmem_shared>>
      %dma_wait3A_306 = arith.constant 0 : i32
      %dma_wait3A_307 = tpu.memref_slice %arg15[%add3A_25, %dma_wait3A_306] : memref<10240x128xf32, #tpu.memory_space<vmem_shared>> -> memref<128x128xf32, #tpu.memory_space<vmem_shared>>
      tpu.wait_dma2 semaphore(%run_scoped3A : memref<!tpu.dma_semaphore, #tpu.memory_space<semaphore_mem>>) src(%arg14 : memref<128x128xf32, #tpu.memory_space<vmem>>) dst(%dma_wait3A_307 : memref<128x128xf32, #tpu.memory_space<vmem_shared>>)
      tpu.yield
    }) : () -> ()
    %mul3A_26 = arith.constant 640 : i32
    %mul3A_27 = arith.muli %arg1, %mul3A_26 : i32
    %add3A_28 = arith.constant 384 : i32
    %add3A_29 = arith.addi %mul3A_27, %add3A_28 : i32
    "tpu.region"() ({
      %run_scoped3A = tpu.sem_alloc : memref<!tpu.dma_semaphore, #tpu.memory_space<semaphore_mem>>
      %dma_start3A_300 = arith.constant 0 : i32
      %dma_start3A_301 = tpu.memref_slice %arg15[%add3A_29, %dma_start3A_300] : memref<10240x128xf32, #tpu.memory_space<vmem_shared>> -> memref<128x128xf32, #tpu.memory_space<vmem_shared>>
      %dma_start3A_302 = arith.constant 0 : i32
      %dma_start3A_303 = tpu.memref_slice %arg15[%add3A_29, %dma_start3A_302] : memref<10240x128xf32, #tpu.memory_space<vmem_shared>> -> memref<128x128xf32, #tpu.memory_space<vmem_shared>>
      tpu.enqueue_dma source(%arg14 : memref<128x128xf32, #tpu.memory_space<vmem>>) target(%dma_start3A_303 : memref<128x128xf32, #tpu.memory_space<vmem_shared>>) target_semaphore(%run_scoped3A : memref<!tpu.dma_semaphore, #tpu.memory_space<semaphore_mem>>)
      %dma_wait3A_304 = arith.constant 0 : i32
      %dma_wait3A_305 = tpu.memref_slice %arg15[%add3A_29, %dma_wait3A_304] : memref<10240x128xf32, #tpu.memory_space<vmem_shared>> -> memref<128x128xf32, #tpu.memory_space<vmem_shared>>
      %dma_wait3A_306 = arith.constant 0 : i32
      %dma_wait3A_307 = tpu.memref_slice %arg15[%add3A_29, %dma_wait3A_306] : memref<10240x128xf32, #tpu.memory_space<vmem_shared>> -> memref<128x128xf32, #tpu.memory_space<vmem_shared>>
      tpu.wait_dma2 semaphore(%run_scoped3A : memref<!tpu.dma_semaphore, #tpu.memory_space<semaphore_mem>>) src(%arg14 : memref<128x128xf32, #tpu.memory_space<vmem>>) dst(%dma_wait3A_307 : memref<128x128xf32, #tpu.memory_space<vmem_shared>>)
      tpu.yield
    }) : () -> ()
    %mul3A_30 = arith.constant 640 : i32
    %mul3A_31 = arith.muli %arg1, %mul3A_30 : i32
    %add3A_32 = arith.constant 512 : i32
    %add3A_33 = arith.addi %mul3A_31, %add3A_32 : i32
    "tpu.region"() ({
      %run_scoped3A = tpu.sem_alloc : memref<!tpu.dma_semaphore, #tpu.memory_space<semaphore_mem>>
      %dma_start3A_300 = arith.constant 0 : i32
      %dma_start3A_301 = tpu.memref_slice %arg15[%add3A_33, %dma_start3A_300] : memref<10240x128xf32, #tpu.memory_space<vmem_shared>> -> memref<128x128xf32, #tpu.memory_space<vmem_shared>>
      %dma_start3A_302 = arith.constant 0 : i32
      %dma_start3A_303 = tpu.memref_slice %arg15[%add3A_33, %dma_start3A_302] : memref<10240x128xf32, #tpu.memory_space<vmem_shared>> -> memref<128x128xf32, #tpu.memory_space<vmem_shared>>
      tpu.enqueue_dma source(%arg14 : memref<128x128xf32, #tpu.memory_space<vmem>>) target(%dma_start3A_303 : memref<128x128xf32, #tpu.memory_space<vmem_shared>>) target_semaphore(%run_scoped3A : memref<!tpu.dma_semaphore, #tpu.memory_space<semaphore_mem>>)
      %dma_wait3A_304 = arith.constant 0 : i32
      %dma_wait3A_305 = tpu.memref_slice %arg15[%add3A_33, %dma_wait3A_304] : memref<10240x128xf32, #tpu.memory_space<vmem_shared>> -> memref<128x128xf32, #tpu.memory_space<vmem_shared>>
      %dma_wait3A_306 = arith.constant 0 : i32
      %dma_wait3A_307 = tpu.memref_slice %arg15[%add3A_33, %dma_wait3A_306] : memref<10240x128xf32, #tpu.memory_space<vmem_shared>> -> memref<128x128xf32, #tpu.memory_space<vmem_shared>>
      tpu.wait_dma2 semaphore(%run_scoped3A : memref<!tpu.dma_semaphore, #tpu.memory_space<semaphore_mem>>) src(%arg14 : memref<128x128xf32, #tpu.memory_space<vmem>>) dst(%dma_wait3A_307 : memref<128x128xf32, #tpu.memory_space<vmem_shared>>)
      tpu.yield
    }) : () -> ()
    %barrier3A = arith.constant 0 : index
    tpu.barrier barrier_id(%barrier3A)
    %add3A_34 = arith.constant 0 : i32
    %add3A_35 = arith.addi %mul3A_2, %add3A_34 : i32
    %dma_start3A = arith.constant 0 : i32
    %dma_start3A_36 = arith.constant 0 : i32
    %dma_start3A_37 = tpu.memref_slice %arg7[%dma_start3A, %dma_start3A_36] : memref<1x80xi32, #tpu.memory_space<vmem>> -> memref<1x80xi32, #tpu.memory_space<vmem>>
    %dma_start3A_38 = tpu.memref_squeeze %dma_start3A_37 : memref<1x80xi32, #tpu.memory_space<vmem>> -> memref<80xi32, #tpu.memory_space<vmem>>
    %dma_start3A_39 = tpu.memref_slice %arg4[%add3A_35] : memref<320000xi32, #tpu.memory_space<hbm>> -> memref<80xi32, #tpu.memory_space<hbm>>
    %dma_start3A_40 = arith.constant 0 : i32
    %dma_start3A_41 = tpu.memref_slice %arg7[%dma_start3A, %dma_start3A_40] : memref<1x80xi32, #tpu.memory_space<vmem>> -> memref<1x80xi32, #tpu.memory_space<vmem>>
    %dma_start3A_42 = tpu.memref_squeeze %dma_start3A_41 : memref<1x80xi32, #tpu.memory_space<vmem>> -> memref<80xi32, #tpu.memory_space<vmem>>
    %dma_start3A_43 = tpu.memref_slice %arg4[%add3A_35] : memref<320000xi32, #tpu.memory_space<hbm>> -> memref<80xi32, #tpu.memory_space<hbm>>
    tpu.enqueue_dma source(%dma_start3A_43 : memref<80xi32, #tpu.memory_space<hbm>>) target(%dma_start3A_42 : memref<80xi32, #tpu.memory_space<vmem>>) target_semaphore(%arg18 : memref<!tpu.dma_semaphore, #tpu.memory_space<semaphore_mem>>)
    %add3A_44 = arith.constant 0 : i32
    %add3A_45 = arith.addi %mul3A_2, %add3A_44 : i32
    %dma_start3A_46 = arith.constant 0 : i32
    %dma_start3A_47 = arith.constant 0 : i32
    %dma_start3A_48 = tpu.memref_slice %arg9[%dma_start3A_46, %dma_start3A_47] : memref<1x80xi32, #tpu.memory_space<vmem>> -> memref<1x80xi32, #tpu.memory_space<vmem>>
    %dma_start3A_49 = tpu.memref_squeeze %dma_start3A_48 : memref<1x80xi32, #tpu.memory_space<vmem>> -> memref<80xi32, #tpu.memory_space<vmem>>
    %dma_start3A_50 = tpu.memref_slice %arg5[%add3A_45] : memref<320000xi32, #tpu.memory_space<hbm>> -> memref<80xi32, #tpu.memory_space<hbm>>
    %dma_start3A_51 = arith.constant 0 : i32
    %dma_start3A_52 = tpu.memref_slice %arg9[%dma_start3A_46, %dma_start3A_51] : memref<1x80xi32, #tpu.memory_space<vmem>> -> memref<1x80xi32, #tpu.memory_space<vmem>>
    %dma_start3A_53 = tpu.memref_squeeze %dma_start3A_52 : memref<1x80xi32, #tpu.memory_space<vmem>> -> memref<80xi32, #tpu.memory_space<vmem>>
    %dma_start3A_54 = tpu.memref_slice %arg5[%add3A_45] : memref<320000xi32, #tpu.memory_space<hbm>> -> memref<80xi32, #tpu.memory_space<hbm>>
    tpu.enqueue_dma source(%dma_start3A_54 : memref<80xi32, #tpu.memory_space<hbm>>) target(%dma_start3A_53 : memref<80xi32, #tpu.memory_space<vmem>>) target_semaphore(%arg20 : memref<!tpu.dma_semaphore, #tpu.memory_space<semaphore_mem>>)
    %add3A_55 = arith.constant 80 : i32
    %add3A_56 = arith.addi %mul3A_2, %add3A_55 : i32
    %dma_start3A_57 = arith.constant 0 : i32
    %dma_start3A_58 = arith.constant 0 : i32
    %dma_start3A_59 = tpu.memref_slice %arg8[%dma_start3A_57, %dma_start3A_58] : memref<1x80xi32, #tpu.memory_space<vmem>> -> memref<1x80xi32, #tpu.memory_space<vmem>>
    %dma_start3A_60 = tpu.memref_squeeze %dma_start3A_59 : memref<1x80xi32, #tpu.memory_space<vmem>> -> memref<80xi32, #tpu.memory_space<vmem>>
    %dma_start3A_61 = tpu.memref_slice %arg4[%add3A_56] : memref<320000xi32, #tpu.memory_space<hbm>> -> memref<80xi32, #tpu.memory_space<hbm>>
    %dma_start3A_62 = arith.constant 0 : i32
    %dma_start3A_63 = tpu.memref_slice %arg8[%dma_start3A_57, %dma_start3A_62] : memref<1x80xi32, #tpu.memory_space<vmem>> -> memref<1x80xi32, #tpu.memory_space<vmem>>
    %dma_start3A_64 = tpu.memref_squeeze %dma_start3A_63 : memref<1x80xi32, #tpu.memory_space<vmem>> -> memref<80xi32, #tpu.memory_space<vmem>>
    %dma_start3A_65 = tpu.memref_slice %arg4[%add3A_56] : memref<320000xi32, #tpu.memory_space<hbm>> -> memref<80xi32, #tpu.memory_space<hbm>>
    tpu.enqueue_dma source(%dma_start3A_65 : memref<80xi32, #tpu.memory_space<hbm>>) target(%dma_start3A_64 : memref<80xi32, #tpu.memory_space<vmem>>) target_semaphore(%arg19 : memref<!tpu.dma_semaphore, #tpu.memory_space<semaphore_mem>>)
    %add3A_66 = arith.constant 80 : i32
    %add3A_67 = arith.addi %mul3A_2, %add3A_66 : i32
    %dma_start3A_68 = arith.constant 0 : i32
    %dma_start3A_69 = arith.constant 0 : i32
    %dma_start3A_70 = tpu.memref_slice %arg10[%dma_start3A_68, %dma_start3A_69] : memref<1x80xi32, #tpu.memory_space<vmem>> -> memref<1x80xi32, #tpu.memory_space<vmem>>
    %dma_start3A_71 = tpu.memref_squeeze %dma_start3A_70 : memref<1x80xi32, #tpu.memory_space<vmem>> -> memref<80xi32, #tpu.memory_space<vmem>>
    %dma_start3A_72 = tpu.memref_slice %arg5[%add3A_67] : memref<320000xi32, #tpu.memory_space<hbm>> -> memref<80xi32, #tpu.memory_space<hbm>>
    %dma_start3A_73 = arith.constant 0 : i32
    %dma_start3A_74 = tpu.memref_slice %arg10[%dma_start3A_68, %dma_start3A_73] : memref<1x80xi32, #tpu.memory_space<vmem>> -> memref<1x80xi32, #tpu.memory_space<vmem>>
    %dma_start3A_75 = tpu.memref_squeeze %dma_start3A_74 : memref<1x80xi32, #tpu.memory_space<vmem>> -> memref<80xi32, #tpu.memory_space<vmem>>
    %dma_start3A_76 = tpu.memref_slice %arg5[%add3A_67] : memref<320000xi32, #tpu.memory_space<hbm>> -> memref<80xi32, #tpu.memory_space<hbm>>
    tpu.enqueue_dma source(%dma_start3A_76 : memref<80xi32, #tpu.memory_space<hbm>>) target(%dma_start3A_75 : memref<80xi32, #tpu.memory_space<vmem>>) target_semaphore(%arg21 : memref<!tpu.dma_semaphore, #tpu.memory_space<semaphore_mem>>)
    %dma_wait3A = arith.constant 0 : i32
    %dma_wait3A_77 = arith.constant 0 : i32
    %dma_wait3A_78 = tpu.memref_slice %arg7[%dma_wait3A, %dma_wait3A_77] : memref<1x80xi32, #tpu.memory_space<vmem>> -> memref<1x80xi32, #tpu.memory_space<vmem>>
    %dma_wait3A_79 = tpu.memref_squeeze %dma_wait3A_78 : memref<1x80xi32, #tpu.memory_space<vmem>> -> memref<80xi32, #tpu.memory_space<vmem>>
    %dma_wait3A_80 = arith.constant 0 : i32
    %dma_wait3A_81 = tpu.memref_slice %arg4[%dma_wait3A_80] : memref<320000xi32, #tpu.memory_space<hbm>> -> memref<80xi32, #tpu.memory_space<hbm>>
    %dma_wait3A_82 = arith.constant 0 : i32
    %dma_wait3A_83 = tpu.memref_slice %arg7[%dma_wait3A, %dma_wait3A_82] : memref<1x80xi32, #tpu.memory_space<vmem>> -> memref<1x80xi32, #tpu.memory_space<vmem>>
    %dma_wait3A_84 = tpu.memref_squeeze %dma_wait3A_83 : memref<1x80xi32, #tpu.memory_space<vmem>> -> memref<80xi32, #tpu.memory_space<vmem>>
    %dma_wait3A_85 = arith.constant 0 : i32
    %dma_wait3A_86 = tpu.memref_slice %arg4[%dma_wait3A_85] : memref<320000xi32, #tpu.memory_space<hbm>> -> memref<80xi32, #tpu.memory_space<hbm>>
    tpu.wait_dma2 semaphore(%arg18 : memref<!tpu.dma_semaphore, #tpu.memory_space<semaphore_mem>>) src(%dma_wait3A_86 : memref<80xi32, #tpu.memory_space<hbm>>) dst(%dma_wait3A_84 : memref<80xi32, #tpu.memory_space<vmem>>)
    %add3A_87 = arith.constant 0 : i32
    %add3A_88 = arith.addi %mul3A_2, %add3A_87 : i32
    %dma_start3A_89 = arith.constant 0 : i32
    %dma_start3A_90 = tpu.memref_slice %arg3[%add3A_88, %dma_start3A_89] : memref<320000x64xf32, #tpu.memory_space<hbm>> -> memref<80x64xf32, #tpu.memory_space<hbm>>
    %dma_start3A_91 = arith.constant 0 : i32
    %dma_start3A_92 = tpu.memref_slice %arg3[%add3A_88, %dma_start3A_91] : memref<320000x64xf32, #tpu.memory_space<hbm>> -> memref<80x64xf32, #tpu.memory_space<hbm>>
    tpu.enqueue_dma source(%dma_start3A_92 : memref<80x64xf32, #tpu.memory_space<hbm>>) target(%arg11 : memref<80x64xf32, #tpu.memory_space<vmem>>) target_semaphore(%arg16 : memref<!tpu.dma_semaphore, #tpu.memory_space<semaphore_mem>>)
    %dma_start3A_93 = arith.constant 0 : i32
    %dma_start3A_94 = arith.constant 0 : i32
    %dma_start3A_95 = tpu.memref_slice %arg7[%dma_start3A_93, %dma_start3A_94] : memref<1x80xi32, #tpu.memory_space<vmem>> -> memref<1x80xi32, #tpu.memory_space<vmem>>
    %dma_start3A_96 = tpu.memref_squeeze %dma_start3A_95 : memref<1x80xi32, #tpu.memory_space<vmem>> -> memref<80xi32, #tpu.memory_space<vmem>>
    %dma_start3A_97 = arith.constant 0 : i32
    %dma_start3A_98 = arith.constant 0 : i32
    %dma_start3A_99 = tpu.memref_slice %arg2[%dma_start3A_97, %dma_start3A_98] : memref<10000x128xf32, #tpu.memory_space<hbm>> -> memref<10000x128xf32, #tpu.memory_space<hbm>>
    tpu.enqueue_indirect_dma source(%dma_start3A_99 : memref<10000x128xf32, #tpu.memory_space<hbm>>) target(%arg12 : memref<80x128xf32, #tpu.memory_space<vmem>>) offsets(%dma_start3A_96 : memref<80xi32, #tpu.memory_space<vmem>>) semaphore(%arg17 : memref<!tpu.dma_semaphore, #tpu.memory_space<semaphore_mem>>)
    %add3A_100 = arith.constant 0 : i32
    %add3A_101 = arith.addi %mul3A_2, %add3A_100 : i32
    %dma_wait3A_102 = arith.constant 0 : i32
    %dma_wait3A_103 = tpu.memref_slice %arg3[%add3A_101, %dma_wait3A_102] : memref<320000x64xf32, #tpu.memory_space<hbm>> -> memref<80x64xf32, #tpu.memory_space<hbm>>
    %dma_wait3A_104 = arith.constant 0 : i32
    %dma_wait3A_105 = tpu.memref_slice %arg3[%add3A_101, %dma_wait3A_104] : memref<320000x64xf32, #tpu.memory_space<hbm>> -> memref<80x64xf32, #tpu.memory_space<hbm>>
    tpu.wait_dma2 semaphore(%arg16 : memref<!tpu.dma_semaphore, #tpu.memory_space<semaphore_mem>>) src(%dma_wait3A_105 : memref<80x64xf32, #tpu.memory_space<hbm>>) dst(%arg11 : memref<80x64xf32, #tpu.memory_space<vmem>>)
    %dma_wait3A_106 = arith.constant 0 : i32
    %dma_wait3A_107 = arith.constant 0 : i32
    %dma_wait3A_108 = tpu.memref_slice %arg2[%dma_wait3A_106, %dma_wait3A_107] : memref<10000x128xf32, #tpu.memory_space<hbm>> -> memref<80x128xf32, #tpu.memory_space<hbm>>
    %dma_wait3A_109 = arith.constant 0 : i32
    %dma_wait3A_110 = arith.constant 0 : i32
    %dma_wait3A_111 = tpu.memref_slice %arg2[%dma_wait3A_109, %dma_wait3A_110] : memref<10000x128xf32, #tpu.memory_space<hbm>> -> memref<80x128xf32, #tpu.memory_space<hbm>>
    tpu.wait_dma2 semaphore(%arg17 : memref<!tpu.dma_semaphore, #tpu.memory_space<semaphore_mem>>) src(%dma_wait3A_111 : memref<80x128xf32, #tpu.memory_space<hbm>>) dst(%arg12 : memref<80x128xf32, #tpu.memory_space<vmem>>)
    %parallel_loop3A = arith.constant 0 : i32
    %parallel_loop3A_112 = arith.constant 80 : i32
    %parallel_loop3A_113 = arith.constant 1 : i32
    scf.for %parallel_loop3A_300 = %parallel_loop3A to %parallel_loop3A_112 step %parallel_loop3A_113  : i32 {
      %parallel_loop3A_301 = arith.index_cast %parallel_loop3A_300 : i32 to index
      %parallel_loop3A_302 = arith.constant 0 : index
      %parallel_loop3A_303 = tpu.vector_load %arg11[%parallel_loop3A_301, %parallel_loop3A_302] {strides = array<i32>} : memref<80x64xf32, #tpu.memory_space<vmem>>, vector<1x16xf32>,
      %parallel_loop3A_304 = vector.shape_cast %parallel_loop3A_303 : vector<1x16xf32> to vector<16xf32>
      %parallel_loop3A_305 = arith.index_cast %parallel_loop3A_300 : i32 to index
      %parallel_loop3A_306 = arith.constant 0 : index
      %parallel_loop3A_307 = tpu.vector_load %arg12[%parallel_loop3A_305, %parallel_loop3A_306] {strides = array<i32>} : memref<80x128xf32, #tpu.memory_space<vmem>>, vector<1x16xf32>,
      %parallel_loop3A_308 = vector.shape_cast %parallel_loop3A_307 : vector<1x16xf32> to vector<16xf32>
      %parallel_loop3A_309 = arith.addf %parallel_loop3A_304, %parallel_loop3A_308 : vector<16xf32>
      %parallel_loop3A_310 = arith.constant 0.000000e+00 : f32
      %parallel_loop3A_311 = vector.broadcast %parallel_loop3A_310 : f32 to vector<16xf32>
      %parallel_loop3A_312 = arith.maximumf %parallel_loop3A_309, %parallel_loop3A_311 : vector<16xf32>
      %parallel_loop3A_313 = arith.index_cast %parallel_loop3A_300 : i32 to index
      %parallel_loop3A_314 = arith.constant 0 : index
      %parallel_loop3A_315 = tpu.vector_load %arg13[%parallel_loop3A_313, %parallel_loop3A_314] {strides = array<i32>} : memref<80x128xf32, #tpu.memory_space<vmem>>, vector<1x16xf32>,
      %parallel_loop3A_316 = vector.shape_cast %parallel_loop3A_315 : vector<1x16xf32> to vector<16xf32>
      %parallel_loop3A_317 = vector.shape_cast %parallel_loop3A_312 : vector<16xf32> to vector<1x16xf32>
      tpu.vector_store %arg13[%parallel_loop3A_313, %parallel_loop3A_314], %parallel_loop3A_317 {strides = array<i32>} : memref<80x128xf32, #tpu.memory_space<vmem>>, vector<1x16xf32>,
      %parallel_loop3A_318 = arith.index_cast %parallel_loop3A_300 : i32 to index
      %parallel_loop3A_319 = arith.constant 16 : index
      %parallel_loop3A_320 = tpu.vector_load %arg11[%parallel_loop3A_318, %parallel_loop3A_319] {strides = array<i32>} : memref<80x64xf32, #tpu.memory_space<vmem>>, vector<1x16xf32>,
      %parallel_loop3A_321 = vector.shape_cast %parallel_loop3A_320 : vector<1x16xf32> to vector<16xf32>
      %parallel_loop3A_322 = arith.index_cast %parallel_loop3A_300 : i32 to index
      %parallel_loop3A_323 = arith.constant 16 : index
      %parallel_loop3A_324 = tpu.vector_load %arg12[%parallel_loop3A_322, %parallel_loop3A_323] {strides = array<i32>} : memref<80x128xf32, #tpu.memory_space<vmem>>, vector<1x16xf32>,
      %parallel_loop3A_325 = vector.shape_cast %parallel_loop3A_324 : vector<1x16xf32> to vector<16xf32>
      %parallel_loop3A_326 = arith.addf %parallel_loop3A_321, %parallel_loop3A_325 : vector<16xf32>
      %parallel_loop3A_327 = arith.constant 0.000000e+00 : f32
      %parallel_loop3A_328 = vector.broadcast %parallel_loop3A_327 : f32 to vector<16xf32>
      %parallel_loop3A_329 = arith.maximumf %parallel_loop3A_326, %parallel_loop3A_328 : vector<16xf32>
      %parallel_loop3A_330 = arith.index_cast %parallel_loop3A_300 : i32 to index
      %parallel_loop3A_331 = arith.constant 16 : index
      %parallel_loop3A_332 = tpu.vector_load %arg13[%parallel_loop3A_330, %parallel_loop3A_331] {strides = array<i32>} : memref<80x128xf32, #tpu.memory_space<vmem>>, vector<1x16xf32>,
      %parallel_loop3A_333 = vector.shape_cast %parallel_loop3A_332 : vector<1x16xf32> to vector<16xf32>
      %parallel_loop3A_334 = vector.shape_cast %parallel_loop3A_329 : vector<16xf32> to vector<1x16xf32>
      tpu.vector_store %arg13[%parallel_loop3A_330, %parallel_loop3A_331], %parallel_loop3A_334 {strides = array<i32>} : memref<80x128xf32, #tpu.memory_space<vmem>>, vector<1x16xf32>,
      %parallel_loop3A_335 = arith.index_cast %parallel_loop3A_300 : i32 to index
      %parallel_loop3A_336 = arith.constant 32 : index
      %parallel_loop3A_337 = tpu.vector_load %arg11[%parallel_loop3A_335, %parallel_loop3A_336] {strides = array<i32>} : memref<80x64xf32, #tpu.memory_space<vmem>>, vector<1x16xf32>,
      %parallel_loop3A_338 = vector.shape_cast %parallel_loop3A_337 : vector<1x16xf32> to vector<16xf32>
      %parallel_loop3A_339 = arith.index_cast %parallel_loop3A_300 : i32 to index
      %parallel_loop3A_340 = arith.constant 32 : index
      %parallel_loop3A_341 = tpu.vector_load %arg12[%parallel_loop3A_339, %parallel_loop3A_340] {strides = array<i32>} : memref<80x128xf32, #tpu.memory_space<vmem>>, vector<1x16xf32>,
      %parallel_loop3A_342 = vector.shape_cast %parallel_loop3A_341 : vector<1x16xf32> to vector<16xf32>
      %parallel_loop3A_343 = arith.addf %parallel_loop3A_338, %parallel_loop3A_342 : vector<16xf32>
      %parallel_loop3A_344 = arith.constant 0.000000e+00 : f32
      %parallel_loop3A_345 = vector.broadcast %parallel_loop3A_344 : f32 to vector<16xf32>
      %parallel_loop3A_346 = arith.maximumf %parallel_loop3A_343, %parallel_loop3A_345 : vector<16xf32>
      %parallel_loop3A_347 = arith.index_cast %parallel_loop3A_300 : i32 to index
      %parallel_loop3A_348 = arith.constant 32 : index
      %parallel_loop3A_349 = tpu.vector_load %arg13[%parallel_loop3A_347, %parallel_loop3A_348] {strides = array<i32>} : memref<80x128xf32, #tpu.memory_space<vmem>>, vector<1x16xf32>,
      %parallel_loop3A_350 = vector.shape_cast %parallel_loop3A_349 : vector<1x16xf32> to vector<16xf32>
      %parallel_loop3A_351 = vector.shape_cast %parallel_loop3A_346 : vector<16xf32> to vector<1x16xf32>
      tpu.vector_store %arg13[%parallel_loop3A_347, %parallel_loop3A_348], %parallel_loop3A_351 {strides = array<i32>} : memref<80x128xf32, #tpu.memory_space<vmem>>, vector<1x16xf32>,
      %parallel_loop3A_352 = arith.index_cast %parallel_loop3A_300 : i32 to index
      %parallel_loop3A_353 = arith.constant 48 : index
      %parallel_loop3A_354 = tpu.vector_load %arg11[%parallel_loop3A_352, %parallel_loop3A_353] {strides = array<i32>} : memref<80x64xf32, #tpu.memory_space<vmem>>, vector<1x16xf32>,
      %parallel_loop3A_355 = vector.shape_cast %parallel_loop3A_354 : vector<1x16xf32> to vector<16xf32>
      %parallel_loop3A_356 = arith.index_cast %parallel_loop3A_300 : i32 to index
      %parallel_loop3A_357 = arith.constant 48 : index
      %parallel_loop3A_358 = tpu.vector_load %arg12[%parallel_loop3A_356, %parallel_loop3A_357] {strides = array<i32>} : memref<80x128xf32, #tpu.memory_space<vmem>>, vector<1x16xf32>,
      %parallel_loop3A_359 = vector.shape_cast %parallel_loop3A_358 : vector<1x16xf32> to vector<16xf32>
      %parallel_loop3A_360 = arith.addf %parallel_loop3A_355, %parallel_loop3A_359 : vector<16xf32>
      %parallel_loop3A_361 = arith.constant 0.000000e+00 : f32
      %parallel_loop3A_362 = vector.broadcast %parallel_loop3A_361 : f32 to vector<16xf32>
      %parallel_loop3A_363 = arith.maximumf %parallel_loop3A_360, %parallel_loop3A_362 : vector<16xf32>
      %parallel_loop3A_364 = arith.index_cast %parallel_loop3A_300 : i32 to index
      %parallel_loop3A_365 = arith.constant 48 : index
      %parallel_loop3A_366 = tpu.vector_load %arg13[%parallel_loop3A_364, %parallel_loop3A_365] {strides = array<i32>} : memref<80x128xf32, #tpu.memory_space<vmem>>, vector<1x16xf32>,
      %parallel_loop3A_367 = vector.shape_cast %parallel_loop3A_366 : vector<1x16xf32> to vector<16xf32>
      %parallel_loop3A_368 = vector.shape_cast %parallel_loop3A_363 : vector<16xf32> to vector<1x16xf32>
      tpu.vector_store %arg13[%parallel_loop3A_364, %parallel_loop3A_365], %parallel_loop3A_368 {strides = array<i32>} : memref<80x128xf32, #tpu.memory_space<vmem>>, vector<1x16xf32>,
    } {sc.loop_unroll_factor = 4 : i64, sc.parallel_access}
    %dma_wait3A_114 = arith.constant 0 : i32
    %dma_wait3A_115 = arith.constant 0 : i32
    %dma_wait3A_116 = tpu.memref_slice %arg9[%dma_wait3A_114, %dma_wait3A_115] : memref<1x80xi32, #tpu.memory_space<vmem>> -> memref<1x80xi32, #tpu.memory_space<vmem>>
    %dma_wait3A_117 = tpu.memref_squeeze %dma_wait3A_116 : memref<1x80xi32, #tpu.memory_space<vmem>> -> memref<80xi32, #tpu.memory_space<vmem>>
    %dma_wait3A_118 = arith.constant 0 : i32
    %dma_wait3A_119 = tpu.memref_slice %arg5[%dma_wait3A_118] : memref<320000xi32, #tpu.memory_space<hbm>> -> memref<80xi32, #tpu.memory_space<hbm>>
    %dma_wait3A_120 = arith.constant 0 : i32
    %dma_wait3A_121 = tpu.memref_slice %arg9[%dma_wait3A_114, %dma_wait3A_120] : memref<1x80xi32, #tpu.memory_space<vmem>> -> memref<1x80xi32, #tpu.memory_space<vmem>>
    %dma_wait3A_122 = tpu.memref_squeeze %dma_wait3A_121 : memref<1x80xi32, #tpu.memory_space<vmem>> -> memref<80xi32, #tpu.memory_space<vmem>>
    %dma_wait3A_123 = arith.constant 0 : i32
    %dma_wait3A_124 = tpu.memref_slice %arg5[%dma_wait3A_123] : memref<320000xi32, #tpu.memory_space<hbm>> -> memref<80xi32, #tpu.memory_space<hbm>>
    tpu.wait_dma2 semaphore(%arg20 : memref<!tpu.dma_semaphore, #tpu.memory_space<semaphore_mem>>) src(%dma_wait3A_124 : memref<80xi32, #tpu.memory_space<hbm>>) dst(%dma_wait3A_122 : memref<80xi32, #tpu.memory_space<vmem>>)
    %dma_start3A_125 = arith.constant 0 : i32
    %dma_start3A_126 = arith.constant 0 : i32
    %dma_start3A_127 = tpu.memref_slice %arg9[%dma_start3A_125, %dma_start3A_126] : memref<1x80xi32, #tpu.memory_space<vmem>> -> memref<1x80xi32, #tpu.memory_space<vmem>>
    %dma_start3A_128 = tpu.memref_squeeze %dma_start3A_127 : memref<1x80xi32, #tpu.memory_space<vmem>> -> memref<80xi32, #tpu.memory_space<vmem>>
    %dma_start3A_129 = arith.constant 0 : i32
    %dma_start3A_130 = arith.constant 0 : i32
    %dma_start3A_131 = tpu.memref_slice %arg15[%dma_start3A_129, %dma_start3A_130] : memref<10240x128xf32, #tpu.memory_space<vmem_shared>> -> memref<10240x128xf32, #tpu.memory_space<vmem_shared>>
    tpu.enqueue_indirect_dma source(%arg13 : memref<80x128xf32, #tpu.memory_space<vmem>>) target(%dma_start3A_131 : memref<10240x128xf32, #tpu.memory_space<vmem_shared>>) offsets(%dma_start3A_128 : memref<80xi32, #tpu.memory_space<vmem>>) semaphore(%arg22 : memref<!tpu.dma_semaphore, #tpu.memory_space<semaphore_mem>>) {add = true}
    %add3A_132 = arith.constant 160 : i32
    %add3A_133 = arith.addi %mul3A_2, %add3A_132 : i32
    %dma_start3A_134 = arith.constant 0 : i32
    %dma_start3A_135 = arith.constant 0 : i32
    %dma_start3A_136 = tpu.memref_slice %arg7[%dma_start3A_134, %dma_start3A_135] : memref<1x80xi32, #tpu.memory_space<vmem>> -> memref<1x80xi32, #tpu.memory_space<vmem>>
    %dma_start3A_137 = tpu.memref_squeeze %dma_start3A_136 : memref<1x80xi32, #tpu.memory_space<vmem>> -> memref<80xi32, #tpu.memory_space<vmem>>
    %dma_start3A_138 = tpu.memref_slice %arg4[%add3A_133] : memref<320000xi32, #tpu.memory_space<hbm>> -> memref<80xi32, #tpu.memory_space<hbm>>
    %dma_start3A_139 = arith.constant 0 : i32
    %dma_start3A_140 = tpu.memref_slice %arg7[%dma_start3A_134, %dma_start3A_139] : memref<1x80xi32, #tpu.memory_space<vmem>> -> memref<1x80xi32, #tpu.memory_space<vmem>>
    %dma_start3A_141 = tpu.memref_squeeze %dma_start3A_140 : memref<1x80xi32, #tpu.memory_space<vmem>> -> memref<80xi32, #tpu.memory_space<vmem>>
    %dma_start3A_142 = tpu.memref_slice %arg4[%add3A_133] : memref<320000xi32, #tpu.memory_space<hbm>> -> memref<80xi32, #tpu.memory_space<hbm>>
    tpu.enqueue_dma source(%dma_start3A_142 : memref<80xi32, #tpu.memory_space<hbm>>) target(%dma_start3A_141 : memref<80xi32, #tpu.memory_space<vmem>>) target_semaphore(%arg18 : memref<!tpu.dma_semaphore, #tpu.memory_space<semaphore_mem>>)
    %add3A_143 = arith.constant 160 : i32
    %add3A_144 = arith.addi %mul3A_2, %add3A_143 : i32
    %dma_start3A_145 = arith.constant 0 : i32
    %dma_start3A_146 = arith.constant 0 : i32
    %dma_start3A_147 = tpu.memref_slice %arg9[%dma_start3A_145, %dma_start3A_146] : memref<1x80xi32, #tpu.memory_space<vmem>> -> memref<1x80xi32, #tpu.memory_space<vmem>>
    %dma_start3A_148 = tpu.memref_squeeze %dma_start3A_147 : memref<1x80xi32, #tpu.memory_space<vmem>> -> memref<80xi32, #tpu.memory_space<vmem>>
    %dma_start3A_149 = tpu.memref_slice %arg5[%add3A_144] : memref<320000xi32, #tpu.memory_space<hbm>> -> memref<80xi32, #tpu.memory_space<hbm>>
    %dma_start3A_150 = arith.constant 0 : i32
    %dma_start3A_151 = tpu.memref_slice %arg9[%dma_start3A_145, %dma_start3A_150] : memref<1x80xi32, #tpu.memory_space<vmem>> -> memref<1x80xi32, #tpu.memory_space<vmem>>
    %dma_start3A_152 = tpu.memref_squeeze %dma_start3A_151 : memref<1x80xi32, #tpu.memory_space<vmem>> -> memref<80xi32, #tpu.memory_space<vmem>>
    %dma_start3A_153 = tpu.memref_slice %arg5[%add3A_144] : memref<320000xi32, #tpu.memory_space<hbm>> -> memref<80xi32, #tpu.memory_space<hbm>>
    tpu.enqueue_dma source(%dma_start3A_153 : memref<80xi32, #tpu.memory_space<hbm>>) target(%dma_start3A_152 : memref<80xi32, #tpu.memory_space<vmem>>) target_semaphore(%arg20 : memref<!tpu.dma_semaphore, #tpu.memory_space<semaphore_mem>>)
    %scan3A_154 = arith.constant 0 : i32
    %scan3A_155 = arith.constant 0 : i32
    %scan3A_156 = arith.constant 61 : i32
    %scan3A_157 = arith.addi %scan3A_155, %scan3A_156 : i32
    %scan3A_158 = arith.constant 1 : i32
    scf.for %scan3A_300 = %scan3A_155 to %scan3A_157 step %scan3A_158  : i32 {
      %mul3A_301 = arith.constant 2 : i32
      %mul3A_302 = arith.muli %mul3A_301, %scan3A_300 : i32
      %add3A_303 = arith.constant 1 : i32
      %add3A_304 = arith.addi %mul3A_302, %add3A_303 : i32
      %dma_wait3A_305 = arith.constant 0 : i32
      %dma_wait3A_306 = arith.constant 0 : i32
      %dma_wait3A_307 = tpu.memref_slice %arg8[%dma_wait3A_305, %dma_wait3A_306] : memref<1x80xi32, #tpu.memory_space<vmem>> -> memref<1x80xi32, #tpu.memory_space<vmem>>
      %dma_wait3A_308 = tpu.memref_squeeze %dma_wait3A_307 : memref<1x80xi32, #tpu.memory_space<vmem>> -> memref<80xi32, #tpu.memory_space<vmem>>
      %dma_wait3A_309 = arith.constant 0 : i32
      %dma_wait3A_310 = tpu.memref_slice %arg4[%dma_wait3A_309] : memref<320000xi32, #tpu.memory_space<hbm>> -> memref<80xi32, #tpu.memory_space<hbm>>
      %dma_wait3A_311 = arith.constant 0 : i32
      %dma_wait3A_312 = tpu.memref_slice %arg8[%dma_wait3A_305, %dma_wait3A_311] : memref<1x80xi32, #tpu.memory_space<vmem>> -> memref<1x80xi32, #tpu.memory_space<vmem>>
      %dma_wait3A_313 = tpu.memref_squeeze %dma_wait3A_312 : memref<1x80xi32, #tpu.memory_space<vmem>> -> memref<80xi32, #tpu.memory_space<vmem>>
      %dma_wait3A_314 = arith.constant 0 : i32
      %dma_wait3A_315 = tpu.memref_slice %arg4[%dma_wait3A_314] : memref<320000xi32, #tpu.memory_space<hbm>> -> memref<80xi32, #tpu.memory_space<hbm>>
      tpu.wait_dma2 semaphore(%arg19 : memref<!tpu.dma_semaphore, #tpu.memory_space<semaphore_mem>>) src(%dma_wait3A_315 : memref<80xi32, #tpu.memory_space<hbm>>) dst(%dma_wait3A_313 : memref<80xi32, #tpu.memory_space<vmem>>)
      %mul3A_316 = arith.constant 80 : i32
      %mul3A_317 = arith.muli %add3A_304, %mul3A_316 : i32
      %add3A_318 = arith.addi %mul3A_2, %mul3A_317 : i32
      %dma_start3A_319 = arith.constant 0 : i32
      %dma_start3A_320 = tpu.memref_slice %arg3[%add3A_318, %dma_start3A_319] : memref<320000x64xf32, #tpu.memory_space<hbm>> -> memref<80x64xf32, #tpu.memory_space<hbm>>
      %dma_start3A_321 = arith.constant 0 : i32
      %dma_start3A_322 = tpu.memref_slice %arg3[%add3A_318, %dma_start3A_321] : memref<320000x64xf32, #tpu.memory_space<hbm>> -> memref<80x64xf32, #tpu.memory_space<hbm>>
      tpu.enqueue_dma source(%dma_start3A_322 : memref<80x64xf32, #tpu.memory_space<hbm>>) target(%arg11 : memref<80x64xf32, #tpu.memory_space<vmem>>) target_semaphore(%arg16 : memref<!tpu.dma_semaphore, #tpu.memory_space<semaphore_mem>>)
      %dma_start3A_323 = arith.constant 0 : i32
      %dma_start3A_324 = arith.constant 0 : i32
      %dma_start3A_325 = tpu.memref_slice %arg8[%dma_start3A_323, %dma_start3A_324] : memref<1x80xi32, #tpu.memory_space<vmem>> -> memref<1x80xi32, #tpu.memory_space<vmem>>
      %dma_start3A_326 = tpu.memref_squeeze %dma_start3A_325 : memref<1x80xi32, #tpu.memory_space<vmem>> -> memref<80xi32, #tpu.memory_space<vmem>>
      %dma_start3A_327 = arith.constant 0 : i32
      %dma_start3A_328 = arith.constant 0 : i32
      %dma_start3A_329 = tpu.memref_slice %arg2[%dma_start3A_327, %dma_start3A_328] : memref<10000x128xf32, #tpu.memory_space<hbm>> -> memref<10000x128xf32, #tpu.memory_space<hbm>>
      tpu.enqueue_indirect_dma source(%dma_start3A_329 : memref<10000x128xf32, #tpu.memory_space<hbm>>) target(%arg12 : memref<80x128xf32, #tpu.memory_space<vmem>>) offsets(%dma_start3A_326 : memref<80xi32, #tpu.memory_space<vmem>>) semaphore(%arg17 : memref<!tpu.dma_semaphore, #tpu.memory_space<semaphore_mem>>)
      %dma_wait3A_330 = arith.constant 0 : i32
      %dma_wait3A_331 = arith.constant 0 : i32
      %dma_wait3A_332 = tpu.memref_slice %arg10[%dma_wait3A_330, %dma_wait3A_331] : memref<1x80xi32, #tpu.memory_space<vmem>> -> memref<1x80xi32, #tpu.memory_space<vmem>>
      %dma_wait3A_333 = tpu.memref_squeeze %dma_wait3A_332 : memref<1x80xi32, #tpu.memory_space<vmem>> -> memref<80xi32, #tpu.memory_space<vmem>>
      %dma_wait3A_334 = arith.constant 0 : i32
      %dma_wait3A_335 = arith.constant 0 : i32
      %dma_wait3A_336 = tpu.memref_slice %arg15[%dma_wait3A_334, %dma_wait3A_335] : memref<10240x128xf32, #tpu.memory_space<vmem_shared>> -> memref<10240x128xf32, #tpu.memory_space<vmem_shared>>
      tpu.wait_indirect_dma semaphore(%arg22 : memref<!tpu.dma_semaphore, #tpu.memory_space<semaphore_mem>>) src(%arg13 : memref<80x128xf32, #tpu.memory_space<vmem>>) dst(%dma_wait3A_336 : memref<10240x128xf32, #tpu.memory_space<vmem_shared>>)
      %mul3A_337 = arith.constant 80 : i32
      %mul3A_338 = arith.muli %add3A_304, %mul3A_337 : i32
      %add3A_339 = arith.addi %mul3A_2, %mul3A_338 : i32
      %dma_wait3A_340 = arith.constant 0 : i32
      %dma_wait3A_341 = tpu.memref_slice %arg3[%add3A_339, %dma_wait3A_340] : memref<320000x64xf32, #tpu.memory_space<hbm>> -> memref<80x64xf32, #tpu.memory_space<hbm>>
      %dma_wait3A_342 = arith.constant 0 : i32
      %dma_wait3A_343 = tpu.memref_slice %arg3[%add3A_339, %dma_wait3A_342] : memref<320000x64xf32, #tpu.memory_space<hbm>> -> memref<80x64xf32, #tpu.memory_space<hbm>>
      tpu.wait_dma2 semaphore(%arg16 : memref<!tpu.dma_semaphore, #tpu.memory_space<semaphore_mem>>) src(%dma_wait3A_343 : memref<80x64xf32, #tpu.memory_space<hbm>>) dst(%arg11 : memref<80x64xf32, #tpu.memory_space<vmem>>)
      %dma_wait3A_344 = arith.constant 0 : i32
      %dma_wait3A_345 = arith.constant 0 : i32
      %dma_wait3A_346 = tpu.memref_slice %arg2[%dma_wait3A_344, %dma_wait3A_345] : memref<10000x128xf32, #tpu.memory_space<hbm>> -> memref<80x128xf32, #tpu.memory_space<hbm>>
      %dma_wait3A_347 = arith.constant 0 : i32
      %dma_wait3A_348 = arith.constant 0 : i32
      %dma_wait3A_349 = tpu.memref_slice %arg2[%dma_wait3A_347, %dma_wait3A_348] : memref<10000x128xf32, #tpu.memory_space<hbm>> -> memref<80x128xf32, #tpu.memory_space<hbm>>
      tpu.wait_dma2 semaphore(%arg17 : memref<!tpu.dma_semaphore, #tpu.memory_space<semaphore_mem>>) src(%dma_wait3A_349 : memref<80x128xf32, #tpu.memory_space<hbm>>) dst(%arg12 : memref<80x128xf32, #tpu.memory_space<vmem>>)
      %parallel_loop3A_350 = arith.constant 0 : i32
      %parallel_loop3A_351 = arith.constant 80 : i32
      %parallel_loop3A_352 = arith.constant 1 : i32
      scf.for %parallel_loop3A_491 = %parallel_loop3A_350 to %parallel_loop3A_351 step %parallel_loop3A_352  : i32 {
        %parallel_loop3A_492 = arith.index_cast %parallel_loop3A_491 : i32 to index
        %parallel_loop3A_493 = arith.constant 0 : index
        %parallel_loop3A_494 = tpu.vector_load %arg11[%parallel_loop3A_492, %parallel_loop3A_493] {strides = array<i32>} : memref<80x64xf32, #tpu.memory_space<vmem>>, vector<1x16xf32>,
        %parallel_loop3A_495 = vector.shape_cast %parallel_loop3A_494 : vector<1x16xf32> to vector<16xf32>
        %parallel_loop3A_496 = arith.index_cast %parallel_loop3A_491 : i32 to index
        %parallel_loop3A_497 = arith.constant 0 : index
        %parallel_loop3A_498 = tpu.vector_load %arg12[%parallel_loop3A_496, %parallel_loop3A_497] {strides = array<i32>} : memref<80x128xf32, #tpu.memory_space<vmem>>, vector<1x16xf32>,
        %parallel_loop3A_499 = vector.shape_cast %parallel_loop3A_498 : vector<1x16xf32> to vector<16xf32>
        %parallel_loop3A_500 = arith.addf %parallel_loop3A_495, %parallel_loop3A_499 : vector<16xf32>
        %parallel_loop3A_501 = arith.constant 0.000000e+00 : f32
        %parallel_loop3A_502 = vector.broadcast %parallel_loop3A_501 : f32 to vector<16xf32>
        %parallel_loop3A_503 = arith.maximumf %parallel_loop3A_500, %parallel_loop3A_502 : vector<16xf32>
        %parallel_loop3A_504 = arith.index_cast %parallel_loop3A_491 : i32 to index
        %parallel_loop3A_505 = arith.constant 0 : index
        %parallel_loop3A_506 = tpu.vector_load %arg13[%parallel_loop3A_504, %parallel_loop3A_505] {strides = array<i32>} : memref<80x128xf32, #tpu.memory_space<vmem>>, vector<1x16xf32>,
        %parallel_loop3A_507 = vector.shape_cast %parallel_loop3A_506 : vector<1x16xf32> to vector<16xf32>
        %parallel_loop3A_508 = vector.shape_cast %parallel_loop3A_503 : vector<16xf32> to vector<1x16xf32>
        tpu.vector_store %arg13[%parallel_loop3A_504, %parallel_loop3A_505], %parallel_loop3A_508 {strides = array<i32>} : memref<80x128xf32, #tpu.memory_space<vmem>>, vector<1x16xf32>,
        %parallel_loop3A_509 = arith.index_cast %parallel_loop3A_491 : i32 to index
        %parallel_loop3A_510 = arith.constant 16 : index
        %parallel_loop3A_511 = tpu.vector_load %arg11[%parallel_loop3A_509, %parallel_loop3A_510] {strides = array<i32>} : memref<80x64xf32, #tpu.memory_space<vmem>>, vector<1x16xf32>,
        %parallel_loop3A_512 = vector.shape_cast %parallel_loop3A_511 : vector<1x16xf32> to vector<16xf32>
        %parallel_loop3A_513 = arith.index_cast %parallel_loop3A_491 : i32 to index
        %parallel_loop3A_514 = arith.constant 16 : index
        %parallel_loop3A_515 = tpu.vector_load %arg12[%parallel_loop3A_513, %parallel_loop3A_514] {strides = array<i32>} : memref<80x128xf32, #tpu.memory_space<vmem>>, vector<1x16xf32>,
        %parallel_loop3A_516 = vector.shape_cast %parallel_loop3A_515 : vector<1x16xf32> to vector<16xf32>
        %parallel_loop3A_517 = arith.addf %parallel_loop3A_512, %parallel_loop3A_516 : vector<16xf32>
        %parallel_loop3A_518 = arith.constant 0.000000e+00 : f32
        %parallel_loop3A_519 = vector.broadcast %parallel_loop3A_518 : f32 to vector<16xf32>
        %parallel_loop3A_520 = arith.maximumf %parallel_loop3A_517, %parallel_loop3A_519 : vector<16xf32>
        %parallel_loop3A_521 = arith.index_cast %parallel_loop3A_491 : i32 to index
        %parallel_loop3A_522 = arith.constant 16 : index
        %parallel_loop3A_523 = tpu.vector_load %arg13[%parallel_loop3A_521, %parallel_loop3A_522] {strides = array<i32>} : memref<80x128xf32, #tpu.memory_space<vmem>>, vector<1x16xf32>,
        %parallel_loop3A_524 = vector.shape_cast %parallel_loop3A_523 : vector<1x16xf32> to vector<16xf32>
        %parallel_loop3A_525 = vector.shape_cast %parallel_loop3A_520 : vector<16xf32> to vector<1x16xf32>
        tpu.vector_store %arg13[%parallel_loop3A_521, %parallel_loop3A_522], %parallel_loop3A_525 {strides = array<i32>} : memref<80x128xf32, #tpu.memory_space<vmem>>, vector<1x16xf32>,
        %parallel_loop3A_526 = arith.index_cast %parallel_loop3A_491 : i32 to index
        %parallel_loop3A_527 = arith.constant 32 : index
        %parallel_loop3A_528 = tpu.vector_load %arg11[%parallel_loop3A_526, %parallel_loop3A_527] {strides = array<i32>} : memref<80x64xf32, #tpu.memory_space<vmem>>, vector<1x16xf32>,
        %parallel_loop3A_529 = vector.shape_cast %parallel_loop3A_528 : vector<1x16xf32> to vector<16xf32>
        %parallel_loop3A_530 = arith.index_cast %parallel_loop3A_491 : i32 to index
        %parallel_loop3A_531 = arith.constant 32 : index
        %parallel_loop3A_532 = tpu.vector_load %arg12[%parallel_loop3A_530, %parallel_loop3A_531] {strides = array<i32>} : memref<80x128xf32, #tpu.memory_space<vmem>>, vector<1x16xf32>,
        %parallel_loop3A_533 = vector.shape_cast %parallel_loop3A_532 : vector<1x16xf32> to vector<16xf32>
        %parallel_loop3A_534 = arith.addf %parallel_loop3A_529, %parallel_loop3A_533 : vector<16xf32>
        %parallel_loop3A_535 = arith.constant 0.000000e+00 : f32
        %parallel_loop3A_536 = vector.broadcast %parallel_loop3A_535 : f32 to vector<16xf32>
        %parallel_loop3A_537 = arith.maximumf %parallel_loop3A_534, %parallel_loop3A_536 : vector<16xf32>
        %parallel_loop3A_538 = arith.index_cast %parallel_loop3A_491 : i32 to index
        %parallel_loop3A_539 = arith.constant 32 : index
        %parallel_loop3A_540 = tpu.vector_load %arg13[%parallel_loop3A_538, %parallel_loop3A_539] {strides = array<i32>} : memref<80x128xf32, #tpu.memory_space<vmem>>, vector<1x16xf32>,
        %parallel_loop3A_541 = vector.shape_cast %parallel_loop3A_540 : vector<1x16xf32> to vector<16xf32>
        %parallel_loop3A_542 = vector.shape_cast %parallel_loop3A_537 : vector<16xf32> to vector<1x16xf32>
        tpu.vector_store %arg13[%parallel_loop3A_538, %parallel_loop3A_539], %parallel_loop3A_542 {strides = array<i32>} : memref<80x128xf32, #tpu.memory_space<vmem>>, vector<1x16xf32>,
        %parallel_loop3A_543 = arith.index_cast %parallel_loop3A_491 : i32 to index
        %parallel_loop3A_544 = arith.constant 48 : index
        %parallel_loop3A_545 = tpu.vector_load %arg11[%parallel_loop3A_543, %parallel_loop3A_544] {strides = array<i32>} : memref<80x64xf32, #tpu.memory_space<vmem>>, vector<1x16xf32>,
        %parallel_loop3A_546 = vector.shape_cast %parallel_loop3A_545 : vector<1x16xf32> to vector<16xf32>
        %parallel_loop3A_547 = arith.index_cast %parallel_loop3A_491 : i32 to index
        %parallel_loop3A_548 = arith.constant 48 : index
        %parallel_loop3A_549 = tpu.vector_load %arg12[%parallel_loop3A_547, %parallel_loop3A_548] {strides = array<i32>} : memref<80x128xf32, #tpu.memory_space<vmem>>, vector<1x16xf32>,
        %parallel_loop3A_550 = vector.shape_cast %parallel_loop3A_549 : vector<1x16xf32> to vector<16xf32>
        %parallel_loop3A_551 = arith.addf %parallel_loop3A_546, %parallel_loop3A_550 : vector<16xf32>
        %parallel_loop3A_552 = arith.constant 0.000000e+00 : f32
        %parallel_loop3A_553 = vector.broadcast %parallel_loop3A_552 : f32 to vector<16xf32>
        %parallel_loop3A_554 = arith.maximumf %parallel_loop3A_551, %parallel_loop3A_553 : vector<16xf32>
        %parallel_loop3A_555 = arith.index_cast %parallel_loop3A_491 : i32 to index
        %parallel_loop3A_556 = arith.constant 48 : index
        %parallel_loop3A_557 = tpu.vector_load %arg13[%parallel_loop3A_555, %parallel_loop3A_556] {strides = array<i32>} : memref<80x128xf32, #tpu.memory_space<vmem>>, vector<1x16xf32>,
        %parallel_loop3A_558 = vector.shape_cast %parallel_loop3A_557 : vector<1x16xf32> to vector<16xf32>
        %parallel_loop3A_559 = vector.shape_cast %parallel_loop3A_554 : vector<16xf32> to vector<1x16xf32>
        tpu.vector_store %arg13[%parallel_loop3A_555, %parallel_loop3A_556], %parallel_loop3A_559 {strides = array<i32>} : memref<80x128xf32, #tpu.memory_space<vmem>>, vector<1x16xf32>,
      } {sc.loop_unroll_factor = 4 : i64, sc.parallel_access}
      %dma_wait3A_353 = arith.constant 0 : i32
      %dma_wait3A_354 = arith.constant 0 : i32
      %dma_wait3A_355 = tpu.memref_slice %arg10[%dma_wait3A_353, %dma_wait3A_354] : memref<1x80xi32, #tpu.memory_space<vmem>> -> memref<1x80xi32, #tpu.memory_space<vmem>>
      %dma_wait3A_356 = tpu.memref_squeeze %dma_wait3A_355 : memref<1x80xi32, #tpu.memory_space<vmem>> -> memref<80xi32, #tpu.memory_space<vmem>>
      %dma_wait3A_357 = arith.constant 0 : i32
      %dma_wait3A_358 = tpu.memref_slice %arg5[%dma_wait3A_357] : memref<320000xi32, #tpu.memory_space<hbm>> -> memref<80xi32, #tpu.memory_space<hbm>>
      %dma_wait3A_359 = arith.constant 0 : i32
      %dma_wait3A_360 = tpu.memref_slice %arg10[%dma_wait3A_353, %dma_wait3A_359] : memref<1x80xi32, #tpu.memory_space<vmem>> -> memref<1x80xi32, #tpu.memory_space<vmem>>
      %dma_wait3A_361 = tpu.memref_squeeze %dma_wait3A_360 : memref<1x80xi32, #tpu.memory_space<vmem>> -> memref<80xi32, #tpu.memory_space<vmem>>
      %dma_wait3A_362 = arith.constant 0 : i32
      %dma_wait3A_363 = tpu.memref_slice %arg5[%dma_wait3A_362] : memref<320000xi32, #tpu.memory_space<hbm>> -> memref<80xi32, #tpu.memory_space<hbm>>
      tpu.wait_dma2 semaphore(%arg21 : memref<!tpu.dma_semaphore, #tpu.memory_space<semaphore_mem>>) src(%dma_wait3A_363 : memref<80xi32, #tpu.memory_space<hbm>>) dst(%dma_wait3A_361 : memref<80xi32, #tpu.memory_space<vmem>>)
      %dma_start3A_364 = arith.constant 0 : i32
      %dma_start3A_365 = arith.constant 0 : i32
      %dma_start3A_366 = tpu.memref_slice %arg10[%dma_start3A_364, %dma_start3A_365] : memref<1x80xi32, #tpu.memory_space<vmem>> -> memref<1x80xi32, #tpu.memory_space<vmem>>
      %dma_start3A_367 = tpu.memref_squeeze %dma_start3A_366 : memref<1x80xi32, #tpu.memory_space<vmem>> -> memref<80xi32, #tpu.memory_space<vmem>>
      %dma_start3A_368 = arith.constant 0 : i32
      %dma_start3A_369 = arith.constant 0 : i32
      %dma_start3A_370 = tpu.memref_slice %arg15[%dma_start3A_368, %dma_start3A_369] : memref<10240x128xf32, #tpu.memory_space<vmem_shared>> -> memref<10240x128xf32, #tpu.memory_space<vmem_shared>>
      tpu.enqueue_indirect_dma source(%arg13 : memref<80x128xf32, #tpu.memory_space<vmem>>) target(%dma_start3A_370 : memref<10240x128xf32, #tpu.memory_space<vmem_shared>>) offsets(%dma_start3A_367 : memref<80xi32, #tpu.memory_space<vmem>>) semaphore(%arg22 : memref<!tpu.dma_semaphore, #tpu.memory_space<semaphore_mem>>) {add = true}
      %add3A_371 = arith.constant 2 : i32
      %add3A_372 = arith.addi %add3A_304, %add3A_371 : i32
      %mul3A_373 = arith.constant 80 : i32
      %mul3A_374 = arith.muli %add3A_372, %mul3A_373 : i32
      %add3A_375 = arith.addi %mul3A_2, %mul3A_374 : i32
      %dma_start3A_376 = arith.constant 0 : i32
      %dma_start3A_377 = arith.constant 0 : i32
      %dma_start3A_378 = tpu.memref_slice %arg8[%dma_start3A_376, %dma_start3A_377] : memref<1x80xi32, #tpu.memory_space<vmem>> -> memref<1x80xi32, #tpu.memory_space<vmem>>
      %dma_start3A_379 = tpu.memref_squeeze %dma_start3A_378 : memref<1x80xi32, #tpu.memory_space<vmem>> -> memref<80xi32, #tpu.memory_space<vmem>>
      %dma_start3A_380 = tpu.memref_slice %arg4[%add3A_375] : memref<320000xi32, #tpu.memory_space<hbm>> -> memref<80xi32, #tpu.memory_space<hbm>>
      %dma_start3A_381 = arith.constant 0 : i32
      %dma_start3A_382 = tpu.memref_slice %arg8[%dma_start3A_376, %dma_start3A_381] : memref<1x80xi32, #tpu.memory_space<vmem>> -> memref<1x80xi32, #tpu.memory_space<vmem>>
      %dma_start3A_383 = tpu.memref_squeeze %dma_start3A_382 : memref<1x80xi32, #tpu.memory_space<vmem>> -> memref<80xi32, #tpu.memory_space<vmem>>
      %dma_start3A_384 = tpu.memref_slice %arg4[%add3A_375] : memref<320000xi32, #tpu.memory_space<hbm>> -> memref<80xi32, #tpu.memory_space<hbm>>
      tpu.enqueue_dma source(%dma_start3A_384 : memref<80xi32, #tpu.memory_space<hbm>>) target(%dma_start3A_383 : memref<80xi32, #tpu.memory_space<vmem>>) target_semaphore(%arg19 : memref<!tpu.dma_semaphore, #tpu.memory_space<semaphore_mem>>)
      %mul3A_385 = arith.constant 80 : i32
      %mul3A_386 = arith.muli %add3A_372, %mul3A_385 : i32
      %add3A_387 = arith.addi %mul3A_2, %mul3A_386 : i32
      %dma_start3A_388 = arith.constant 0 : i32
      %dma_start3A_389 = arith.constant 0 : i32
      %dma_start3A_390 = tpu.memref_slice %arg10[%dma_start3A_388, %dma_start3A_389] : memref<1x80xi32, #tpu.memory_space<vmem>> -> memref<1x80xi32, #tpu.memory_space<vmem>>
      %dma_start3A_391 = tpu.memref_squeeze %dma_start3A_390 : memref<1x80xi32, #tpu.memory_space<vmem>> -> memref<80xi32, #tpu.memory_space<vmem>>
      %dma_start3A_392 = tpu.memref_slice %arg5[%add3A_387] : memref<320000xi32, #tpu.memory_space<hbm>> -> memref<80xi32, #tpu.memory_space<hbm>>
      %dma_start3A_393 = arith.constant 0 : i32
      %dma_start3A_394 = tpu.memref_slice %arg10[%dma_start3A_388, %dma_start3A_393] : memref<1x80xi32, #tpu.memory_space<vmem>> -> memref<1x80xi32, #tpu.memory_space<vmem>>
      %dma_start3A_395 = tpu.memref_squeeze %dma_start3A_394 : memref<1x80xi32, #tpu.memory_space<vmem>> -> memref<80xi32, #tpu.memory_space<vmem>>
      %dma_start3A_396 = tpu.memref_slice %arg5[%add3A_387] : memref<320000xi32, #tpu.memory_space<hbm>> -> memref<80xi32, #tpu.memory_space<hbm>>
      tpu.enqueue_dma source(%dma_start3A_396 : memref<80xi32, #tpu.memory_space<hbm>>) target(%dma_start3A_395 : memref<80xi32, #tpu.memory_space<vmem>>) target_semaphore(%arg21 : memref<!tpu.dma_semaphore, #tpu.memory_space<semaphore_mem>>)
      %add3A_397 = arith.constant 1 : i32
      %add3A_398 = arith.addi %add3A_304, %add3A_397 : i32
      %dma_wait3A_399 = arith.constant 0 : i32
      %dma_wait3A_400 = arith.constant 0 : i32
      %dma_wait3A_401 = tpu.memref_slice %arg7[%dma_wait3A_399, %dma_wait3A_400] : memref<1x80xi32, #tpu.memory_space<vmem>> -> memref<1x80xi32, #tpu.memory_space<vmem>>
      %dma_wait3A_402 = tpu.memref_squeeze %dma_wait3A_401 : memref<1x80xi32, #tpu.memory_space<vmem>> -> memref<80xi32, #tpu.memory_space<vmem>>
      %dma_wait3A_403 = arith.constant 0 : i32
      %dma_wait3A_404 = tpu.memref_slice %arg4[%dma_wait3A_403] : memref<320000xi32, #tpu.memory_space<hbm>> -> memref<80xi32, #tpu.memory_space<hbm>>
      %dma_wait3A_405 = arith.constant 0 : i32
      %dma_wait3A_406 = tpu.memref_slice %arg7[%dma_wait3A_399, %dma_wait3A_405] : memref<1x80xi32, #tpu.memory_space<vmem>> -> memref<1x80xi32, #tpu.memory_space<vmem>>
      %dma_wait3A_407 = tpu.memref_squeeze %dma_wait3A_406 : memref<1x80xi32, #tpu.memory_space<vmem>> -> memref<80xi32, #tpu.memory_space<vmem>>
      %dma_wait3A_408 = arith.constant 0 : i32
      %dma_wait3A_409 = tpu.memref_slice %arg4[%dma_wait3A_408] : memref<320000xi32, #tpu.memory_space<hbm>> -> memref<80xi32, #tpu.memory_space<hbm>>
      tpu.wait_dma2 semaphore(%arg18 : memref<!tpu.dma_semaphore, #tpu.memory_space<semaphore_mem>>) src(%dma_wait3A_409 : memref<80xi32, #tpu.memory_space<hbm>>) dst(%dma_wait3A_407 : memref<80xi32, #tpu.memory_space<vmem>>)
      %mul3A_410 = arith.constant 80 : i32
      %mul3A_411 = arith.muli %add3A_398, %mul3A_410 : i32
      %add3A_412 = arith.addi %mul3A_2, %mul3A_411 : i32
      %dma_start3A_413 = arith.constant 0 : i32
      %dma_start3A_414 = tpu.memref_slice %arg3[%add3A_412, %dma_start3A_413] : memref<320000x64xf32, #tpu.memory_space<hbm>> -> memref<80x64xf32, #tpu.memory_space<hbm>>
      %dma_start3A_415 = arith.constant 0 : i32
      %dma_start3A_416 = tpu.memref_slice %arg3[%add3A_412, %dma_start3A_415] : memref<320000x64xf32, #tpu.memory_space<hbm>> -> memref<80x64xf32, #tpu.memory_space<hbm>>
      tpu.enqueue_dma source(%dma_start3A_416 : memref<80x64xf32, #tpu.memory_space<hbm>>) target(%arg11 : memref<80x64xf32, #tpu.memory_space<vmem>>) target_semaphore(%arg16 : memref<!tpu.dma_semaphore, #tpu.memory_space<semaphore_mem>>)
      %dma_start3A_417 = arith.constant 0 : i32
      %dma_start3A_418 = arith.constant 0 : i32
      %dma_start3A_419 = tpu.memref_slice %arg7[%dma_start3A_417, %dma_start3A_418] : memref<1x80xi32, #tpu.memory_space<vmem>> -> memref<1x80xi32, #tpu.memory_space<vmem>>
      %dma_start3A_420 = tpu.memref_squeeze %dma_start3A_419 : memref<1x80xi32, #tpu.memory_space<vmem>> -> memref<80xi32, #tpu.memory_space<vmem>>
      %dma_start3A_421 = arith.constant 0 : i32
      %dma_start3A_422 = arith.constant 0 : i32
      %dma_start3A_423 = tpu.memref_slice %arg2[%dma_start3A_421, %dma_start3A_422] : memref<10000x128xf32, #tpu.memory_space<hbm>> -> memref<10000x128xf32, #tpu.memory_space<hbm>>
      tpu.enqueue_indirect_dma source(%dma_start3A_423 : memref<10000x128xf32, #tpu.memory_space<hbm>>) target(%arg12 : memref<80x128xf32, #tpu.memory_space<vmem>>) offsets(%dma_start3A_420 : memref<80xi32, #tpu.memory_space<vmem>>) semaphore(%arg17 : memref<!tpu.dma_semaphore, #tpu.memory_space<semaphore_mem>>)
      %dma_wait3A_424 = arith.constant 0 : i32
      %dma_wait3A_425 = arith.constant 0 : i32
      %dma_wait3A_426 = tpu.memref_slice %arg9[%dma_wait3A_424, %dma_wait3A_425] : memref<1x80xi32, #tpu.memory_space<vmem>> -> memref<1x80xi32, #tpu.memory_space<vmem>>
      %dma_wait3A_427 = tpu.memref_squeeze %dma_wait3A_426 : memref<1x80xi32, #tpu.memory_space<vmem>> -> memref<80xi32, #tpu.memory_space<vmem>>
      %dma_wait3A_428 = arith.constant 0 : i32
      %dma_wait3A_429 = arith.constant 0 : i32
      %dma_wait3A_430 = tpu.memref_slice %arg15[%dma_wait3A_428, %dma_wait3A_429] : memref<10240x128xf32, #tpu.memory_space<vmem_shared>> -> memref<10240x128xf32, #tpu.memory_space<vmem_shared>>
      tpu.wait_indirect_dma semaphore(%arg22 : memref<!tpu.dma_semaphore, #tpu.memory_space<semaphore_mem>>) src(%arg13 : memref<80x128xf32, #tpu.memory_space<vmem>>) dst(%dma_wait3A_430 : memref<10240x128xf32, #tpu.memory_space<vmem_shared>>)
      %mul3A_431 = arith.constant 80 : i32
      %mul3A_432 = arith.muli %add3A_398, %mul3A_431 : i32
      %add3A_433 = arith.addi %mul3A_2, %mul3A_432 : i32
      %dma_wait3A_434 = arith.constant 0 : i32
      %dma_wait3A_435 = tpu.memref_slice %arg3[%add3A_433, %dma_wait3A_434] : memref<320000x64xf32, #tpu.memory_space<hbm>> -> memref<80x64xf32, #tpu.memory_space<hbm>>
      %dma_wait3A_436 = arith.constant 0 : i32
      %dma_wait3A_437 = tpu.memref_slice %arg3[%add3A_433, %dma_wait3A_436] : memref<320000x64xf32, #tpu.memory_space<hbm>> -> memref<80x64xf32, #tpu.memory_space<hbm>>
      tpu.wait_dma2 semaphore(%arg16 : memref<!tpu.dma_semaphore, #tpu.memory_space<semaphore_mem>>) src(%dma_wait3A_437 : memref<80x64xf32, #tpu.memory_space<hbm>>) dst(%arg11 : memref<80x64xf32, #tpu.memory_space<vmem>>)
      %dma_wait3A_438 = arith.constant 0 : i32
      %dma_wait3A_439 = arith.constant 0 : i32
      %dma_wait3A_440 = tpu.memref_slice %arg2[%dma_wait3A_438, %dma_wait3A_439] : memref<10000x128xf32, #tpu.memory_space<hbm>> -> memref<80x128xf32, #tpu.memory_space<hbm>>
      %dma_wait3A_441 = arith.constant 0 : i32
      %dma_wait3A_442 = arith.constant 0 : i32
      %dma_wait3A_443 = tpu.memref_slice %arg2[%dma_wait3A_441, %dma_wait3A_442] : memref<10000x128xf32, #tpu.memory_space<hbm>> -> memref<80x128xf32, #tpu.memory_space<hbm>>
      tpu.wait_dma2 semaphore(%arg17 : memref<!tpu.dma_semaphore, #tpu.memory_space<semaphore_mem>>) src(%dma_wait3A_443 : memref<80x128xf32, #tpu.memory_space<hbm>>) dst(%arg12 : memref<80x128xf32, #tpu.memory_space<vmem>>)
      %parallel_loop3A_444 = arith.constant 0 : i32
      %parallel_loop3A_445 = arith.constant 80 : i32
      %parallel_loop3A_446 = arith.constant 1 : i32
      scf.for %parallel_loop3A_491 = %parallel_loop3A_444 to %parallel_loop3A_445 step %parallel_loop3A_446  : i32 {
        %parallel_loop3A_492 = arith.index_cast %parallel_loop3A_491 : i32 to index
        %parallel_loop3A_493 = arith.constant 0 : index
        %parallel_loop3A_494 = tpu.vector_load %arg11[%parallel_loop3A_492, %parallel_loop3A_493] {strides = array<i32>} : memref<80x64xf32, #tpu.memory_space<vmem>>, vector<1x16xf32>,
        %parallel_loop3A_495 = vector.shape_cast %parallel_loop3A_494 : vector<1x16xf32> to vector<16xf32>
        %parallel_loop3A_496 = arith.index_cast %parallel_loop3A_491 : i32 to index
        %parallel_loop3A_497 = arith.constant 0 : index
        %parallel_loop3A_498 = tpu.vector_load %arg12[%parallel_loop3A_496, %parallel_loop3A_497] {strides = array<i32>} : memref<80x128xf32, #tpu.memory_space<vmem>>, vector<1x16xf32>,
        %parallel_loop3A_499 = vector.shape_cast %parallel_loop3A_498 : vector<1x16xf32> to vector<16xf32>
        %parallel_loop3A_500 = arith.addf %parallel_loop3A_495, %parallel_loop3A_499 : vector<16xf32>
        %parallel_loop3A_501 = arith.constant 0.000000e+00 : f32
        %parallel_loop3A_502 = vector.broadcast %parallel_loop3A_501 : f32 to vector<16xf32>
        %parallel_loop3A_503 = arith.maximumf %parallel_loop3A_500, %parallel_loop3A_502 : vector<16xf32>
        %parallel_loop3A_504 = arith.index_cast %parallel_loop3A_491 : i32 to index
        %parallel_loop3A_505 = arith.constant 0 : index
        %parallel_loop3A_506 = tpu.vector_load %arg13[%parallel_loop3A_504, %parallel_loop3A_505] {strides = array<i32>} : memref<80x128xf32, #tpu.memory_space<vmem>>, vector<1x16xf32>,
        %parallel_loop3A_507 = vector.shape_cast %parallel_loop3A_506 : vector<1x16xf32> to vector<16xf32>
        %parallel_loop3A_508 = vector.shape_cast %parallel_loop3A_503 : vector<16xf32> to vector<1x16xf32>
        tpu.vector_store %arg13[%parallel_loop3A_504, %parallel_loop3A_505], %parallel_loop3A_508 {strides = array<i32>} : memref<80x128xf32, #tpu.memory_space<vmem>>, vector<1x16xf32>,
        %parallel_loop3A_509 = arith.index_cast %parallel_loop3A_491 : i32 to index
        %parallel_loop3A_510 = arith.constant 16 : index
        %parallel_loop3A_511 = tpu.vector_load %arg11[%parallel_loop3A_509, %parallel_loop3A_510] {strides = array<i32>} : memref<80x64xf32, #tpu.memory_space<vmem>>, vector<1x16xf32>,
        %parallel_loop3A_512 = vector.shape_cast %parallel_loop3A_511 : vector<1x16xf32> to vector<16xf32>
        %parallel_loop3A_513 = arith.index_cast %parallel_loop3A_491 : i32 to index
        %parallel_loop3A_514 = arith.constant 16 : index
        %parallel_loop3A_515 = tpu.vector_load %arg12[%parallel_loop3A_513, %parallel_loop3A_514] {strides = array<i32>} : memref<80x128xf32, #tpu.memory_space<vmem>>, vector<1x16xf32>,
        %parallel_loop3A_516 = vector.shape_cast %parallel_loop3A_515 : vector<1x16xf32> to vector<16xf32>
        %parallel_loop3A_517 = arith.addf %parallel_loop3A_512, %parallel_loop3A_516 : vector<16xf32>
        %parallel_loop3A_518 = arith.constant 0.000000e+00 : f32
        %parallel_loop3A_519 = vector.broadcast %parallel_loop3A_518 : f32 to vector<16xf32>
        %parallel_loop3A_520 = arith.maximumf %parallel_loop3A_517, %parallel_loop3A_519 : vector<16xf32>
        %parallel_loop3A_521 = arith.index_cast %parallel_loop3A_491 : i32 to index
        %parallel_loop3A_522 = arith.constant 16 : index
        %parallel_loop3A_523 = tpu.vector_load %arg13[%parallel_loop3A_521, %parallel_loop3A_522] {strides = array<i32>} : memref<80x128xf32, #tpu.memory_space<vmem>>, vector<1x16xf32>,
        %parallel_loop3A_524 = vector.shape_cast %parallel_loop3A_523 : vector<1x16xf32> to vector<16xf32>
        %parallel_loop3A_525 = vector.shape_cast %parallel_loop3A_520 : vector<16xf32> to vector<1x16xf32>
        tpu.vector_store %arg13[%parallel_loop3A_521, %parallel_loop3A_522], %parallel_loop3A_525 {strides = array<i32>} : memref<80x128xf32, #tpu.memory_space<vmem>>, vector<1x16xf32>,
        %parallel_loop3A_526 = arith.index_cast %parallel_loop3A_491 : i32 to index
        %parallel_loop3A_527 = arith.constant 32 : index
        %parallel_loop3A_528 = tpu.vector_load %arg11[%parallel_loop3A_526, %parallel_loop3A_527] {strides = array<i32>} : memref<80x64xf32, #tpu.memory_space<vmem>>, vector<1x16xf32>,
        %parallel_loop3A_529 = vector.shape_cast %parallel_loop3A_528 : vector<1x16xf32> to vector<16xf32>
        %parallel_loop3A_530 = arith.index_cast %parallel_loop3A_491 : i32 to index
        %parallel_loop3A_531 = arith.constant 32 : index
        %parallel_loop3A_532 = tpu.vector_load %arg12[%parallel_loop3A_530, %parallel_loop3A_531] {strides = array<i32>} : memref<80x128xf32, #tpu.memory_space<vmem>>, vector<1x16xf32>,
        %parallel_loop3A_533 = vector.shape_cast %parallel_loop3A_532 : vector<1x16xf32> to vector<16xf32>
        %parallel_loop3A_534 = arith.addf %parallel_loop3A_529, %parallel_loop3A_533 : vector<16xf32>
        %parallel_loop3A_535 = arith.constant 0.000000e+00 : f32
        %parallel_loop3A_536 = vector.broadcast %parallel_loop3A_535 : f32 to vector<16xf32>
        %parallel_loop3A_537 = arith.maximumf %parallel_loop3A_534, %parallel_loop3A_536 : vector<16xf32>
        %parallel_loop3A_538 = arith.index_cast %parallel_loop3A_491 : i32 to index
        %parallel_loop3A_539 = arith.constant 32 : index
        %parallel_loop3A_540 = tpu.vector_load %arg13[%parallel_loop3A_538, %parallel_loop3A_539] {strides = array<i32>} : memref<80x128xf32, #tpu.memory_space<vmem>>, vector<1x16xf32>,
        %parallel_loop3A_541 = vector.shape_cast %parallel_loop3A_540 : vector<1x16xf32> to vector<16xf32>
        %parallel_loop3A_542 = vector.shape_cast %parallel_loop3A_537 : vector<16xf32> to vector<1x16xf32>
        tpu.vector_store %arg13[%parallel_loop3A_538, %parallel_loop3A_539], %parallel_loop3A_542 {strides = array<i32>} : memref<80x128xf32, #tpu.memory_space<vmem>>, vector<1x16xf32>,
        %parallel_loop3A_543 = arith.index_cast %parallel_loop3A_491 : i32 to index
        %parallel_loop3A_544 = arith.constant 48 : index
        %parallel_loop3A_545 = tpu.vector_load %arg11[%parallel_loop3A_543, %parallel_loop3A_544] {strides = array<i32>} : memref<80x64xf32, #tpu.memory_space<vmem>>, vector<1x16xf32>,
        %parallel_loop3A_546 = vector.shape_cast %parallel_loop3A_545 : vector<1x16xf32> to vector<16xf32>
        %parallel_loop3A_547 = arith.index_cast %parallel_loop3A_491 : i32 to index
        %parallel_loop3A_548 = arith.constant 48 : index
        %parallel_loop3A_549 = tpu.vector_load %arg12[%parallel_loop3A_547, %parallel_loop3A_548] {strides = array<i32>} : memref<80x128xf32, #tpu.memory_space<vmem>>, vector<1x16xf32>,
        %parallel_loop3A_550 = vector.shape_cast %parallel_loop3A_549 : vector<1x16xf32> to vector<16xf32>
        %parallel_loop3A_551 = arith.addf %parallel_loop3A_546, %parallel_loop3A_550 : vector<16xf32>
        %parallel_loop3A_552 = arith.constant 0.000000e+00 : f32
        %parallel_loop3A_553 = vector.broadcast %parallel_loop3A_552 : f32 to vector<16xf32>
        %parallel_loop3A_554 = arith.maximumf %parallel_loop3A_551, %parallel_loop3A_553 : vector<16xf32>
        %parallel_loop3A_555 = arith.index_cast %parallel_loop3A_491 : i32 to index
        %parallel_loop3A_556 = arith.constant 48 : index
        %parallel_loop3A_557 = tpu.vector_load %arg13[%parallel_loop3A_555, %parallel_loop3A_556] {strides = array<i32>} : memref<80x128xf32, #tpu.memory_space<vmem>>, vector<1x16xf32>,
        %parallel_loop3A_558 = vector.shape_cast %parallel_loop3A_557 : vector<1x16xf32> to vector<16xf32>
        %parallel_loop3A_559 = vector.shape_cast %parallel_loop3A_554 : vector<16xf32> to vector<1x16xf32>
        tpu.vector_store %arg13[%parallel_loop3A_555, %parallel_loop3A_556], %parallel_loop3A_559 {strides = array<i32>} : memref<80x128xf32, #tpu.memory_space<vmem>>, vector<1x16xf32>,
      } {sc.loop_unroll_factor = 4 : i64, sc.parallel_access}
      %dma_wait3A_447 = arith.constant 0 : i32
      %dma_wait3A_448 = arith.constant 0 : i32
      %dma_wait3A_449 = tpu.memref_slice %arg9[%dma_wait3A_447, %dma_wait3A_448] : memref<1x80xi32, #tpu.memory_space<vmem>> -> memref<1x80xi32, #tpu.memory_space<vmem>>
      %dma_wait3A_450 = tpu.memref_squeeze %dma_wait3A_449 : memref<1x80xi32, #tpu.memory_space<vmem>> -> memref<80xi32, #tpu.memory_space<vmem>>
      %dma_wait3A_451 = arith.constant 0 : i32
      %dma_wait3A_452 = tpu.memref_slice %arg5[%dma_wait3A_451] : memref<320000xi32, #tpu.memory_space<hbm>> -> memref<80xi32, #tpu.memory_space<hbm>>
      %dma_wait3A_453 = arith.constant 0 : i32
      %dma_wait3A_454 = tpu.memref_slice %arg9[%dma_wait3A_447, %dma_wait3A_453] : memref<1x80xi32, #tpu.memory_space<vmem>> -> memref<1x80xi32, #tpu.memory_space<vmem>>
      %dma_wait3A_455 = tpu.memref_squeeze %dma_wait3A_454 : memref<1x80xi32, #tpu.memory_space<vmem>> -> memref<80xi32, #tpu.memory_space<vmem>>
      %dma_wait3A_456 = arith.constant 0 : i32
      %dma_wait3A_457 = tpu.memref_slice %arg5[%dma_wait3A_456] : memref<320000xi32, #tpu.memory_space<hbm>> -> memref<80xi32, #tpu.memory_space<hbm>>
      tpu.wait_dma2 semaphore(%arg20 : memref<!tpu.dma_semaphore, #tpu.memory_space<semaphore_mem>>) src(%dma_wait3A_457 : memref<80xi32, #tpu.memory_space<hbm>>) dst(%dma_wait3A_455 : memref<80xi32, #tpu.memory_space<vmem>>)
      %dma_start3A_458 = arith.constant 0 : i32
      %dma_start3A_459 = arith.constant 0 : i32
      %dma_start3A_460 = tpu.memref_slice %arg9[%dma_start3A_458, %dma_start3A_459] : memref<1x80xi32, #tpu.memory_space<vmem>> -> memref<1x80xi32, #tpu.memory_space<vmem>>
      %dma_start3A_461 = tpu.memref_squeeze %dma_start3A_460 : memref<1x80xi32, #tpu.memory_space<vmem>> -> memref<80xi32, #tpu.memory_space<vmem>>
      %dma_start3A_462 = arith.constant 0 : i32
      %dma_start3A_463 = arith.constant 0 : i32
      %dma_start3A_464 = tpu.memref_slice %arg15[%dma_start3A_462, %dma_start3A_463] : memref<10240x128xf32, #tpu.memory_space<vmem_shared>> -> memref<10240x128xf32, #tpu.memory_space<vmem_shared>>
      tpu.enqueue_indirect_dma source(%arg13 : memref<80x128xf32, #tpu.memory_space<vmem>>) target(%dma_start3A_464 : memref<10240x128xf32, #tpu.memory_space<vmem_shared>>) offsets(%dma_start3A_461 : memref<80xi32, #tpu.memory_space<vmem>>) semaphore(%arg22 : memref<!tpu.dma_semaphore, #tpu.memory_space<semaphore_mem>>) {add = true}
      %add3A_465 = arith.constant 3 : i32
      %add3A_466 = arith.addi %add3A_304, %add3A_465 : i32
      %mul3A_467 = arith.constant 80 : i32
      %mul3A_468 = arith.muli %add3A_466, %mul3A_467 : i32
      %add3A_469 = arith.addi %mul3A_2, %mul3A_468 : i32
      %dma_start3A_470 = arith.constant 0 : i32
      %dma_start3A_471 = arith.constant 0 : i32
      %dma_start3A_472 = tpu.memref_slice %arg7[%dma_start3A_470, %dma_start3A_471] : memref<1x80xi32, #tpu.memory_space<vmem>> -> memref<1x80xi32, #tpu.memory_space<vmem>>
      %dma_start3A_473 = tpu.memref_squeeze %dma_start3A_472 : memref<1x80xi32, #tpu.memory_space<vmem>> -> memref<80xi32, #tpu.memory_space<vmem>>
      %dma_start3A_474 = tpu.memref_slice %arg4[%add3A_469] : memref<320000xi32, #tpu.memory_space<hbm>> -> memref<80xi32, #tpu.memory_space<hbm>>
      %dma_start3A_475 = arith.constant 0 : i32
      %dma_start3A_476 = tpu.memref_slice %arg7[%dma_start3A_470, %dma_start3A_475] : memref<1x80xi32, #tpu.memory_space<vmem>> -> memref<1x80xi32, #tpu.memory_space<vmem>>
      %dma_start3A_477 = tpu.memref_squeeze %dma_start3A_476 : memref<1x80xi32, #tpu.memory_space<vmem>> -> memref<80xi32, #tpu.memory_space<vmem>>
      %dma_start3A_478 = tpu.memref_slice %arg4[%add3A_469] : memref<320000xi32, #tpu.memory_space<hbm>> -> memref<80xi32, #tpu.memory_space<hbm>>
      tpu.enqueue_dma source(%dma_start3A_478 : memref<80xi32, #tpu.memory_space<hbm>>) target(%dma_start3A_477 : memref<80xi32, #tpu.memory_space<vmem>>) target_semaphore(%arg18 : memref<!tpu.dma_semaphore, #tpu.memory_space<semaphore_mem>>)
      %mul3A_479 = arith.constant 80 : i32
      %mul3A_480 = arith.muli %add3A_466, %mul3A_479 : i32
      %add3A_481 = arith.addi %mul3A_2, %mul3A_480 : i32
      %dma_start3A_482 = arith.constant 0 : i32
      %dma_start3A_483 = arith.constant 0 : i32
      %dma_start3A_484 = tpu.memref_slice %arg9[%dma_start3A_482, %dma_start3A_483] : memref<1x80xi32, #tpu.memory_space<vmem>> -> memref<1x80xi32, #tpu.memory_space<vmem>>
      %dma_start3A_485 = tpu.memref_squeeze %dma_start3A_484 : memref<1x80xi32, #tpu.memory_space<vmem>> -> memref<80xi32, #tpu.memory_space<vmem>>
      %dma_start3A_486 = tpu.memref_slice %arg5[%add3A_481] : memref<320000xi32, #tpu.memory_space<hbm>> -> memref<80xi32, #tpu.memory_space<hbm>>
      %dma_start3A_487 = arith.constant 0 : i32
      %dma_start3A_488 = tpu.memref_slice %arg9[%dma_start3A_482, %dma_start3A_487] : memref<1x80xi32, #tpu.memory_space<vmem>> -> memref<1x80xi32, #tpu.memory_space<vmem>>
      %dma_start3A_489 = tpu.memref_squeeze %dma_start3A_488 : memref<1x80xi32, #tpu.memory_space<vmem>> -> memref<80xi32, #tpu.memory_space<vmem>>
      %dma_start3A_490 = tpu.memref_slice %arg5[%add3A_481] : memref<320000xi32, #tpu.memory_space<hbm>> -> memref<80xi32, #tpu.memory_space<hbm>>
      tpu.enqueue_dma source(%dma_start3A_490 : memref<80xi32, #tpu.memory_space<hbm>>) target(%dma_start3A_489 : memref<80xi32, #tpu.memory_space<vmem>>) target_semaphore(%arg20 : memref<!tpu.dma_semaphore, #tpu.memory_space<semaphore_mem>>)
    }
    %scan3A_159 = arith.constant 61 : i32
    %dma_wait3A_160 = arith.constant 0 : i32
    %dma_wait3A_161 = arith.constant 0 : i32
    %dma_wait3A_162 = tpu.memref_slice %arg8[%dma_wait3A_160, %dma_wait3A_161] : memref<1x80xi32, #tpu.memory_space<vmem>> -> memref<1x80xi32, #tpu.memory_space<vmem>>
    %dma_wait3A_163 = tpu.memref_squeeze %dma_wait3A_162 : memref<1x80xi32, #tpu.memory_space<vmem>> -> memref<80xi32, #tpu.memory_space<vmem>>
    %dma_wait3A_164 = arith.constant 0 : i32
    %dma_wait3A_165 = tpu.memref_slice %arg4[%dma_wait3A_164] : memref<320000xi32, #tpu.memory_space<hbm>> -> memref<80xi32, #tpu.memory_space<hbm>>
    %dma_wait3A_166 = arith.constant 0 : i32
    %dma_wait3A_167 = tpu.memref_slice %arg8[%dma_wait3A_160, %dma_wait3A_166] : memref<1x80xi32, #tpu.memory_space<vmem>> -> memref<1x80xi32, #tpu.memory_space<vmem>>
    %dma_wait3A_168 = tpu.memref_squeeze %dma_wait3A_167 : memref<1x80xi32, #tpu.memory_space<vmem>> -> memref<80xi32, #tpu.memory_space<vmem>>
    %dma_wait3A_169 = arith.constant 0 : i32
    %dma_wait3A_170 = tpu.memref_slice %arg4[%dma_wait3A_169] : memref<320000xi32, #tpu.memory_space<hbm>> -> memref<80xi32, #tpu.memory_space<hbm>>
    tpu.wait_dma2 semaphore(%arg19 : memref<!tpu.dma_semaphore, #tpu.memory_space<semaphore_mem>>) src(%dma_wait3A_170 : memref<80xi32, #tpu.memory_space<hbm>>) dst(%dma_wait3A_168 : memref<80xi32, #tpu.memory_space<vmem>>)
    %add3A_171 = arith.constant 9840 : i32
    %add3A_172 = arith.addi %mul3A_2, %add3A_171 : i32
    %dma_start3A_173 = arith.constant 0 : i32
    %dma_start3A_174 = tpu.memref_slice %arg3[%add3A_172, %dma_start3A_173] : memref<320000x64xf32, #tpu.memory_space<hbm>> -> memref<80x64xf32, #tpu.memory_space<hbm>>
    %dma_start3A_175 = arith.constant 0 : i32
    %dma_start3A_176 = tpu.memref_slice %arg3[%add3A_172, %dma_start3A_175] : memref<320000x64xf32, #tpu.memory_space<hbm>> -> memref<80x64xf32, #tpu.memory_space<hbm>>
    tpu.enqueue_dma source(%dma_start3A_176 : memref<80x64xf32, #tpu.memory_space<hbm>>) target(%arg11 : memref<80x64xf32, #tpu.memory_space<vmem>>) target_semaphore(%arg16 : memref<!tpu.dma_semaphore, #tpu.memory_space<semaphore_mem>>)
    %dma_start3A_177 = arith.constant 0 : i32
    %dma_start3A_178 = arith.constant 0 : i32
    %dma_start3A_179 = tpu.memref_slice %arg8[%dma_start3A_177, %dma_start3A_178] : memref<1x80xi32, #tpu.memory_space<vmem>> -> memref<1x80xi32, #tpu.memory_space<vmem>>
    %dma_start3A_180 = tpu.memref_squeeze %dma_start3A_179 : memref<1x80xi32, #tpu.memory_space<vmem>> -> memref<80xi32, #tpu.memory_space<vmem>>
    %dma_start3A_181 = arith.constant 0 : i32
    %dma_start3A_182 = arith.constant 0 : i32
    %dma_start3A_183 = tpu.memref_slice %arg2[%dma_start3A_181, %dma_start3A_182] : memref<10000x128xf32, #tpu.memory_space<hbm>> -> memref<10000x128xf32, #tpu.memory_space<hbm>>
    tpu.enqueue_indirect_dma source(%dma_start3A_183 : memref<10000x128xf32, #tpu.memory_space<hbm>>) target(%arg12 : memref<80x128xf32, #tpu.memory_space<vmem>>) offsets(%dma_start3A_180 : memref<80xi32, #tpu.memory_space<vmem>>) semaphore(%arg17 : memref<!tpu.dma_semaphore, #tpu.memory_space<semaphore_mem>>)
    %dma_wait3A_184 = arith.constant 0 : i32
    %dma_wait3A_185 = arith.constant 0 : i32
    %dma_wait3A_186 = tpu.memref_slice %arg10[%dma_wait3A_184, %dma_wait3A_185] : memref<1x80xi32, #tpu.memory_space<vmem>> -> memref<1x80xi32, #tpu.memory_space<vmem>>
    %dma_wait3A_187 = tpu.memref_squeeze %dma_wait3A_186 : memref<1x80xi32, #tpu.memory_space<vmem>> -> memref<80xi32, #tpu.memory_space<vmem>>
    %dma_wait3A_188 = arith.constant 0 : i32
    %dma_wait3A_189 = arith.constant 0 : i32
    %dma_wait3A_190 = tpu.memref_slice %arg15[%dma_wait3A_188, %dma_wait3A_189] : memref<10240x128xf32, #tpu.memory_space<vmem_shared>> -> memref<10240x128xf32, #tpu.memory_space<vmem_shared>>
    tpu.wait_indirect_dma semaphore(%arg22 : memref<!tpu.dma_semaphore, #tpu.memory_space<semaphore_mem>>) src(%arg13 : memref<80x128xf32, #tpu.memory_space<vmem>>) dst(%dma_wait3A_190 : memref<10240x128xf32, #tpu.memory_space<vmem_shared>>)
    %add3A_191 = arith.constant 9840 : i32
    %add3A_192 = arith.addi %mul3A_2, %add3A_191 : i32
    %dma_wait3A_193 = arith.constant 0 : i32
    %dma_wait3A_194 = tpu.memref_slice %arg3[%add3A_192, %dma_wait3A_193] : memref<320000x64xf32, #tpu.memory_space<hbm>> -> memref<80x64xf32, #tpu.memory_space<hbm>>
    %dma_wait3A_195 = arith.constant 0 : i32
    %dma_wait3A_196 = tpu.memref_slice %arg3[%add3A_192, %dma_wait3A_195] : memref<320000x64xf32, #tpu.memory_space<hbm>> -> memref<80x64xf32, #tpu.memory_space<hbm>>
    tpu.wait_dma2 semaphore(%arg16 : memref<!tpu.dma_semaphore, #tpu.memory_space<semaphore_mem>>) src(%dma_wait3A_196 : memref<80x64xf32, #tpu.memory_space<hbm>>) dst(%arg11 : memref<80x64xf32, #tpu.memory_space<vmem>>)
    %dma_wait3A_197 = arith.constant 0 : i32
    %dma_wait3A_198 = arith.constant 0 : i32
    %dma_wait3A_199 = tpu.memref_slice %arg2[%dma_wait3A_197, %dma_wait3A_198] : memref<10000x128xf32, #tpu.memory_space<hbm>> -> memref<80x128xf32, #tpu.memory_space<hbm>>
    %dma_wait3A_200 = arith.constant 0 : i32
    %dma_wait3A_201 = arith.constant 0 : i32
    %dma_wait3A_202 = tpu.memref_slice %arg2[%dma_wait3A_200, %dma_wait3A_201] : memref<10000x128xf32, #tpu.memory_space<hbm>> -> memref<80x128xf32, #tpu.memory_space<hbm>>
    tpu.wait_dma2 semaphore(%arg17 : memref<!tpu.dma_semaphore, #tpu.memory_space<semaphore_mem>>) src(%dma_wait3A_202 : memref<80x128xf32, #tpu.memory_space<hbm>>) dst(%arg12 : memref<80x128xf32, #tpu.memory_space<vmem>>)
    %parallel_loop3A_203 = arith.constant 0 : i32
    %parallel_loop3A_204 = arith.constant 80 : i32
    %parallel_loop3A_205 = arith.constant 1 : i32
    scf.for %parallel_loop3A_300 = %parallel_loop3A_203 to %parallel_loop3A_204 step %parallel_loop3A_205  : i32 {
      %parallel_loop3A_301 = arith.index_cast %parallel_loop3A_300 : i32 to index
      %parallel_loop3A_302 = arith.constant 0 : index
      %parallel_loop3A_303 = tpu.vector_load %arg11[%parallel_loop3A_301, %parallel_loop3A_302] {strides = array<i32>} : memref<80x64xf32, #tpu.memory_space<vmem>>, vector<1x16xf32>,
      %parallel_loop3A_304 = vector.shape_cast %parallel_loop3A_303 : vector<1x16xf32> to vector<16xf32>
      %parallel_loop3A_305 = arith.index_cast %parallel_loop3A_300 : i32 to index
      %parallel_loop3A_306 = arith.constant 0 : index
      %parallel_loop3A_307 = tpu.vector_load %arg12[%parallel_loop3A_305, %parallel_loop3A_306] {strides = array<i32>} : memref<80x128xf32, #tpu.memory_space<vmem>>, vector<1x16xf32>,
      %parallel_loop3A_308 = vector.shape_cast %parallel_loop3A_307 : vector<1x16xf32> to vector<16xf32>
      %parallel_loop3A_309 = arith.addf %parallel_loop3A_304, %parallel_loop3A_308 : vector<16xf32>
      %parallel_loop3A_310 = arith.constant 0.000000e+00 : f32
      %parallel_loop3A_311 = vector.broadcast %parallel_loop3A_310 : f32 to vector<16xf32>
      %parallel_loop3A_312 = arith.maximumf %parallel_loop3A_309, %parallel_loop3A_311 : vector<16xf32>
      %parallel_loop3A_313 = arith.index_cast %parallel_loop3A_300 : i32 to index
      %parallel_loop3A_314 = arith.constant 0 : index
      %parallel_loop3A_315 = tpu.vector_load %arg13[%parallel_loop3A_313, %parallel_loop3A_314] {strides = array<i32>} : memref<80x128xf32, #tpu.memory_space<vmem>>, vector<1x16xf32>,
      %parallel_loop3A_316 = vector.shape_cast %parallel_loop3A_315 : vector<1x16xf32> to vector<16xf32>
      %parallel_loop3A_317 = vector.shape_cast %parallel_loop3A_312 : vector<16xf32> to vector<1x16xf32>
      tpu.vector_store %arg13[%parallel_loop3A_313, %parallel_loop3A_314], %parallel_loop3A_317 {strides = array<i32>} : memref<80x128xf32, #tpu.memory_space<vmem>>, vector<1x16xf32>,
      %parallel_loop3A_318 = arith.index_cast %parallel_loop3A_300 : i32 to index
      %parallel_loop3A_319 = arith.constant 16 : index
      %parallel_loop3A_320 = tpu.vector_load %arg11[%parallel_loop3A_318, %parallel_loop3A_319] {strides = array<i32>} : memref<80x64xf32, #tpu.memory_space<vmem>>, vector<1x16xf32>,
      %parallel_loop3A_321 = vector.shape_cast %parallel_loop3A_320 : vector<1x16xf32> to vector<16xf32>
      %parallel_loop3A_322 = arith.index_cast %parallel_loop3A_300 : i32 to index
      %parallel_loop3A_323 = arith.constant 16 : index
      %parallel_loop3A_324 = tpu.vector_load %arg12[%parallel_loop3A_322, %parallel_loop3A_323] {strides = array<i32>} : memref<80x128xf32, #tpu.memory_space<vmem>>, vector<1x16xf32>,
      %parallel_loop3A_325 = vector.shape_cast %parallel_loop3A_324 : vector<1x16xf32> to vector<16xf32>
      %parallel_loop3A_326 = arith.addf %parallel_loop3A_321, %parallel_loop3A_325 : vector<16xf32>
      %parallel_loop3A_327 = arith.constant 0.000000e+00 : f32
      %parallel_loop3A_328 = vector.broadcast %parallel_loop3A_327 : f32 to vector<16xf32>
      %parallel_loop3A_329 = arith.maximumf %parallel_loop3A_326, %parallel_loop3A_328 : vector<16xf32>
      %parallel_loop3A_330 = arith.index_cast %parallel_loop3A_300 : i32 to index
      %parallel_loop3A_331 = arith.constant 16 : index
      %parallel_loop3A_332 = tpu.vector_load %arg13[%parallel_loop3A_330, %parallel_loop3A_331] {strides = array<i32>} : memref<80x128xf32, #tpu.memory_space<vmem>>, vector<1x16xf32>,
      %parallel_loop3A_333 = vector.shape_cast %parallel_loop3A_332 : vector<1x16xf32> to vector<16xf32>
      %parallel_loop3A_334 = vector.shape_cast %parallel_loop3A_329 : vector<16xf32> to vector<1x16xf32>
      tpu.vector_store %arg13[%parallel_loop3A_330, %parallel_loop3A_331], %parallel_loop3A_334 {strides = array<i32>} : memref<80x128xf32, #tpu.memory_space<vmem>>, vector<1x16xf32>,
      %parallel_loop3A_335 = arith.index_cast %parallel_loop3A_300 : i32 to index
      %parallel_loop3A_336 = arith.constant 32 : index
      %parallel_loop3A_337 = tpu.vector_load %arg11[%parallel_loop3A_335, %parallel_loop3A_336] {strides = array<i32>} : memref<80x64xf32, #tpu.memory_space<vmem>>, vector<1x16xf32>,
      %parallel_loop3A_338 = vector.shape_cast %parallel_loop3A_337 : vector<1x16xf32> to vector<16xf32>
      %parallel_loop3A_339 = arith.index_cast %parallel_loop3A_300 : i32 to index
      %parallel_loop3A_340 = arith.constant 32 : index
      %parallel_loop3A_341 = tpu.vector_load %arg12[%parallel_loop3A_339, %parallel_loop3A_340] {strides = array<i32>} : memref<80x128xf32, #tpu.memory_space<vmem>>, vector<1x16xf32>,
      %parallel_loop3A_342 = vector.shape_cast %parallel_loop3A_341 : vector<1x16xf32> to vector<16xf32>
      %parallel_loop3A_343 = arith.addf %parallel_loop3A_338, %parallel_loop3A_342 : vector<16xf32>
      %parallel_loop3A_344 = arith.constant 0.000000e+00 : f32
      %parallel_loop3A_345 = vector.broadcast %parallel_loop3A_344 : f32 to vector<16xf32>
      %parallel_loop3A_346 = arith.maximumf %parallel_loop3A_343, %parallel_loop3A_345 : vector<16xf32>
      %parallel_loop3A_347 = arith.index_cast %parallel_loop3A_300 : i32 to index
      %parallel_loop3A_348 = arith.constant 32 : index
      %parallel_loop3A_349 = tpu.vector_load %arg13[%parallel_loop3A_347, %parallel_loop3A_348] {strides = array<i32>} : memref<80x128xf32, #tpu.memory_space<vmem>>, vector<1x16xf32>,
      %parallel_loop3A_350 = vector.shape_cast %parallel_loop3A_349 : vector<1x16xf32> to vector<16xf32>
      %parallel_loop3A_351 = vector.shape_cast %parallel_loop3A_346 : vector<16xf32> to vector<1x16xf32>
      tpu.vector_store %arg13[%parallel_loop3A_347, %parallel_loop3A_348], %parallel_loop3A_351 {strides = array<i32>} : memref<80x128xf32, #tpu.memory_space<vmem>>, vector<1x16xf32>,
      %parallel_loop3A_352 = arith.index_cast %parallel_loop3A_300 : i32 to index
      %parallel_loop3A_353 = arith.constant 48 : index
      %parallel_loop3A_354 = tpu.vector_load %arg11[%parallel_loop3A_352, %parallel_loop3A_353] {strides = array<i32>} : memref<80x64xf32, #tpu.memory_space<vmem>>, vector<1x16xf32>,
      %parallel_loop3A_355 = vector.shape_cast %parallel_loop3A_354 : vector<1x16xf32> to vector<16xf32>
      %parallel_loop3A_356 = arith.index_cast %parallel_loop3A_300 : i32 to index
      %parallel_loop3A_357 = arith.constant 48 : index
      %parallel_loop3A_358 = tpu.vector_load %arg12[%parallel_loop3A_356, %parallel_loop3A_357] {strides = array<i32>} : memref<80x128xf32, #tpu.memory_space<vmem>>, vector<1x16xf32>,
      %parallel_loop3A_359 = vector.shape_cast %parallel_loop3A_358 : vector<1x16xf32> to vector<16xf32>
      %parallel_loop3A_360 = arith.addf %parallel_loop3A_355, %parallel_loop3A_359 : vector<16xf32>
      %parallel_loop3A_361 = arith.constant 0.000000e+00 : f32
      %parallel_loop3A_362 = vector.broadcast %parallel_loop3A_361 : f32 to vector<16xf32>
      %parallel_loop3A_363 = arith.maximumf %parallel_loop3A_360, %parallel_loop3A_362 : vector<16xf32>
      %parallel_loop3A_364 = arith.index_cast %parallel_loop3A_300 : i32 to index
      %parallel_loop3A_365 = arith.constant 48 : index
      %parallel_loop3A_366 = tpu.vector_load %arg13[%parallel_loop3A_364, %parallel_loop3A_365] {strides = array<i32>} : memref<80x128xf32, #tpu.memory_space<vmem>>, vector<1x16xf32>,
      %parallel_loop3A_367 = vector.shape_cast %parallel_loop3A_366 : vector<1x16xf32> to vector<16xf32>
      %parallel_loop3A_368 = vector.shape_cast %parallel_loop3A_363 : vector<16xf32> to vector<1x16xf32>
      tpu.vector_store %arg13[%parallel_loop3A_364, %parallel_loop3A_365], %parallel_loop3A_368 {strides = array<i32>} : memref<80x128xf32, #tpu.memory_space<vmem>>, vector<1x16xf32>,
    } {sc.loop_unroll_factor = 4 : i64, sc.parallel_access}
    %dma_wait3A_206 = arith.constant 0 : i32
    %dma_wait3A_207 = arith.constant 0 : i32
    %dma_wait3A_208 = tpu.memref_slice %arg10[%dma_wait3A_206, %dma_wait3A_207] : memref<1x80xi32, #tpu.memory_space<vmem>> -> memref<1x80xi32, #tpu.memory_space<vmem>>
    %dma_wait3A_209 = tpu.memref_squeeze %dma_wait3A_208 : memref<1x80xi32, #tpu.memory_space<vmem>> -> memref<80xi32, #tpu.memory_space<vmem>>
    %dma_wait3A_210 = arith.constant 0 : i32
    %dma_wait3A_211 = tpu.memref_slice %arg5[%dma_wait3A_210] : memref<320000xi32, #tpu.memory_space<hbm>> -> memref<80xi32, #tpu.memory_space<hbm>>
    %dma_wait3A_212 = arith.constant 0 : i32
    %dma_wait3A_213 = tpu.memref_slice %arg10[%dma_wait3A_206, %dma_wait3A_212] : memref<1x80xi32, #tpu.memory_space<vmem>> -> memref<1x80xi32, #tpu.memory_space<vmem>>
    %dma_wait3A_214 = tpu.memref_squeeze %dma_wait3A_213 : memref<1x80xi32, #tpu.memory_space<vmem>> -> memref<80xi32, #tpu.memory_space<vmem>>
    %dma_wait3A_215 = arith.constant 0 : i32
    %dma_wait3A_216 = tpu.memref_slice %arg5[%dma_wait3A_215] : memref<320000xi32, #tpu.memory_space<hbm>> -> memref<80xi32, #tpu.memory_space<hbm>>
    tpu.wait_dma2 semaphore(%arg21 : memref<!tpu.dma_semaphore, #tpu.memory_space<semaphore_mem>>) src(%dma_wait3A_216 : memref<80xi32, #tpu.memory_space<hbm>>) dst(%dma_wait3A_214 : memref<80xi32, #tpu.memory_space<vmem>>)
    %dma_start3A_217 = arith.constant 0 : i32
    %dma_start3A_218 = arith.constant 0 : i32
    %dma_start3A_219 = tpu.memref_slice %arg10[%dma_start3A_217, %dma_start3A_218] : memref<1x80xi32, #tpu.memory_space<vmem>> -> memref<1x80xi32, #tpu.memory_space<vmem>>
    %dma_start3A_220 = tpu.memref_squeeze %dma_start3A_219 : memref<1x80xi32, #tpu.memory_space<vmem>> -> memref<80xi32, #tpu.memory_space<vmem>>
    %dma_start3A_221 = arith.constant 0 : i32
    %dma_start3A_222 = arith.constant 0 : i32
    %dma_start3A_223 = tpu.memref_slice %arg15[%dma_start3A_221, %dma_start3A_222] : memref<10240x128xf32, #tpu.memory_space<vmem_shared>> -> memref<10240x128xf32, #tpu.memory_space<vmem_shared>>
    tpu.enqueue_indirect_dma source(%arg13 : memref<80x128xf32, #tpu.memory_space<vmem>>) target(%dma_start3A_223 : memref<10240x128xf32, #tpu.memory_space<vmem_shared>>) offsets(%dma_start3A_220 : memref<80xi32, #tpu.memory_space<vmem>>) semaphore(%arg22 : memref<!tpu.dma_semaphore, #tpu.memory_space<semaphore_mem>>) {add = true}
    %dma_wait3A_224 = arith.constant 0 : i32
    %dma_wait3A_225 = arith.constant 0 : i32
    %dma_wait3A_226 = tpu.memref_slice %arg7[%dma_wait3A_224, %dma_wait3A_225] : memref<1x80xi32, #tpu.memory_space<vmem>> -> memref<1x80xi32, #tpu.memory_space<vmem>>
    %dma_wait3A_227 = tpu.memref_squeeze %dma_wait3A_226 : memref<1x80xi32, #tpu.memory_space<vmem>> -> memref<80xi32, #tpu.memory_space<vmem>>
    %dma_wait3A_228 = arith.constant 0 : i32
    %dma_wait3A_229 = tpu.memref_slice %arg4[%dma_wait3A_228] : memref<320000xi32, #tpu.memory_space<hbm>> -> memref<80xi32, #tpu.memory_space<hbm>>
    %dma_wait3A_230 = arith.constant 0 : i32
    %dma_wait3A_231 = tpu.memref_slice %arg7[%dma_wait3A_224, %dma_wait3A_230] : memref<1x80xi32, #tpu.memory_space<vmem>> -> memref<1x80xi32, #tpu.memory_space<vmem>>
    %dma_wait3A_232 = tpu.memref_squeeze %dma_wait3A_231 : memref<1x80xi32, #tpu.memory_space<vmem>> -> memref<80xi32, #tpu.memory_space<vmem>>
    %dma_wait3A_233 = arith.constant 0 : i32
    %dma_wait3A_234 = tpu.memref_slice %arg4[%dma_wait3A_233] : memref<320000xi32, #tpu.memory_space<hbm>> -> memref<80xi32, #tpu.memory_space<hbm>>
    tpu.wait_dma2 semaphore(%arg18 : memref<!tpu.dma_semaphore, #tpu.memory_space<semaphore_mem>>) src(%dma_wait3A_234 : memref<80xi32, #tpu.memory_space<hbm>>) dst(%dma_wait3A_232 : memref<80xi32, #tpu.memory_space<vmem>>)
    %add3A_235 = arith.constant 9920 : i32
    %add3A_236 = arith.addi %mul3A_2, %add3A_235 : i32
    %dma_start3A_237 = arith.constant 0 : i32
    %dma_start3A_238 = tpu.memref_slice %arg3[%add3A_236, %dma_start3A_237] : memref<320000x64xf32, #tpu.memory_space<hbm>> -> memref<80x64xf32, #tpu.memory_space<hbm>>
    %dma_start3A_239 = arith.constant 0 : i32
    %dma_start3A_240 = tpu.memref_slice %arg3[%add3A_236, %dma_start3A_239] : memref<320000x64xf32, #tpu.memory_space<hbm>> -> memref<80x64xf32, #tpu.memory_space<hbm>>
    tpu.enqueue_dma source(%dma_start3A_240 : memref<80x64xf32, #tpu.memory_space<hbm>>) target(%arg11 : memref<80x64xf32, #tpu.memory_space<vmem>>) target_semaphore(%arg16 : memref<!tpu.dma_semaphore, #tpu.memory_space<semaphore_mem>>)
    %dma_start3A_241 = arith.constant 0 : i32
    %dma_start3A_242 = arith.constant 0 : i32
    %dma_start3A_243 = tpu.memref_slice %arg7[%dma_start3A_241, %dma_start3A_242] : memref<1x80xi32, #tpu.memory_space<vmem>> -> memref<1x80xi32, #tpu.memory_space<vmem>>
    %dma_start3A_244 = tpu.memref_squeeze %dma_start3A_243 : memref<1x80xi32, #tpu.memory_space<vmem>> -> memref<80xi32, #tpu.memory_space<vmem>>
    %dma_start3A_245 = arith.constant 0 : i32
    %dma_start3A_246 = arith.constant 0 : i32
    %dma_start3A_247 = tpu.memref_slice %arg2[%dma_start3A_245, %dma_start3A_246] : memref<10000x128xf32, #tpu.memory_space<hbm>> -> memref<10000x128xf32, #tpu.memory_space<hbm>>
    tpu.enqueue_indirect_dma source(%dma_start3A_247 : memref<10000x128xf32, #tpu.memory_space<hbm>>) target(%arg12 : memref<80x128xf32, #tpu.memory_space<vmem>>) offsets(%dma_start3A_244 : memref<80xi32, #tpu.memory_space<vmem>>) semaphore(%arg17 : memref<!tpu.dma_semaphore, #tpu.memory_space<semaphore_mem>>)
    %dma_wait3A_248 = arith.constant 0 : i32
    %dma_wait3A_249 = arith.constant 0 : i32
    %dma_wait3A_250 = tpu.memref_slice %arg9[%dma_wait3A_248, %dma_wait3A_249] : memref<1x80xi32, #tpu.memory_space<vmem>> -> memref<1x80xi32, #tpu.memory_space<vmem>>
    %dma_wait3A_251 = tpu.memref_squeeze %dma_wait3A_250 : memref<1x80xi32, #tpu.memory_space<vmem>> -> memref<80xi32, #tpu.memory_space<vmem>>
    %dma_wait3A_252 = arith.constant 0 : i32
    %dma_wait3A_253 = arith.constant 0 : i32
    %dma_wait3A_254 = tpu.memref_slice %arg15[%dma_wait3A_252, %dma_wait3A_253] : memref<10240x128xf32, #tpu.memory_space<vmem_shared>> -> memref<10240x128xf32, #tpu.memory_space<vmem_shared>>
    tpu.wait_indirect_dma semaphore(%arg22 : memref<!tpu.dma_semaphore, #tpu.memory_space<semaphore_mem>>) src(%arg13 : memref<80x128xf32, #tpu.memory_space<vmem>>) dst(%dma_wait3A_254 : memref<10240x128xf32, #tpu.memory_space<vmem_shared>>)
    %add3A_255 = arith.constant 9920 : i32
    %add3A_256 = arith.addi %mul3A_2, %add3A_255 : i32
    %dma_wait3A_257 = arith.constant 0 : i32
    %dma_wait3A_258 = tpu.memref_slice %arg3[%add3A_256, %dma_wait3A_257] : memref<320000x64xf32, #tpu.memory_space<hbm>> -> memref<80x64xf32, #tpu.memory_space<hbm>>
    %dma_wait3A_259 = arith.constant 0 : i32
    %dma_wait3A_260 = tpu.memref_slice %arg3[%add3A_256, %dma_wait3A_259] : memref<320000x64xf32, #tpu.memory_space<hbm>> -> memref<80x64xf32, #tpu.memory_space<hbm>>
    tpu.wait_dma2 semaphore(%arg16 : memref<!tpu.dma_semaphore, #tpu.memory_space<semaphore_mem>>) src(%dma_wait3A_260 : memref<80x64xf32, #tpu.memory_space<hbm>>) dst(%arg11 : memref<80x64xf32, #tpu.memory_space<vmem>>)
    %dma_wait3A_261 = arith.constant 0 : i32
    %dma_wait3A_262 = arith.constant 0 : i32
    %dma_wait3A_263 = tpu.memref_slice %arg2[%dma_wait3A_261, %dma_wait3A_262] : memref<10000x128xf32, #tpu.memory_space<hbm>> -> memref<80x128xf32, #tpu.memory_space<hbm>>
    %dma_wait3A_264 = arith.constant 0 : i32
    %dma_wait3A_265 = arith.constant 0 : i32
    %dma_wait3A_266 = tpu.memref_slice %arg2[%dma_wait3A_264, %dma_wait3A_265] : memref<10000x128xf32, #tpu.memory_space<hbm>> -> memref<80x128xf32, #tpu.memory_space<hbm>>
    tpu.wait_dma2 semaphore(%arg17 : memref<!tpu.dma_semaphore, #tpu.memory_space<semaphore_mem>>) src(%dma_wait3A_266 : memref<80x128xf32, #tpu.memory_space<hbm>>) dst(%arg12 : memref<80x128xf32, #tpu.memory_space<vmem>>)
    %parallel_loop3A_267 = arith.constant 0 : i32
    %parallel_loop3A_268 = arith.constant 80 : i32
    %parallel_loop3A_269 = arith.constant 1 : i32
    scf.for %parallel_loop3A_300 = %parallel_loop3A_267 to %parallel_loop3A_268 step %parallel_loop3A_269  : i32 {
      %parallel_loop3A_301 = arith.index_cast %parallel_loop3A_300 : i32 to index
      %parallel_loop3A_302 = arith.constant 0 : index
      %parallel_loop3A_303 = tpu.vector_load %arg11[%parallel_loop3A_301, %parallel_loop3A_302] {strides = array<i32>} : memref<80x64xf32, #tpu.memory_space<vmem>>, vector<1x16xf32>,
      %parallel_loop3A_304 = vector.shape_cast %parallel_loop3A_303 : vector<1x16xf32> to vector<16xf32>
      %parallel_loop3A_305 = arith.index_cast %parallel_loop3A_300 : i32 to index
      %parallel_loop3A_306 = arith.constant 0 : index
      %parallel_loop3A_307 = tpu.vector_load %arg12[%parallel_loop3A_305, %parallel_loop3A_306] {strides = array<i32>} : memref<80x128xf32, #tpu.memory_space<vmem>>, vector<1x16xf32>,
      %parallel_loop3A_308 = vector.shape_cast %parallel_loop3A_307 : vector<1x16xf32> to vector<16xf32>
      %parallel_loop3A_309 = arith.addf %parallel_loop3A_304, %parallel_loop3A_308 : vector<16xf32>
      %parallel_loop3A_310 = arith.constant 0.000000e+00 : f32
      %parallel_loop3A_311 = vector.broadcast %parallel_loop3A_310 : f32 to vector<16xf32>
      %parallel_loop3A_312 = arith.maximumf %parallel_loop3A_309, %parallel_loop3A_311 : vector<16xf32>
      %parallel_loop3A_313 = arith.index_cast %parallel_loop3A_300 : i32 to index
      %parallel_loop3A_314 = arith.constant 0 : index
      %parallel_loop3A_315 = tpu.vector_load %arg13[%parallel_loop3A_313, %parallel_loop3A_314] {strides = array<i32>} : memref<80x128xf32, #tpu.memory_space<vmem>>, vector<1x16xf32>,
      %parallel_loop3A_316 = vector.shape_cast %parallel_loop3A_315 : vector<1x16xf32> to vector<16xf32>
      %parallel_loop3A_317 = vector.shape_cast %parallel_loop3A_312 : vector<16xf32> to vector<1x16xf32>
      tpu.vector_store %arg13[%parallel_loop3A_313, %parallel_loop3A_314], %parallel_loop3A_317 {strides = array<i32>} : memref<80x128xf32, #tpu.memory_space<vmem>>, vector<1x16xf32>,
      %parallel_loop3A_318 = arith.index_cast %parallel_loop3A_300 : i32 to index
      %parallel_loop3A_319 = arith.constant 16 : index
      %parallel_loop3A_320 = tpu.vector_load %arg11[%parallel_loop3A_318, %parallel_loop3A_319] {strides = array<i32>} : memref<80x64xf32, #tpu.memory_space<vmem>>, vector<1x16xf32>,
      %parallel_loop3A_321 = vector.shape_cast %parallel_loop3A_320 : vector<1x16xf32> to vector<16xf32>
      %parallel_loop3A_322 = arith.index_cast %parallel_loop3A_300 : i32 to index
      %parallel_loop3A_323 = arith.constant 16 : index
      %parallel_loop3A_324 = tpu.vector_load %arg12[%parallel_loop3A_322, %parallel_loop3A_323] {strides = array<i32>} : memref<80x128xf32, #tpu.memory_space<vmem>>, vector<1x16xf32>,
      %parallel_loop3A_325 = vector.shape_cast %parallel_loop3A_324 : vector<1x16xf32> to vector<16xf32>
      %parallel_loop3A_326 = arith.addf %parallel_loop3A_321, %parallel_loop3A_325 : vector<16xf32>
      %parallel_loop3A_327 = arith.constant 0.000000e+00 : f32
      %parallel_loop3A_328 = vector.broadcast %parallel_loop3A_327 : f32 to vector<16xf32>
      %parallel_loop3A_329 = arith.maximumf %parallel_loop3A_326, %parallel_loop3A_328 : vector<16xf32>
      %parallel_loop3A_330 = arith.index_cast %parallel_loop3A_300 : i32 to index
      %parallel_loop3A_331 = arith.constant 16 : index
      %parallel_loop3A_332 = tpu.vector_load %arg13[%parallel_loop3A_330, %parallel_loop3A_331] {strides = array<i32>} : memref<80x128xf32, #tpu.memory_space<vmem>>, vector<1x16xf32>,
      %parallel_loop3A_333 = vector.shape_cast %parallel_loop3A_332 : vector<1x16xf32> to vector<16xf32>
      %parallel_loop3A_334 = vector.shape_cast %parallel_loop3A_329 : vector<16xf32> to vector<1x16xf32>
      tpu.vector_store %arg13[%parallel_loop3A_330, %parallel_loop3A_331], %parallel_loop3A_334 {strides = array<i32>} : memref<80x128xf32, #tpu.memory_space<vmem>>, vector<1x16xf32>,
      %parallel_loop3A_335 = arith.index_cast %parallel_loop3A_300 : i32 to index
      %parallel_loop3A_336 = arith.constant 32 : index
      %parallel_loop3A_337 = tpu.vector_load %arg11[%parallel_loop3A_335, %parallel_loop3A_336] {strides = array<i32>} : memref<80x64xf32, #tpu.memory_space<vmem>>, vector<1x16xf32>,
      %parallel_loop3A_338 = vector.shape_cast %parallel_loop3A_337 : vector<1x16xf32> to vector<16xf32>
      %parallel_loop3A_339 = arith.index_cast %parallel_loop3A_300 : i32 to index
      %parallel_loop3A_340 = arith.constant 32 : index
      %parallel_loop3A_341 = tpu.vector_load %arg12[%parallel_loop3A_339, %parallel_loop3A_340] {strides = array<i32>} : memref<80x128xf32, #tpu.memory_space<vmem>>, vector<1x16xf32>,
      %parallel_loop3A_342 = vector.shape_cast %parallel_loop3A_341 : vector<1x16xf32> to vector<16xf32>
      %parallel_loop3A_343 = arith.addf %parallel_loop3A_338, %parallel_loop3A_342 : vector<16xf32>
      %parallel_loop3A_344 = arith.constant 0.000000e+00 : f32
      %parallel_loop3A_345 = vector.broadcast %parallel_loop3A_344 : f32 to vector<16xf32>
      %parallel_loop3A_346 = arith.maximumf %parallel_loop3A_343, %parallel_loop3A_345 : vector<16xf32>
      %parallel_loop3A_347 = arith.index_cast %parallel_loop3A_300 : i32 to index
      %parallel_loop3A_348 = arith.constant 32 : index
      %parallel_loop3A_349 = tpu.vector_load %arg13[%parallel_loop3A_347, %parallel_loop3A_348] {strides = array<i32>} : memref<80x128xf32, #tpu.memory_space<vmem>>, vector<1x16xf32>,
      %parallel_loop3A_350 = vector.shape_cast %parallel_loop3A_349 : vector<1x16xf32> to vector<16xf32>
      %parallel_loop3A_351 = vector.shape_cast %parallel_loop3A_346 : vector<16xf32> to vector<1x16xf32>
      tpu.vector_store %arg13[%parallel_loop3A_347, %parallel_loop3A_348], %parallel_loop3A_351 {strides = array<i32>} : memref<80x128xf32, #tpu.memory_space<vmem>>, vector<1x16xf32>,
      %parallel_loop3A_352 = arith.index_cast %parallel_loop3A_300 : i32 to index
      %parallel_loop3A_353 = arith.constant 48 : index
      %parallel_loop3A_354 = tpu.vector_load %arg11[%parallel_loop3A_352, %parallel_loop3A_353] {strides = array<i32>} : memref<80x64xf32, #tpu.memory_space<vmem>>, vector<1x16xf32>,
      %parallel_loop3A_355 = vector.shape_cast %parallel_loop3A_354 : vector<1x16xf32> to vector<16xf32>
      %parallel_loop3A_356 = arith.index_cast %parallel_loop3A_300 : i32 to index
      %parallel_loop3A_357 = arith.constant 48 : index
      %parallel_loop3A_358 = tpu.vector_load %arg12[%parallel_loop3A_356, %parallel_loop3A_357] {strides = array<i32>} : memref<80x128xf32, #tpu.memory_space<vmem>>, vector<1x16xf32>,
      %parallel_loop3A_359 = vector.shape_cast %parallel_loop3A_358 : vector<1x16xf32> to vector<16xf32>
      %parallel_loop3A_360 = arith.addf %parallel_loop3A_355, %parallel_loop3A_359 : vector<16xf32>
      %parallel_loop3A_361 = arith.constant 0.000000e+00 : f32
      %parallel_loop3A_362 = vector.broadcast %parallel_loop3A_361 : f32 to vector<16xf32>
      %parallel_loop3A_363 = arith.maximumf %parallel_loop3A_360, %parallel_loop3A_362 : vector<16xf32>
      %parallel_loop3A_364 = arith.index_cast %parallel_loop3A_300 : i32 to index
      %parallel_loop3A_365 = arith.constant 48 : index
      %parallel_loop3A_366 = tpu.vector_load %arg13[%parallel_loop3A_364, %parallel_loop3A_365] {strides = array<i32>} : memref<80x128xf32, #tpu.memory_space<vmem>>, vector<1x16xf32>,
      %parallel_loop3A_367 = vector.shape_cast %parallel_loop3A_366 : vector<1x16xf32> to vector<16xf32>
      %parallel_loop3A_368 = vector.shape_cast %parallel_loop3A_363 : vector<16xf32> to vector<1x16xf32>
      tpu.vector_store %arg13[%parallel_loop3A_364, %parallel_loop3A_365], %parallel_loop3A_368 {strides = array<i32>} : memref<80x128xf32, #tpu.memory_space<vmem>>, vector<1x16xf32>,
    } {sc.loop_unroll_factor = 4 : i64, sc.parallel_access}
    %dma_wait3A_270 = arith.constant 0 : i32
    %dma_wait3A_271 = arith.constant 0 : i32
    %dma_wait3A_272 = tpu.memref_slice %arg9[%dma_wait3A_270, %dma_wait3A_271] : memref<1x80xi32, #tpu.memory_space<vmem>> -> memref<1x80xi32, #tpu.memory_space<vmem>>
    %dma_wait3A_273 = tpu.memref_squeeze %dma_wait3A_272 : memref<1x80xi32, #tpu.memory_space<vmem>> -> memref<80xi32, #tpu.memory_space<vmem>>
    %dma_wait3A_274 = arith.constant 0 : i32
    %dma_wait3A_275 = tpu.memref_slice %arg5[%dma_wait3A_274] : memref<320000xi32, #tpu.memory_space<hbm>> -> memref<80xi32, #tpu.memory_space<hbm>>
    %dma_wait3A_276 = arith.constant 0 : i32
    %dma_wait3A_277 = tpu.memref_slice %arg9[%dma_wait3A_270, %dma_wait3A_276] : memref<1x80xi32, #tpu.memory_space<vmem>> -> memref<1x80xi32, #tpu.memory_space<vmem>>
    %dma_wait3A_278 = tpu.memref_squeeze %dma_wait3A_277 : memref<1x80xi32, #tpu.memory_space<vmem>> -> memref<80xi32, #tpu.memory_space<vmem>>
    %dma_wait3A_279 = arith.constant 0 : i32
    %dma_wait3A_280 = tpu.memref_slice %arg5[%dma_wait3A_279] : memref<320000xi32, #tpu.memory_space<hbm>> -> memref<80xi32, #tpu.memory_space<hbm>>
    tpu.wait_dma2 semaphore(%arg20 : memref<!tpu.dma_semaphore, #tpu.memory_space<semaphore_mem>>) src(%dma_wait3A_280 : memref<80xi32, #tpu.memory_space<hbm>>) dst(%dma_wait3A_278 : memref<80xi32, #tpu.memory_space<vmem>>)
    %dma_start3A_281 = arith.constant 0 : i32
    %dma_start3A_282 = arith.constant 0 : i32
    %dma_start3A_283 = tpu.memref_slice %arg9[%dma_start3A_281, %dma_start3A_282] : memref<1x80xi32, #tpu.memory_space<vmem>> -> memref<1x80xi32, #tpu.memory_space<vmem>>
    %dma_start3A_284 = tpu.memref_squeeze %dma_start3A_283 : memref<1x80xi32, #tpu.memory_space<vmem>> -> memref<80xi32, #tpu.memory_space<vmem>>
    %dma_start3A_285 = arith.constant 0 : i32
    %dma_start3A_286 = arith.constant 0 : i32
    %dma_start3A_287 = tpu.memref_slice %arg15[%dma_start3A_285, %dma_start3A_286] : memref<10240x128xf32, #tpu.memory_space<vmem_shared>> -> memref<10240x128xf32, #tpu.memory_space<vmem_shared>>
    tpu.enqueue_indirect_dma source(%arg13 : memref<80x128xf32, #tpu.memory_space<vmem>>) target(%dma_start3A_287 : memref<10240x128xf32, #tpu.memory_space<vmem_shared>>) offsets(%dma_start3A_284 : memref<80xi32, #tpu.memory_space<vmem>>) semaphore(%arg22 : memref<!tpu.dma_semaphore, #tpu.memory_space<semaphore_mem>>) {add = true}
    %dma_wait3A_288 = arith.constant 0 : i32
    %dma_wait3A_289 = arith.constant 0 : i32
    %dma_wait3A_290 = tpu.memref_slice %arg9[%dma_wait3A_288, %dma_wait3A_289] : memref<1x80xi32, #tpu.memory_space<vmem>> -> memref<1x80xi32, #tpu.memory_space<vmem>>
    %dma_wait3A_291 = tpu.memref_squeeze %dma_wait3A_290 : memref<1x80xi32, #tpu.memory_space<vmem>> -> memref<80xi32, #tpu.memory_space<vmem>>
    %dma_wait3A_292 = arith.constant 0 : i32
    %dma_wait3A_293 = arith.constant 0 : i32
    %dma_wait3A_294 = tpu.memref_slice %arg15[%dma_wait3A_292, %dma_wait3A_293] : memref<10240x128xf32, #tpu.memory_space<vmem_shared>> -> memref<10240x128xf32, #tpu.memory_space<vmem_shared>>
    tpu.wait_indirect_dma semaphore(%arg22 : memref<!tpu.dma_semaphore, #tpu.memory_space<semaphore_mem>>) src(%arg13 : memref<80x128xf32, #tpu.memory_space<vmem>>) dst(%dma_wait3A_294 : memref<10240x128xf32, #tpu.memory_space<vmem_shared>>)
    %barrier3A_295 = arith.constant 0 : index
    tpu.barrier barrier_id(%barrier3A_295)
    %mul3A_296 = arith.constant 640 : i32
    %mul3A_297 = arith.muli %arg1, %mul3A_296 : i32
    %mul3A_298 = arith.constant 640 : i32
    %mul3A_299 = arith.muli %arg1, %mul3A_298 : i32
    "tpu.region"() ({
      %run_scoped3A = tpu.sem_alloc : memref<!tpu.dma_semaphore, #tpu.memory_space<semaphore_mem>>
      %dma_start3A_300 = arith.constant 0 : i32
      %dma_start3A_301 = tpu.memref_slice %arg6[%arg0, %mul3A_299, %dma_start3A_300] : memref<2x10240x128xf32, #tpu.memory_space<hbm>> -> memref<1x640x128xf32, #tpu.memory_space<hbm>>
      %dma_start3A_302 = tpu.memref_squeeze %dma_start3A_301 : memref<1x640x128xf32, #tpu.memory_space<hbm>> -> memref<640x128xf32, #tpu.memory_space<hbm>>
      %dma_start3A_303 = arith.constant 0 : i32
      %dma_start3A_304 = tpu.memref_slice %arg15[%mul3A_297, %dma_start3A_303] : memref<10240x128xf32, #tpu.memory_space<vmem_shared>> -> memref<640x128xf32, #tpu.memory_space<vmem_shared>>
      tpu.enqueue_dma source(%dma_start3A_304 : memref<640x128xf32, #tpu.memory_space<vmem_shared>>) target(%dma_start3A_302 : memref<640x128xf32, #tpu.memory_space<hbm>>) target_semaphore(%run_scoped3A : memref<!tpu.dma_semaphore, #tpu.memory_space<semaphore_mem>>)
      %dma_wait3A_305 = arith.constant 0 : i32
      %dma_wait3A_306 = tpu.memref_slice %arg6[%arg0, %mul3A_299, %dma_wait3A_305] : memref<2x10240x128xf32, #tpu.memory_space<hbm>> -> memref<1x640x128xf32, #tpu.memory_space<hbm>>
      %dma_wait3A_307 = tpu.memref_squeeze %dma_wait3A_306 : memref<1x640x128xf32, #tpu.memory_space<hbm>> -> memref<640x128xf32, #tpu.memory_space<hbm>>
      %dma_wait3A_308 = arith.constant 0 : i32
      %dma_wait3A_309 = tpu.memref_slice %arg15[%mul3A_297, %dma_wait3A_308] : memref<10240x128xf32, #tpu.memory_space<vmem_shared>> -> memref<640x128xf32, #tpu.memory_space<vmem_shared>>
      tpu.wait_dma2 semaphore(%run_scoped3A : memref<!tpu.dma_semaphore, #tpu.memory_space<semaphore_mem>>) src(%dma_wait3A_309 : memref<640x128xf32, #tpu.memory_space<vmem_shared>>) dst(%dma_wait3A_307 : memref<640x128xf32, #tpu.memory_space<hbm>>)
      tpu.yield
    }) : () -> ()
    return
  }
}

module attributes {stable_mosaic.version = 14 : i64} {
  func.func @_proj_body(%arg0: i32, %arg1: memref<10000x160xf32, #tpu.memory_space<vmem>>, %arg2: memref<160x64xf32, #tpu.memory_space<vmem>>, %arg3: memref<1x32xf32, #tpu.memory_space<vmem>>, %arg4: memref<32x64xf32, #tpu.memory_space<vmem>>, %arg5: memref<1x64xf32, #tpu.memory_space<vmem>>, %arg6: memref<16000x48xf32, #tpu.memory_space<vmem>>, %arg7: memref<48x64xf32, #tpu.memory_space<vmem>>, %arg8: memref<10000x128xf32, #tpu.memory_space<vmem>>, %arg9: memref<16000x64xf32, #tpu.memory_space<vmem>>) attributes {dimension_semantics = [#tpu.dimension_semantics<arbitrary>], iteration_bounds = array<i64: 21>, scalar_prefetch = 0 : i64, scratch_operands = 0 : i64, tpu.core_type = #tpu.core_type<tc>, window_params = [{pipeline_mode = #tpu.pipeline_mode<synchronous>, transform_indices = @transform_0, window_bounds = array<i64: 10000, 160>}, {pipeline_mode = #tpu.pipeline_mode<synchronous>, transform_indices = @transform_1, window_bounds = array<i64: 160, 64>}, {pipeline_mode = #tpu.pipeline_mode<synchronous>, transform_indices = @transform_2, window_bounds = array<i64: 1, 32>}, {pipeline_mode = #tpu.pipeline_mode<synchronous>, transform_indices = @transform_3, window_bounds = array<i64: 32, 64>}, {pipeline_mode = #tpu.pipeline_mode<synchronous>, transform_indices = @transform_4, window_bounds = array<i64: 1, 64>}, {transform_indices = @transform_5, window_bounds = array<i64: 16000, 48>}, {pipeline_mode = #tpu.pipeline_mode<synchronous>, transform_indices = @transform_6, window_bounds = array<i64: 48, 64>}, {pipeline_mode = #tpu.pipeline_mode<synchronous>, transform_indices = @transform_7, window_bounds = array<i64: 10000, 128>}, {transform_indices = @transform_8, window_bounds = array<i64: 16000, 64>}]} {
    %eq3A = arith.constant 0 : i32
    %eq3A_0 = arith.cmpi eq, %arg0, %eq3A : i32
    %convert_element_type3A = arith.extui %eq3A_0 : i1 to i32
    %cond3A = arith.constant 0 : i32
    %cond3A_1 = arith.cmpi ne, %convert_element_type3A, %cond3A : i32
    scf.if %cond3A_1 {
      %get3A = arith.constant 0 : index
      %get3A_6 = arith.constant 0 : index
      %get3A_7 = vector.load %arg3[%get3A, %get3A_6] : memref<1x32xf32, #tpu.memory_space<vmem>>, vector<1x32xf32>
      %get3A_8 = arith.constant 0 : index
      %get3A_9 = arith.constant 0 : index
      %get3A_10 = vector.load %arg4[%get3A_8, %get3A_9] : memref<32x64xf32, #tpu.memory_space<vmem>>, vector<32x64xf32>
      %dot_general3A = arith.constant dense<0.000000e+00> : vector<1x64xf32>
      %dot_general3A_11 = tpu.matmul %get3A_7, %get3A_10, %dot_general3A {dimension_numbers = #tpu.dot_dimension_numbers<[1], [0], [0], [1], [0, 0, 1, 1], [], []>, transpose_lhs_hint = false} : vector<1x32xf32>, vector<32x64xf32>, vector<1x64xf32> -> vector<1x64xf32>
      %get3A_12 = arith.constant 0 : index
      %get3A_13 = arith.constant 0 : index
      %get3A_14 = vector.load %arg1[%get3A_12, %get3A_13] : memref<10000x160xf32, #tpu.memory_space<vmem>>, vector<10000x160xf32>
      %get3A_15 = arith.constant 0 : index
      %get3A_16 = arith.constant 0 : index
      %get3A_17 = vector.load %arg2[%get3A_15, %get3A_16] : memref<160x64xf32, #tpu.memory_space<vmem>>, vector<160x64xf32>
      %dot_general3A_18 = arith.constant dense<0.000000e+00> : vector<10000x64xf32>
      %dot_general3A_19 = tpu.matmul %get3A_14, %get3A_17, %dot_general3A_18 {dimension_numbers = #tpu.dot_dimension_numbers<[1], [0], [0], [1], [0, 0, 1, 1], [], []>, transpose_lhs_hint = false} : vector<10000x160xf32>, vector<160x64xf32>, vector<10000x64xf32> -> vector<10000x64xf32>
      %add3A = vector.broadcast %dot_general3A_11 : vector<1x64xf32> to vector<10000x64xf32>
      %add3A_20 = arith.addf %dot_general3A_19, %add3A : vector<10000x64xf32>
      %get3A_21 = arith.constant 0 : index
      %get3A_22 = arith.constant 0 : index
      %get3A_23 = vector.load %arg5[%get3A_21, %get3A_22] : memref<1x64xf32, #tpu.memory_space<vmem>>, vector<1x64xf32>
      %add3A_24 = vector.broadcast %get3A_23 : vector<1x64xf32> to vector<10000x64xf32>
      %add3A_25 = arith.addf %add3A_20, %add3A_24 : vector<10000x64xf32>
      %broadcast_in_dim3A = arith.constant 0.000000e+00 : f32
      %broadcast_in_dim3A_26 = vector.broadcast %broadcast_in_dim3A : f32 to vector<10000x64xf32>
      %concatenate3A = tpu.concatenate %add3A_25, %broadcast_in_dim3A_26 in 1 : vector<10000x64xf32>, vector<10000x64xf32> -> vector<10000x128xf32>
      %swap3A = arith.constant 0 : index
      %swap3A_27 = arith.constant 0 : index
      %swap3A_28 = vector.load %arg8[%swap3A, %swap3A_27] : memref<10000x128xf32, #tpu.memory_space<vmem>>, vector<10000x128xf32>
      tpu.vector_store %arg8[%swap3A, %swap3A_27], %concatenate3A {strides = array<i32>} : memref<10000x128xf32, #tpu.memory_space<vmem>>, vector<10000x128xf32>,
    } else {
    }
    %gt3A = arith.constant 0 : i32
    %gt3A_2 = arith.cmpi sgt, %arg0, %gt3A : i32
    %convert_element_type3A_3 = arith.extui %gt3A_2 : i1 to i32
    %cond3A_4 = arith.constant 0 : i32
    %cond3A_5 = arith.cmpi ne, %convert_element_type3A_3, %cond3A_4 : i32
    scf.if %cond3A_5 {
      %get3A = arith.constant 0 : index
      %get3A_6 = arith.constant 0 : index
      %get3A_7 = vector.load %arg6[%get3A, %get3A_6] : memref<16000x48xf32, #tpu.memory_space<vmem>>, vector<16000x48xf32>
      %get3A_8 = arith.constant 0 : index
      %get3A_9 = arith.constant 0 : index
      %get3A_10 = vector.load %arg7[%get3A_8, %get3A_9] : memref<48x64xf32, #tpu.memory_space<vmem>>, vector<48x64xf32>
      %dot_general3A = arith.constant dense<0.000000e+00> : vector<16000x64xf32>
      %dot_general3A_11 = tpu.matmul %get3A_7, %get3A_10, %dot_general3A {dimension_numbers = #tpu.dot_dimension_numbers<[1], [0], [0], [1], [0, 0, 1, 1], [], []>, transpose_lhs_hint = false} : vector<16000x48xf32>, vector<48x64xf32>, vector<16000x64xf32> -> vector<16000x64xf32>
      %swap3A = arith.constant 0 : index
      %swap3A_12 = arith.constant 0 : index
      %swap3A_13 = vector.load %arg9[%swap3A, %swap3A_12] : memref<16000x64xf32, #tpu.memory_space<vmem>>, vector<16000x64xf32>
      tpu.vector_store %arg9[%swap3A, %swap3A_12], %dot_general3A_11 {strides = array<i32>} : memref<16000x64xf32, #tpu.memory_space<vmem>>, vector<16000x64xf32>,
    } else {
    }
    return
  }
  func.func @transform_0(%arg0: i32) -> (i32, i32) {
    %c0_i32 = arith.constant 0 : i32
    %c0_i32_0 = arith.constant 0 : i32
    %c0_i32_1 = arith.constant 0 : i32
    return %c0_i32, %c0_i32_0 : i32, i32
  }
  func.func @transform_1(%arg0: i32) -> (i32, i32) {
    %c0_i32 = arith.constant 0 : i32
    %c0_i32_0 = arith.constant 0 : i32
    %c0_i32_1 = arith.constant 0 : i32
    return %c0_i32, %c0_i32_0 : i32, i32
  }
  func.func @transform_2(%arg0: i32) -> (i32, i32) {
    %c0_i32 = arith.constant 0 : i32
    %c0_i32_0 = arith.constant 0 : i32
    %c0_i32_1 = arith.constant 0 : i32
    return %c0_i32, %c0_i32_0 : i32, i32
  }
  func.func @transform_3(%arg0: i32) -> (i32, i32) {
    %c0_i32 = arith.constant 0 : i32
    %c0_i32_0 = arith.constant 0 : i32
    %c0_i32_1 = arith.constant 0 : i32
    return %c0_i32, %c0_i32_0 : i32, i32
  }
  func.func @transform_4(%arg0: i32) -> (i32, i32) {
    %c0_i32 = arith.constant 0 : i32
    %c0_i32_0 = arith.constant 0 : i32
    %c0_i32_1 = arith.constant 0 : i32
    return %c0_i32, %c0_i32_0 : i32, i32
  }
  func.func @transform_5(%arg0: i32) -> (i32, i32) {
    %sub3A = arith.constant 1 : i32
    %sub3A_0 = arith.subi %arg0, %sub3A : i32
    %max3A = arith.constant 0 : i32
    %max3A_1 = arith.maxsi %sub3A_0, %max3A : i32
    %c0_i32 = arith.constant 0 : i32
    %c0_i32_2 = arith.constant 0 : i32
    return %max3A_1, %c0_i32 : i32, i32
  }
  func.func @transform_6(%arg0: i32) -> (i32, i32) {
    %c0_i32 = arith.constant 0 : i32
    %c0_i32_0 = arith.constant 0 : i32
    %c0_i32_1 = arith.constant 0 : i32
    return %c0_i32, %c0_i32_0 : i32, i32
  }
  func.func @transform_7(%arg0: i32) -> (i32, i32) {
    %c0_i32 = arith.constant 0 : i32
    %c0_i32_0 = arith.constant 0 : i32
    %c0_i32_1 = arith.constant 0 : i32
    return %c0_i32, %c0_i32_0 : i32, i32
  }
  func.func @transform_8(%arg0: i32) -> (i32, i32) {
    %sub3A = arith.constant 1 : i32
    %sub3A_0 = arith.subi %arg0, %sub3A : i32
    %max3A = arith.constant 0 : i32
    %max3A_1 = arith.maxsi %sub3A_0, %max3A : i32
    %c0_i32 = arith.constant 0 : i32
    %c0_i32_2 = arith.constant 0 : i32
    return %max3A_1, %c0_i32 : i32, i32
  }
}

module attributes {stable_mosaic.version = 14 : i64} {
  func.func @_node_body(%arg0: i32, %arg1: memref<2x2000x128xf32, #tpu.memory_space<vmem>>, %arg2: memref<2000x160xf32, #tpu.memory_space<vmem>>, %arg3: memref<64x64xf32, #tpu.memory_space<vmem>>, %arg4: memref<160x64xf32, #tpu.memory_space<vmem>>, %arg5: memref<1x32xf32, #tpu.memory_space<vmem>>, %arg6: memref<32x64xf32, #tpu.memory_space<vmem>>, %arg7: memref<1x64xf32, #tpu.memory_space<vmem>>, %arg8: memref<64x32xf32, #tpu.memory_space<vmem>>, %arg9: memref<64x32xf32, #tpu.memory_space<vmem>>, %arg10: memref<32x32xf32, #tpu.memory_space<vmem>>, %arg11: memref<1x32xf32, #tpu.memory_space<vmem>>, %arg12: memref<64x64xf32, #tpu.memory_space<vmem>>, %arg13: memref<64x64xf32, #tpu.memory_space<vmem>>, %arg14: memref<32x64xf32, #tpu.memory_space<vmem>>, %arg15: memref<1x64xf32, #tpu.memory_space<vmem>>, %arg16: memref<64x128xf32, #tpu.memory_space<vmem>>, %arg17: memref<1x128xf32, #tpu.memory_space<vmem>>, %arg18: memref<2000x128xf32, #tpu.memory_space<vmem>>, %arg19: memref<1x32xf32, #tpu.memory_space<vmem>>, %arg20: memref<10000x64xf32, #tpu.memory_space<vmem>>, %arg21: memref<10000x64xf32, #tpu.memory_space<vmem>>, %arg22: memref<8x128xf32, #tpu.memory_space<vmem>>) attributes {dimension_semantics = [#tpu.dimension_semantics<arbitrary>], iteration_bounds = array<i64: 10>, scalar_prefetch = 0 : i64, scratch_operands = 3 : i64, tpu.core_type = #tpu.core_type<tc>, window_params = [{transform_indices = @transform_0, window_bounds = array<i64: 2, 2000, 128>}, {transform_indices = @transform_1, window_bounds = array<i64: 2000, 160>}, {pipeline_mode = #tpu.pipeline_mode<synchronous>, transform_indices = @transform_2, window_bounds = array<i64: 64, 64>}, {pipeline_mode = #tpu.pipeline_mode<synchronous>, transform_indices = @transform_3, window_bounds = array<i64: 160, 64>}, {pipeline_mode = #tpu.pipeline_mode<synchronous>, transform_indices = @transform_4, window_bounds = array<i64: 1, 32>}, {pipeline_mode = #tpu.pipeline_mode<synchronous>, transform_indices = @transform_5, window_bounds = array<i64: 32, 64>}, {pipeline_mode = #tpu.pipeline_mode<synchronous>, transform_indices = @transform_6, window_bounds = array<i64: 1, 64>}, {pipeline_mode = #tpu.pipeline_mode<synchronous>, transform_indices = @transform_7, window_bounds = array<i64: 64, 32>}, {pipeline_mode = #tpu.pipeline_mode<synchronous>, transform_indices = @transform_8, window_bounds = array<i64: 64, 32>}, {pipeline_mode = #tpu.pipeline_mode<synchronous>, transform_indices = @transform_9, window_bounds = array<i64: 32, 32>}, {pipeline_mode = #tpu.pipeline_mode<synchronous>, transform_indices = @transform_10, window_bounds = array<i64: 1, 32>}, {pipeline_mode = #tpu.pipeline_mode<synchronous>, transform_indices = @transform_11, window_bounds = array<i64: 64, 64>}, {pipeline_mode = #tpu.pipeline_mode<synchronous>, transform_indices = @transform_12, window_bounds = array<i64: 64, 64>}, {pipeline_mode = #tpu.pipeline_mode<synchronous>, transform_indices = @transform_13, window_bounds = array<i64: 32, 64>}, {pipeline_mode = #tpu.pipeline_mode<synchronous>, transform_indices = @transform_14, window_bounds = array<i64: 1, 64>}, {pipeline_mode = #tpu.pipeline_mode<synchronous>, transform_indices = @transform_15, window_bounds = array<i64: 64, 128>}, {pipeline_mode = #tpu.pipeline_mode<synchronous>, transform_indices = @transform_16, window_bounds = array<i64: 1, 128>}, {transform_indices = @transform_17, window_bounds = array<i64: 2000, 128>}, {pipeline_mode = #tpu.pipeline_mode<synchronous>, transform_indices = @transform_18, window_bounds = array<i64: 1, 32>}]} {
    %lt3A = arith.constant 5 : i32
    %lt3A_0 = arith.cmpi slt, %arg0, %lt3A : i32
    %convert_element_type3A = arith.extui %lt3A_0 : i1 to i32
    %cond3A = arith.constant 0 : i32
    %cond3A_1 = arith.cmpi ne, %convert_element_type3A, %cond3A : i32
    scf.if %cond3A_1 {
      %get3A = arith.constant 0 : index
      %get3A_6 = arith.constant 0 : index
      %get3A_7 = arith.constant 0 : index
      %get3A_8 = vector.load %arg1[%get3A, %get3A_6, %get3A_7] : memref<2x2000x128xf32, #tpu.memory_space<vmem>>, vector<1x2000x64xf32>
      %get3A_9 = vector.shape_cast %get3A_8 : vector<1x2000x64xf32> to vector<2000x64xf32>
      %get3A_10 = arith.constant 1 : index
      %get3A_11 = arith.constant 0 : index
      %get3A_12 = arith.constant 0 : index
      %get3A_13 = vector.load %arg1[%get3A_10, %get3A_11, %get3A_12] : memref<2x2000x128xf32, #tpu.memory_space<vmem>>, vector<1x2000x64xf32>
      %get3A_14 = vector.shape_cast %get3A_13 : vector<1x2000x64xf32> to vector<2000x64xf32>
      %add3A = arith.addf %get3A_9, %get3A_14 : vector<2000x64xf32>
      %mul3A = arith.constant 2000 : i32
      %mul3A_15 = arith.muli %arg0, %mul3A : i32
      %swap3A = arith.index_cast %mul3A_15 : i32 to index
      %swap3A_16 = arith.constant 0 : index
      %swap3A_17 = vector.load %arg20[%swap3A, %swap3A_16] : memref<10000x64xf32, #tpu.memory_space<vmem>>, vector<2000x64xf32>
      tpu.vector_store %arg20[%swap3A, %swap3A_16], %add3A {strides = array<i32>} : memref<10000x64xf32, #tpu.memory_space<vmem>>, vector<2000x64xf32>,
      %get3A_18 = arith.constant 0 : index
      %get3A_19 = arith.constant 0 : index
      %get3A_20 = vector.load %arg5[%get3A_18, %get3A_19] : memref<1x32xf32, #tpu.memory_space<vmem>>, vector<1x32xf32>
      %get3A_21 = arith.constant 0 : index
      %get3A_22 = arith.constant 0 : index
      %get3A_23 = vector.load %arg6[%get3A_21, %get3A_22] : memref<32x64xf32, #tpu.memory_space<vmem>>, vector<32x64xf32>
      %dot_general3A = arith.constant dense<0.000000e+00> : vector<1x64xf32>
      %dot_general3A_24 = tpu.matmul %get3A_20, %get3A_23, %dot_general3A {dimension_numbers = #tpu.dot_dimension_numbers<[1], [0], [0], [1], [0, 0, 1, 1], [], []>, transpose_lhs_hint = false} : vector<1x32xf32>, vector<32x64xf32>, vector<1x64xf32> -> vector<1x64xf32>
      %get3A_25 = arith.constant 0 : index
      %get3A_26 = arith.constant 0 : index
      %get3A_27 = vector.load %arg3[%get3A_25, %get3A_26] : memref<64x64xf32, #tpu.memory_space<vmem>>, vector<64x64xf32>
      %dot_general3A_28 = arith.constant dense<0.000000e+00> : vector<2000x64xf32>
      %dot_general3A_29 = tpu.matmul %add3A, %get3A_27, %dot_general3A_28 {dimension_numbers = #tpu.dot_dimension_numbers<[1], [0], [0], [1], [0, 0, 1, 1], [], []>, transpose_lhs_hint = false} : vector<2000x64xf32>, vector<64x64xf32>, vector<2000x64xf32> -> vector<2000x64xf32>
      %get3A_30 = arith.constant 0 : index
      %get3A_31 = arith.constant 0 : index
      %get3A_32 = vector.load %arg2[%get3A_30, %get3A_31] : memref<2000x160xf32, #tpu.memory_space<vmem>>, vector<2000x160xf32>
      %get3A_33 = arith.constant 0 : index
      %get3A_34 = arith.constant 0 : index
      %get3A_35 = vector.load %arg4[%get3A_33, %get3A_34] : memref<160x64xf32, #tpu.memory_space<vmem>>, vector<160x64xf32>
      %dot_general3A_36 = arith.constant dense<0.000000e+00> : vector<2000x64xf32>
      %dot_general3A_37 = tpu.matmul %get3A_32, %get3A_35, %dot_general3A_36 {dimension_numbers = #tpu.dot_dimension_numbers<[1], [0], [0], [1], [0, 0, 1, 1], [], []>, transpose_lhs_hint = false} : vector<2000x160xf32>, vector<160x64xf32>, vector<2000x64xf32> -> vector<2000x64xf32>
      %add3A_38 = arith.addf %dot_general3A_29, %dot_general3A_37 : vector<2000x64xf32>
      %add3A_39 = vector.broadcast %dot_general3A_24 : vector<1x64xf32> to vector<2000x64xf32>
      %add3A_40 = arith.addf %add3A_38, %add3A_39 : vector<2000x64xf32>
      %get3A_41 = arith.constant 0 : index
      %get3A_42 = arith.constant 0 : index
      %get3A_43 = vector.load %arg7[%get3A_41, %get3A_42] : memref<1x64xf32, #tpu.memory_space<vmem>>, vector<1x64xf32>
      %add3A_44 = vector.broadcast %get3A_43 : vector<1x64xf32> to vector<2000x64xf32>
      %add3A_45 = arith.addf %add3A_40, %add3A_44 : vector<2000x64xf32>
      %max3A = arith.constant 0.000000e+00 : f32
      %max3A_46 = vector.broadcast %max3A : f32 to vector<2000x64xf32>
      %max3A_47 = arith.maximumf %add3A_45, %max3A_46 : vector<2000x64xf32>
      %mul3A_48 = arith.constant 2000 : i32
      %mul3A_49 = arith.muli %arg0, %mul3A_48 : i32
      %swap3A_50 = arith.index_cast %mul3A_49 : i32 to index
      %swap3A_51 = arith.constant 0 : index
      %swap3A_52 = vector.load %arg21[%swap3A_50, %swap3A_51] : memref<10000x64xf32, #tpu.memory_space<vmem>>, vector<2000x64xf32>
      tpu.vector_store %arg21[%swap3A_50, %swap3A_51], %max3A_47 {strides = array<i32>} : memref<10000x64xf32, #tpu.memory_space<vmem>>, vector<2000x64xf32>,
      %reduce_sum3A = arith.constant dense<0.000000e+00> : vector<64xf32>
      %reduce_sum3A_53 = vector.multi_reduction <add>, %add3A, %reduce_sum3A [0] : vector<2000x64xf32> to vector<64xf32>
      %broadcast_in_dim3A = vector.shape_cast %reduce_sum3A_53 : vector<64xf32> to vector<1x64xf32>
      %reduce_sum3A_54 = arith.constant dense<0.000000e+00> : vector<64xf32>
      %reduce_sum3A_55 = vector.multi_reduction <add>, %max3A_47, %reduce_sum3A_54 [0] : vector<2000x64xf32> to vector<64xf32>
      %broadcast_in_dim3A_56 = vector.shape_cast %reduce_sum3A_55 : vector<64xf32> to vector<1x64xf32>
      %concatenate3A = tpu.concatenate %broadcast_in_dim3A, %broadcast_in_dim3A_56 in 0 : vector<1x64xf32>, vector<1x64xf32> -> vector<2x64xf32>
      %eq3A = arith.constant 0 : i32
      %eq3A_57 = arith.cmpi eq, %arg0, %eq3A : i32
      %convert_element_type3A_58 = arith.extui %eq3A_57 : i1 to i32
      %cond3A_59 = arith.constant 0 : i32
      %cond3A_60 = arith.cmpi ne, %convert_element_type3A_58, %cond3A_59 : i32
      scf.if %cond3A_60 {
        %broadcast_in_dim3A_68 = arith.constant 0.000000e+00 : f32
        %broadcast_in_dim3A_69 = vector.broadcast %broadcast_in_dim3A_68 : f32 to vector<8x128xf32>
        %swap3A_70 = arith.constant 0 : index
        %swap3A_71 = arith.constant 0 : index
        %swap3A_72 = vector.load %arg22[%swap3A_70, %swap3A_71] : memref<8x128xf32, #tpu.memory_space<vmem>>, vector<8x128xf32>
        tpu.vector_store %arg22[%swap3A_70, %swap3A_71], %broadcast_in_dim3A_69 {strides = array<i32>} : memref<8x128xf32, #tpu.memory_space<vmem>>, vector<8x128xf32>,
      } else {
      }
      %get3A_61 = arith.constant 0 : index
      %get3A_62 = arith.constant 0 : index
      %get3A_63 = vector.load %arg22[%get3A_61, %get3A_62] : memref<8x128xf32, #tpu.memory_space<vmem>>, vector<2x64xf32>
      %add3A_64 = arith.addf %get3A_63, %concatenate3A : vector<2x64xf32>
      %swap3A_65 = arith.constant 0 : index
      %swap3A_66 = arith.constant 0 : index
      %swap3A_67 = vector.load %arg22[%swap3A_65, %swap3A_66] : memref<8x128xf32, #tpu.memory_space<vmem>>, vector<2x64xf32>
      tpu.vector_store %arg22[%swap3A_65, %swap3A_66], %add3A_64 {strides = array<i32>} : memref<8x128xf32, #tpu.memory_space<vmem>>, vector<2x64xf32>,
    } else {
    }
    %ge3A = arith.constant 5 : i32
    %ge3A_2 = arith.cmpi sge, %arg0, %ge3A : i32
    %convert_element_type3A_3 = arith.extui %ge3A_2 : i1 to i32
    %cond3A_4 = arith.constant 0 : i32
    %cond3A_5 = arith.cmpi ne, %convert_element_type3A_3, %cond3A_4 : i32
    scf.if %cond3A_5 {
      %sub3A = arith.constant 5 : i32
      %sub3A_6 = arith.subi %arg0, %sub3A : i32
      %mul3A = arith.constant 2000 : i32
      %mul3A_7 = arith.muli %sub3A_6, %mul3A : i32
      %get3A = arith.index_cast %mul3A_7 : i32 to index
      %get3A_8 = arith.constant 0 : index
      %get3A_9 = vector.load %arg20[%get3A, %get3A_8] : memref<10000x64xf32, #tpu.memory_space<vmem>>, vector<2000x64xf32>
      %mul3A_10 = arith.constant 2000 : i32
      %mul3A_11 = arith.muli %sub3A_6, %mul3A_10 : i32
      %get3A_12 = arith.index_cast %mul3A_11 : i32 to index
      %get3A_13 = arith.constant 0 : index
      %get3A_14 = vector.load %arg21[%get3A_12, %get3A_13] : memref<10000x64xf32, #tpu.memory_space<vmem>>, vector<2000x64xf32>
      %get3A_15 = arith.constant 0 : index
      %get3A_16 = arith.constant 0 : index
      %get3A_17 = vector.load %arg22[%get3A_15, %get3A_16] : memref<8x128xf32, #tpu.memory_space<vmem>>, vector<1x64xf32>
      %mul3A_18 = arith.constant 3.125000e-06 : f32
      %mul3A_19 = vector.broadcast %mul3A_18 : f32 to vector<1x64xf32>
      %mul3A_20 = arith.mulf %get3A_17, %mul3A_19 : vector<1x64xf32>
      %get3A_21 = arith.constant 1 : index
      %get3A_22 = arith.constant 0 : index
      %get3A_23 = vector.load %arg22[%get3A_21, %get3A_22] : memref<8x128xf32, #tpu.memory_space<vmem>>, vector<1x64xf32>
      %mul3A_24 = arith.constant 9.99999974E-5 : f32
      %mul3A_25 = vector.broadcast %mul3A_24 : f32 to vector<1x64xf32>
      %mul3A_26 = arith.mulf %get3A_23, %mul3A_25 : vector<1x64xf32>
      %get3A_27 = arith.constant 0 : index
      %get3A_28 = arith.constant 0 : index
      %get3A_29 = vector.load %arg8[%get3A_27, %get3A_28] : memref<64x32xf32, #tpu.memory_space<vmem>>, vector<64x32xf32>
      %dot_general3A = arith.constant dense<0.000000e+00> : vector<1x32xf32>
      %dot_general3A_30 = tpu.matmul %mul3A_20, %get3A_29, %dot_general3A {dimension_numbers = #tpu.dot_dimension_numbers<[1], [0], [0], [1], [0, 0, 1, 1], [], []>, transpose_lhs_hint = false} : vector<1x64xf32>, vector<64x32xf32>, vector<1x32xf32> -> vector<1x32xf32>
      %get3A_31 = arith.constant 0 : index
      %get3A_32 = arith.constant 0 : index
      %get3A_33 = vector.load %arg9[%get3A_31, %get3A_32] : memref<64x32xf32, #tpu.memory_space<vmem>>, vector<64x32xf32>
      %dot_general3A_34 = arith.constant dense<0.000000e+00> : vector<1x32xf32>
      %dot_general3A_35 = tpu.matmul %mul3A_26, %get3A_33, %dot_general3A_34 {dimension_numbers = #tpu.dot_dimension_numbers<[1], [0], [0], [1], [0, 0, 1, 1], [], []>, transpose_lhs_hint = false} : vector<1x64xf32>, vector<64x32xf32>, vector<1x32xf32> -> vector<1x32xf32>
      %add3A = arith.addf %dot_general3A_30, %dot_general3A_35 : vector<1x32xf32>
      %get3A_36 = arith.constant 0 : index
      %get3A_37 = arith.constant 0 : index
      %get3A_38 = vector.load %arg5[%get3A_36, %get3A_37] : memref<1x32xf32, #tpu.memory_space<vmem>>, vector<1x32xf32>
      %get3A_39 = arith.constant 0 : index
      %get3A_40 = arith.constant 0 : index
      %get3A_41 = vector.load %arg10[%get3A_39, %get3A_40] : memref<32x32xf32, #tpu.memory_space<vmem>>, vector<32x32xf32>
      %dot_general3A_42 = arith.constant dense<0.000000e+00> : vector<1x32xf32>
      %dot_general3A_43 = tpu.matmul %get3A_38, %get3A_41, %dot_general3A_42 {dimension_numbers = #tpu.dot_dimension_numbers<[1], [0], [0], [1], [0, 0, 1, 1], [], []>, transpose_lhs_hint = false} : vector<1x32xf32>, vector<32x32xf32>, vector<1x32xf32> -> vector<1x32xf32>
      %add3A_44 = arith.addf %add3A, %dot_general3A_43 : vector<1x32xf32>
      %get3A_45 = arith.constant 0 : index
      %get3A_46 = arith.constant 0 : index
      %get3A_47 = vector.load %arg11[%get3A_45, %get3A_46] : memref<1x32xf32, #tpu.memory_space<vmem>>, vector<1x32xf32>
      %add3A_48 = arith.addf %add3A_44, %get3A_47 : vector<1x32xf32>
      %max3A = arith.constant 0.000000e+00 : f32
      %max3A_49 = vector.broadcast %max3A : f32 to vector<1x32xf32>
      %max3A_50 = arith.maximumf %add3A_48, %max3A_49 : vector<1x32xf32>
      %get3A_51 = arith.constant 0 : index
      %get3A_52 = arith.constant 0 : index
      %get3A_53 = vector.load %arg14[%get3A_51, %get3A_52] : memref<32x64xf32, #tpu.memory_space<vmem>>, vector<32x64xf32>
      %dot_general3A_54 = arith.constant dense<0.000000e+00> : vector<1x64xf32>
      %dot_general3A_55 = tpu.matmul %max3A_50, %get3A_53, %dot_general3A_54 {dimension_numbers = #tpu.dot_dimension_numbers<[1], [0], [0], [1], [0, 0, 1, 1], [], []>, transpose_lhs_hint = false} : vector<1x32xf32>, vector<32x64xf32>, vector<1x64xf32> -> vector<1x64xf32>
      %get3A_56 = arith.constant 0 : index
      %get3A_57 = arith.constant 0 : index
      %get3A_58 = vector.load %arg15[%get3A_56, %get3A_57] : memref<1x64xf32, #tpu.memory_space<vmem>>, vector<1x64xf32>
      %add3A_59 = arith.addf %dot_general3A_55, %get3A_58 : vector<1x64xf32>
      %get3A_60 = arith.constant 0 : index
      %get3A_61 = arith.constant 0 : index
      %get3A_62 = vector.load %arg12[%get3A_60, %get3A_61] : memref<64x64xf32, #tpu.memory_space<vmem>>, vector<64x64xf32>
      %dot_general3A_63 = arith.constant dense<0.000000e+00> : vector<2000x64xf32>
      %dot_general3A_64 = tpu.matmul %get3A_9, %get3A_62, %dot_general3A_63 {dimension_numbers = #tpu.dot_dimension_numbers<[1], [0], [0], [1], [0, 0, 1, 1], [], []>, transpose_lhs_hint = false} : vector<2000x64xf32>, vector<64x64xf32>, vector<2000x64xf32> -> vector<2000x64xf32>
      %get3A_65 = arith.constant 0 : index
      %get3A_66 = arith.constant 0 : index
      %get3A_67 = vector.load %arg13[%get3A_65, %get3A_66] : memref<64x64xf32, #tpu.memory_space<vmem>>, vector<64x64xf32>
      %dot_general3A_68 = arith.constant dense<0.000000e+00> : vector<2000x64xf32>
      %dot_general3A_69 = tpu.matmul %get3A_14, %get3A_67, %dot_general3A_68 {dimension_numbers = #tpu.dot_dimension_numbers<[1], [0], [0], [1], [0, 0, 1, 1], [], []>, transpose_lhs_hint = false} : vector<2000x64xf32>, vector<64x64xf32>, vector<2000x64xf32> -> vector<2000x64xf32>
      %add3A_70 = arith.addf %dot_general3A_64, %dot_general3A_69 : vector<2000x64xf32>
      %add3A_71 = vector.broadcast %add3A_59 : vector<1x64xf32> to vector<2000x64xf32>
      %add3A_72 = arith.addf %add3A_70, %add3A_71 : vector<2000x64xf32>
      %max3A_73 = arith.constant 0.000000e+00 : f32
      %max3A_74 = vector.broadcast %max3A_73 : f32 to vector<2000x64xf32>
      %max3A_75 = arith.maximumf %add3A_72, %max3A_74 : vector<2000x64xf32>
      %get3A_76 = arith.constant 0 : index
      %get3A_77 = arith.constant 0 : index
      %get3A_78 = vector.load %arg16[%get3A_76, %get3A_77] : memref<64x128xf32, #tpu.memory_space<vmem>>, vector<64x128xf32>
      %dot_general3A_79 = arith.constant dense<0.000000e+00> : vector<2000x128xf32>
      %dot_general3A_80 = tpu.matmul %max3A_75, %get3A_78, %dot_general3A_79 {dimension_numbers = #tpu.dot_dimension_numbers<[1], [0], [0], [1], [0, 0, 1, 1], [], []>, transpose_lhs_hint = false} : vector<2000x64xf32>, vector<64x128xf32>, vector<2000x128xf32> -> vector<2000x128xf32>
      %get3A_81 = arith.constant 0 : index
      %get3A_82 = arith.constant 0 : index
      %get3A_83 = vector.load %arg17[%get3A_81, %get3A_82] : memref<1x128xf32, #tpu.memory_space<vmem>>, vector<1x128xf32>
      %add3A_84 = vector.broadcast %get3A_83 : vector<1x128xf32> to vector<2000x128xf32>
      %add3A_85 = arith.addf %dot_general3A_80, %add3A_84 : vector<2000x128xf32>
      %swap3A = arith.constant 0 : index
      %swap3A_86 = arith.constant 0 : index
      %swap3A_87 = vector.load %arg18[%swap3A, %swap3A_86] : memref<2000x128xf32, #tpu.memory_space<vmem>>, vector<2000x128xf32>
      tpu.vector_store %arg18[%swap3A, %swap3A_86], %add3A_85 {strides = array<i32>} : memref<2000x128xf32, #tpu.memory_space<vmem>>, vector<2000x128xf32>,
      %eq3A = arith.constant 5 : i32
      %eq3A_88 = arith.cmpi eq, %arg0, %eq3A : i32
      %convert_element_type3A_89 = arith.extui %eq3A_88 : i1 to i32
      %cond3A_90 = arith.constant 0 : i32
      %cond3A_91 = arith.cmpi ne, %convert_element_type3A_89, %cond3A_90 : i32
      scf.if %cond3A_91 {
        %swap3A_92 = arith.constant 0 : index
        %swap3A_93 = arith.constant 0 : index
        %swap3A_94 = vector.load %arg19[%swap3A_92, %swap3A_93] : memref<1x32xf32, #tpu.memory_space<vmem>>, vector<1x32xf32>
        tpu.vector_store %arg19[%swap3A_92, %swap3A_93], %max3A_50 {strides = array<i32>} : memref<1x32xf32, #tpu.memory_space<vmem>>, vector<1x32xf32>,
      } else {
      }
    } else {
    }
    return
  }
  func.func @transform_0(%arg0: i32) -> (i32, i32, i32) {
    %min3A = arith.constant 4 : i32
    %min3A_0 = arith.minsi %arg0, %min3A : i32
    %c0_i32 = arith.constant 0 : i32
    %c0_i32_1 = arith.constant 0 : i32
    %c0_i32_2 = arith.constant 0 : i32
    return %c0_i32, %min3A_0, %c0_i32_1 : i32, i32, i32
  }
  func.func @transform_1(%arg0: i32) -> (i32, i32) {
    %min3A = arith.constant 4 : i32
    %min3A_0 = arith.minsi %arg0, %min3A : i32
    %c0_i32 = arith.constant 0 : i32
    %c0_i32_1 = arith.constant 0 : i32
    return %min3A_0, %c0_i32 : i32, i32
  }
  func.func @transform_2(%arg0: i32) -> (i32, i32) {
    %c0_i32 = arith.constant 0 : i32
    %c0_i32_0 = arith.constant 0 : i32
    %c0_i32_1 = arith.constant 0 : i32
    return %c0_i32, %c0_i32_0 : i32, i32
  }
  func.func @transform_3(%arg0: i32) -> (i32, i32) {
    %c0_i32 = arith.constant 0 : i32
    %c0_i32_0 = arith.constant 0 : i32
    %c0_i32_1 = arith.constant 0 : i32
    return %c0_i32, %c0_i32_0 : i32, i32
  }
  func.func @transform_4(%arg0: i32) -> (i32, i32) {
    %c0_i32 = arith.constant 0 : i32
    %c0_i32_0 = arith.constant 0 : i32
    %c0_i32_1 = arith.constant 0 : i32
    return %c0_i32, %c0_i32_0 : i32, i32
  }
  func.func @transform_5(%arg0: i32) -> (i32, i32) {
    %c0_i32 = arith.constant 0 : i32
    %c0_i32_0 = arith.constant 0 : i32
    %c0_i32_1 = arith.constant 0 : i32
    return %c0_i32, %c0_i32_0 : i32, i32
  }
  func.func @transform_6(%arg0: i32) -> (i32, i32) {
    %c0_i32 = arith.constant 0 : i32
    %c0_i32_0 = arith.constant 0 : i32
    %c0_i32_1 = arith.constant 0 : i32
    return %c0_i32, %c0_i32_0 : i32, i32
  }
  func.func @transform_7(%arg0: i32) -> (i32, i32) {
    %c0_i32 = arith.constant 0 : i32
    %c0_i32_0 = arith.constant 0 : i32
    %c0_i32_1 = arith.constant 0 : i32
    return %c0_i32, %c0_i32_0 : i32, i32
  }
  func.func @transform_8(%arg0: i32) -> (i32, i32) {
    %c0_i32 = arith.constant 0 : i32
    %c0_i32_0 = arith.constant 0 : i32
    %c0_i32_1 = arith.constant 0 : i32
    return %c0_i32, %c0_i32_0 : i32, i32
  }
  func.func @transform_9(%arg0: i32) -> (i32, i32) {
    %c0_i32 = arith.constant 0 : i32
    %c0_i32_0 = arith.constant 0 : i32
    %c0_i32_1 = arith.constant 0 : i32
    return %c0_i32, %c0_i32_0 : i32, i32
  }
  func.func @transform_10(%arg0: i32) -> (i32, i32) {
    %c0_i32 = arith.constant 0 : i32
    %c0_i32_0 = arith.constant 0 : i32
    %c0_i32_1 = arith.constant 0 : i32
    return %c0_i32, %c0_i32_0 : i32, i32
  }
  func.func @transform_11(%arg0: i32) -> (i32, i32) {
    %c0_i32 = arith.constant 0 : i32
    %c0_i32_0 = arith.constant 0 : i32
    %c0_i32_1 = arith.constant 0 : i32
    return %c0_i32, %c0_i32_0 : i32, i32
  }
  func.func @transform_12(%arg0: i32) -> (i32, i32) {
    %c0_i32 = arith.constant 0 : i32
    %c0_i32_0 = arith.constant 0 : i32
    %c0_i32_1 = arith.constant 0 : i32
    return %c0_i32, %c0_i32_0 : i32, i32
  }
  func.func @transform_13(%arg0: i32) -> (i32, i32) {
    %c0_i32 = arith.constant 0 : i32
    %c0_i32_0 = arith.constant 0 : i32
    %c0_i32_1 = arith.constant 0 : i32
    return %c0_i32, %c0_i32_0 : i32, i32
  }
  func.func @transform_14(%arg0: i32) -> (i32, i32) {
    %c0_i32 = arith.constant 0 : i32
    %c0_i32_0 = arith.constant 0 : i32
    %c0_i32_1 = arith.constant 0 : i32
    return %c0_i32, %c0_i32_0 : i32, i32
  }
  func.func @transform_15(%arg0: i32) -> (i32, i32) {
    %c0_i32 = arith.constant 0 : i32
    %c0_i32_0 = arith.constant 0 : i32
    %c0_i32_1 = arith.constant 0 : i32
    return %c0_i32, %c0_i32_0 : i32, i32
  }
  func.func @transform_16(%arg0: i32) -> (i32, i32) {
    %c0_i32 = arith.constant 0 : i32
    %c0_i32_0 = arith.constant 0 : i32
    %c0_i32_1 = arith.constant 0 : i32
    return %c0_i32, %c0_i32_0 : i32, i32
  }
  func.func @transform_17(%arg0: i32) -> (i32, i32) {
    %sub3A = arith.constant 5 : i32
    %sub3A_0 = arith.subi %arg0, %sub3A : i32
    %max3A = arith.constant 0 : i32
    %max3A_1 = arith.maxsi %sub3A_0, %max3A : i32
    %c0_i32 = arith.constant 0 : i32
    %c0_i32_2 = arith.constant 0 : i32
    return %max3A_1, %c0_i32 : i32, i32
  }
  func.func @transform_18(%arg0: i32) -> (i32, i32) {
    %c0_i32 = arith.constant 0 : i32
    %c0_i32_0 = arith.constant 0 : i32
    %c0_i32_1 = arith.constant 0 : i32
    return %c0_i32, %c0_i32_0 : i32, i32
  }
}

</mosaic_0001>

<sc_bundles>
// kernel: kernel.5.cloned.1.call-start
scs
__scs_entry_jumppad:
0x0: {  	(pc) =	sbr.rel $0x88, $3  }
0x1: {  	(tag) =	ssettag $0x0;
	lr =	simm.s32 $0x1  }
0x2: {  	[smem:$0x3F93] =	sst lr;
	_ =	strace $0xD0000000  }
0x3: {  	_ = 	snop  }
0x4: {  	_ = 	snop  }
0x5: {  	_ = 	snop  }
0x6: {  	_ = 	snop  }
0x7: {  	_ = 	snop  }
__scs_overlays_trampoline_lowered:
0x8: {  	[smem:$0x3FA2] =	sst s0  }
0x9: {  	[smem:$0x3FA3] =	sst s1  }
0xa: {  	[smem:$0x3FA4] =	sst s2  }
0xb: {  	[smem:$0x3FA5] =	sst s3  }
0xc: {  	[smem:$0x3FA6] =	sst s4  }
0xd: {  	[smem:$0x3FA7] =	sst s5  }
0xe: {  	[smem:$0x3FA8] =	sst s6  }
0xf: {  	[smem:$0x3FA9] =	sst s7  }
0x10: {  	[smem:$0x3FAA] =	sst s8  }
0x11: {  	[smem:$0x3FAB] =	sst s9;
	s0 =	simm.s32 @!p0 $0x0  }
0x12: {  	s1 =	sld [smem:$0x3F91];
	s0 =	simm.s32 @p0 $0x1  }
0x13: {  	[smem:$0x3FAC] =	sst s0;
	s0 =	simm.s32 @!p1 $0x0  }
0x14: {  	s2 =	sld [smem:$0x3F90];
	s0 =	simm.s32 @p1 $0x1  }
0x15: {  	[smem:$0x3FAD] =	sst s0;
	s0 =	simm.s32 @!p2 $0x0  }
0x16: {  	s3 =	sld [smem:$0x3FDB];
	s0 =	simm.s32 @p2 $0x1  }
0x17: {  	s4 =	simm.s32 $0x1BF5;
	[smem:$0x3FAF] =	sst s0  }
0x18: {  	s0 =	sld [smem:$0x3F92];
	_ =	swait.ge [sflag:s4], $0x0  }
0x19: {  	s7 =	sld [smem:$0x3F93]  }
0x1a: {  	s8 =	sadd.s32 $0xFFFFE003, lr  }
0x1b: {  	s9 =	sadd.s32 $0xFFFFFEF7, lr;
	s5 =	simm.s32 $0xFFFFFFFF;
	p2 =	slt.u32 s8, $0xFFFFF086  }
0x1c: {  	p1 =	slt.u32 s9, $0xF7A;
	s5 =	simm.s32 @!p2 $0x0  }
0x1d: {  	s5 =	simm.s32 @p1 $0x1;
	p0 =	seq.s32 s7, s2  }
0x1e: {  	s7 =	smul.u32 @!p0 $0xF7A, s2;
	p2 =	seq.s32 @!p0 s5, $0x0  }
0x1f: {  	s9 =	smul.u32 $0xF7A, s1;
	s8 =	simm.s32 @!p0 $0x1BF5;
	p2 =	por !p2, p0  }
0x20: {  	[sflag:s8] =	ssyncset.s32 @!p0 $0xFFFFF086;
	s6 =	sadd.s32 @!p0 s3, s7;
	s7 =	simm.s32 @!p0 $0x108  }
0x21: {  	s3 =	sadd.s32 s3, s9;
	s6 =	sadd.s32 @!p0 $0x88, s6;
	s7 =	simm.s32 @p2 $0x1082  }
0x22: {  	[simem:s7], [sflag:s8] =	dma.local @!p0 [hbm:s6], $0xF7A  }
0x23: {  	s9 =	sor.u32 $0xD0000000, s2;
	s6 =	simm.s32 $0x108;
	_ =	swait.ge @!p0 [sflag:s8], $0x0  }
0x24: {  	s3 =	sadd.s32 $0x88, s3;
	s6 =	simm.s32 @!p1 $0x1082;
	[sflag:s4] =	ssyncset.s32 $0xFFFFF086  }
0x25: {  	[simem:s6], [sflag:s4] =	dma.local [hbm:s3], $0xF7A  }
0x26: {  	[smem:$0x3F93] =	sst s1;
	(tag) =	ssettag s2;
	_ =	strace s9  }
0x27: {  	s1 =	sld [smem:$0x3FA3]  }
0x28: {  	s2 =	sld [smem:$0x3FA4]  }
0x29: {  	s4 =	sld [smem:$0x3FA6]  }
0x2a: {  	p0 =	seq.s32 s5, $0x0;
	s5 =	sld [smem:$0x3FA7]  }
0x2b: {  	s6 =	sld [smem:$0x3FA8]  }
0x2c: {  	s7 =	sld [smem:$0x3FA9]  }
0x2d: {  	s3 =	simm.s32 $0x108;
	s8 =	sld [smem:$0x3FAA]  }
0x2e: {  	s3 =	simm.s32 @!p0 $0x1082;
	s9 =	sld [smem:$0x3FAB]  }
0x2f: {  	lr =	sadd.s32 s0, s3;
	s0 =	sld [smem:$0x3FA2]  }
0x30: {  	s3 =	sld [smem:$0x3FA5]  }
0x31: {  	[smem:$0x3FAE] =	sst s10  }
0x32: {  	s10 =	sld [smem:$0x3FAC];
	_ =	sdelay $0x3  }
0x33: {  	p0 =	seq.s32 s10, $0x1;
	s10 =	sld [smem:$0x3FAE];
	_ =	sdelay $0x3  }
0x34: {  	[smem:$0x3FAE] =	sst s10  }
0x35: {  	s10 =	sld [smem:$0x3FAD];
	_ =	sdelay $0x3  }
0x36: {  	p1 =	seq.s32 s10, $0x1;
	s10 =	sld [smem:$0x3FAE];
	_ =	sdelay $0x3  }
0x37: {  	[smem:$0x3FAE] =	sst s10  }
0x38: {  	s10 =	sld [smem:$0x3FAF]  }
0x39: {  	_ = 	snop;
	(pc) =	sbr.ind lr, $3  }
0x3a: {  	_ = 	snop  }
0x3b: {  	_ = 	snop  }
0x3c: {  	p2 =	seq.s32 s10, $0x1;
	s10 =	sld [smem:$0x3FAE]  }
0x3d: {  	_ =	shalt  }
0x3e: {  	_ =	shalt  }
0x3f: {  	_ =	shalt  }
0x40: {  	_ =	shalt  }
0x41: {  	_ =	shalt  }
0x42: {  	_ =	shalt  }
0x43: {  	_ =	shalt  }
0x44: {  	_ =	shalt  }
0x45: {  	_ =	shalt  }
0x46: {  	_ =	shalt  }
0x47: {  	_ =	shalt  }
0x48: {  	_ =	shalt  }
0x49: {  	_ =	shalt  }
0x4a: {  	_ =	shalt  }
0x4b: {  	_ =	shalt  }
0x4c: {  	_ =	shalt  }
0x4d: {  	_ =	shalt  }
0x4e: {  	_ =	shalt  }
0x4f: {  	_ =	shalt  }
0x50: {  	_ =	shalt  }
0x51: {  	_ =	shalt  }
0x52: {  	_ =	shalt  }
0x53: {  	_ =	shalt  }
0x54: {  	_ =	shalt  }
0x55: {  	_ =	shalt  }
0x56: {  	_ =	shalt  }
0x57: {  	_ =	shalt  }
0x58: {  	_ =	shalt  }
0x59: {  	_ =	shalt  }
0x5a: {  	_ =	shalt  }
0x5b: {  	_ =	shalt  }
0x5c: {  	_ =	shalt  }
0x5d: {  	_ =	shalt  }
0x5e: {  	_ =	shalt  }
0x5f: {  	_ =	shalt  }
0x60: {  	_ =	shalt  }
0x61: {  	_ =	shalt  }
0x62: {  	_ =	shalt  }
0x63: {  	_ =	shalt  }
0x64: {  	_ =	shalt  }
0x65: {  	_ =	shalt  }
0x66: {  	_ =	shalt  }
0x67: {  	_ =	shalt  }
0x68: {  	_ =	shalt  }
0x69: {  	_ =	shalt  }
0x6a: {  	_ =	shalt  }
0x6b: {  	_ =	shalt  }
0x6c: {  	_ =	shalt  }
0x6d: {  	_ =	shalt  }
0x6e: {  	_ =	shalt  }
0x6f: {  	_ =	shalt  }
0x70: {  	_ =	shalt  }
0x71: {  	_ =	shalt  }
0x72: {  	_ =	shalt  }
0x73: {  	_ =	shalt  }
0x74: {  	_ =	shalt  }
0x75: {  	_ =	shalt  }
0x76: {  	_ =	shalt  }
0x77: {  	_ =	shalt  }
0x78: {  	_ =	shalt  }
0x79: {  	_ =	shalt  }
0x7a: {  	_ =	shalt  }
0x7b: {  	_ =	shalt  }
0x7c: {  	_ =	shalt  }
0x7d: {  	_ =	shalt  }
0x7e: {  	_ =	shalt  }
0x7f: {  	_ =	shalt  }
0x80: {  	_ =	shalt  }
0x81: {  	_ =	shalt  }
0x82: {  	_ =	shalt  }
0x83: {  	_ =	shalt  }
0x84: {  	_ =	shalt  }
0x85: {  	_ =	shalt  }
0x86: {  	_ =	shalt  }
0x87: {  	_ =	shalt  }
.Lfunc_end0:
.L_simem_size_0:
called_computation_lowered:
.L_overlay_start_0:
0x88: {  	s2 =	sld [smem:$0x3FD9]  }
0x89: {  	s3 =	sld [smem:$0x3FFE];
	_ =	sdelay $0x1  }
0x8a: {  	s1 =	srdreg.scid  }
0x8b: {  	s0 =	sand.u32 $0x1, s1  }
0x8c: {  	s14 =	sshll.u32 s0, $0xA;
	s2 =	sadd.s32 s3, s2  }
0x8d: {  	s2 =	sadd.s32 s2, s14  }
0x8e: {  	[smem:$0x3FBA] =	sst s2  }
0x8f: {  	_ = 	snop  }
0x90: {  	s2 =	sld [smem:$0x3FD0];
	_ =	sdelay $0x2  }
0x91: {  	s15 =	simm.s32 $0xA;
	s4 =	simm.s32 $0x10  }
0x92: {  	[smem:s4], [sflag:s15] =	dma.local [hbm:s2], $0x1  }
0x93: {  	_ =	swait.eq [sflag:s15], $0x1  }
0x94: {  	[sflag:s15] =	ssyncset.done $0x0  }
0x95: {  	[sflag:s15] =	ssyncadd.s32 $0xFFFFFFFF  }
0x96: {  	s16 =	sld [smem:$0x10];
	(tm) =	ssettm $0x1  }
0x97: {  	s17 =	sld [smem:$0x3FFB];
	_ =	sdelay $0x3  }
0x98: {  	_ =	strace s17  }
0x99: {  	s3 =	sld [smem:$0x3FFC];
	_ =	sdelay $0x3  }
0x9a: {  	_ =	strace s3  }
0x9b: {  	s3 =	sld [smem:$0x3FFD];
	_ =	sdelay $0x3  }
0x9c: {  	_ =	strace s3  }
0x9d: {  	_ =	strace $0x8FFFFFFF  }
0x9e: {  	s18 =	sld [smem:$0x3FDB];
	_ =	sdelay $0x1  }
0x9f: {  	s19 =	simm.s32 $_scs_section_size  }
0xa0: {  	s5 =	simm.s32 $_size__tile_overlayer_lowered;
	s6 =	simm.s32 $_tile_overlayer_lowered  }
0xa1: {  	s22 =	simm.s32 $0x1BFF;
	s21 =	sshll.u32 s6, $0x1;
	s3 =	sadd.s32 s19, s18  }
0xa2: {  	s7 =	simm.s32 $0x0;
	s20 =	sshll.u32 s5, $0x1;
	s5 =	sadd.s32 s21, s3  }
0xa3: {  	[timem:s7], [sflag:s22] =	dma.local [hbm:s5], s20  }
0xa4: {  	_ =	swait.ge [sflag:s22], s20  }
0xa5: {  	s4 =	ssub.s32 $0x0, s20;
	[sflag:s22] =	ssyncset.done $0x0  }
0xa6: {  	[sflag:s22] =	ssyncadd.s32 s4;
	_ =	sdelay $0x1  }
0xa7: {  	s23 =	simm.s32 $0x1B8B  }
0xa8: {  	_ =	swait.ge [sflag:s23], $0x1  }
0xa9: {  	[sflag:s23] =	ssyncset.done $0x0  }
0xaa: {  	s25 =	simm.s32 $0x1B8E;
	s24 =	sld [smem:$0x3FFE];
	[sflag:s23] =	ssyncadd.s32 $0xFFFFFFFF  }
0xab: {  	s26 =	simm.s32 $execute0_lowered;
	[smem:$0x3FD2] =	sst s25  }
0xac: {  	s5 =	sshll.u32 s26, $0x1;
	_ =	strace $0x80000046;
	[dreg:$0x1] =	wrdreg $0xFFFFFFFF  }
0xad: {  	s28 =	simm.s32 $_size_execute0_lowered;
	s3 =	sadd.s32 s3, s5;
	[dreg:$0x0] =	wrdreg $0x0  }
0xae: {  	s5 =	sshll.u32 s28, $0x1;
	[dreg:$0x2] =	wrdreg s3  }
0xaf: {  	[dreg:$0x3] =	wrdreg s5  }
0xb0: {  	[dreg:$0x4] =	wrdreg $0xC0  }
0xb1: {  	_ =	task [dreg:s7], $0x5FFFF  }
0xb2: {  	[dreg:$0x1] =	wrdreg $0xFFFFFFFF  }
0xb3: {  	[dreg:$0x0] =	wrdreg $0x60  }
0xb4: {  	[dreg:$0x2] =	wrdreg s16  }
0xb5: {  	[dreg:$0x3] =	wrdreg s24  }
0xb6: {  	[dreg:$0x4] =	wrdreg $0xBA000  }
0xb7: {  	[dreg:$0x5] =	wrdreg $0x9  }
0xb8: {  	_ =	task.clear_ibuf [dreg:s7], $0x6FFFF;
	_ =	strace $0x90000046  }
0xb9: {  	s29 =	simm.s32 $0x9;
	_ =	strace $0x80000048  }
0xba: {  	_ =	swait.ge [sflag:s29], $0x1  }
0xbb: {  	[sflag:s29] =	ssyncadd.s32 $0xFFFFFFFF  }
0xbc: {  	_ =	strace $0x90000048  }
0xbd: {  	_ =	sfence  }
0xbe: {  	s30 =	sld [smem:$0x0];
	_ =	sdelay $0x2  }
0xbf: {  	s31 =	sshll.u32 s1, $0xD;
	s1 =	sshrl.u32 s1, $0x2  }
0xc0: {  	s3 =	sand.u32 $0x4000, s31;
	s1 =	sadd.s32 s1, s30  }
0xc1: {  	s0 =	sor.u32 s3, s0;
	s1 =	sshll.u32 s1, $0x11  }
0xc2: {  	s0 =	sor.u32 s1, s0  }
0xc3: {  	s0 =	sadd.s32 $0x8F2B, s0  }
0xc4: {  	[sflag:s0] =	ssyncadd.remote.s32 $0x1  }
0xc5: {  	_ =	sfence.sel $0xFFFF  }
0xc6: {  	[dreg:$0x0] =	wrdreg $0xFFFFFFFF;
	(pc) =	sbr.abs _section_cstart, $3  }
0xc7: {  	[dreg:$0x1] =	wrdreg $0xFFFFFFFF  }
0xc8: {  	_ =	task.clear_ibuf [dreg:s7], $0x2FFFF;
	_ =	strace $0x9FFFFFFF  }
0xc9: {  	(tm) =	ssettm $0x7FFFFFFF  }
tec
execute0_lowered:
.L_overlay_start_1:
0x0: {  	(tag) =	ssettag $0x1  }
0x1: {  	s1 =	rddreg [dreg:$0x0]  }
0x2: {  	s0 =	rddreg [dreg:$0x1]  }
0x3: {  	s2 =	rddreg [dreg:$0x2];
	s3 =	simm.s32 $0x0  }
0x4: {  	s4 =	srdreg.scid;
	s11 =	stileid.u32;
	s31 =	simm.s32 $0x100  }
0x5: {  	[smem:$0x7FF] =	sst s3;
	s5 =	sadd.s32 $0x547200, s0;
	s9 =	smul.u32 $0x14000, s11  }
0x6: {  	s4 =	sand.u32 $0x1, s4;
	s6 =	sadd.s32 $0x53D400, s0;
	s7 =	sadd.s32 $0x533600, s0  }
0x7: {  	s10 =	sshll.u32 s11, $0x1;
	s28 =	smul.u32 $0x50000, s11;
	s11 =	simm.s32 $0x50  }
0x8: {  	s8 =	smul.u32 $0x140000, s4;
	s26 =	sor.u32 s4, s10;
	s4 =	ssub.s32 $0x2, s4  }
0x9: {  	_ =	strace $0x80000047;
	s29 =	smul.u32 $0x2710, s26;
	s30 =	sshrl.u32 s4, $0x1  }
0xa: {  	s10 =	sshrl.u32 s28, $0x2;
	s16 =	smul.u32 $0x27100, s26;
	s8 =	sadd.s32 s9, s8  }
0xb: {  	s4 =	ssub.s32 s4, s30;
	s24 =	sadd.s32 s10, s2;
	s9 =	smul.u32 $0x138800, s26  }
0xc: {  	s8 =	sshrl.u32 s8, $0x3;
	s12 =	sshrl.u32 s29, $0x3;
	s10 =	sadd.s32 $0x4000, s24  }
0xd: {  	s13 =	sadd.s32 $0x8000, s24;
	s15 =	sadd.s32 $0x50, s29;
	s23 =	sadd.s32 $0xF0, s29  }
0xe: {  	s25 =	sadd.s32 $0x140, s29;
	s28 =	smax.u32 s4, $0x1;
	[dreg:$0x4] =	wrdreg s24  }
0xf: {  	s30 =	sadd.s32 $0x10000, s24;
	s4 =	simm.s32 $0x180;
	[dreg:$0x5] =	wrdreg s10  }
0x10: {  	s0 =	sadd.s32 s8, s0;
	[dreg:$0x6] =	wrdreg s13;
	s14 =	sadd.s32 s6, s12  }
0x11: {  	s8 =	sadd.s32 s7, s12;
	s20 =	smov.u32 s15;
	[dreg:$0xe] =	wrdreg s23  }
0x12: {  	s10 =	sshrl.u32 s15, $0x3;
	s12 =	sadd.s32 $0xA0, s29;
	[dreg:$0xf] =	wrdreg s25  }
0x13: {  	s19 =	sshrl.u32 s9, $0x3;
	[dreg:$0x13] =	wrdreg s28;
	s29 =	sadd.s32 $0xC000, s24  }
0x14: {  	[dreg:$0x15] =	wrdreg s30;
	s25 =	simm.s32 $0x8;
	s9 =	simm.s32 $0x3  }
0x15: {  	s15 =	simm.s32 $0x1;
	s23 =	simm.s32 $0x6;
	[dreg:$0x7] =	wrdreg s14  }
0x16: {  	[dreg:$0x8] =	wrdreg s8;
	s13 =	sadd.s32 s6, s10;
	s10 =	sadd.s32 s7, s10  }
0x17: {  	s21 =	smov.u32 s12;
	s17 =	sshrl.u32 s12, $0x3;
	[dreg:$0x14] =	wrdreg s29  }
0x18: {  	s8 =	sadd.s32 s5, s16;
	s0 =	sadd.s32 $0x51600, s0;
	[dreg:$0x9] =	wrdreg s13  }
0x19: {  	s12 =	simm.s32 $0x2A00;
	s16 =	simm.s32 $0x2;
	[dreg:$0xa] =	wrdreg s10  }
0x1a: {  	[dreg:$0xb] =	wrdreg s8;
	s18 =	sadd.s32 s6, s17;
	s22 =	sadd.s32 s7, s17  }
0x1b: {  	s8 =	sadd.s32 s5, s19;
	[dreg:$0x12] =	wrdreg s0;
	s0 =	simm.s32 $0x80  }
0x1c: {  	s10 =	simm.s32 $0x200;
	s17 =	simm.s32 $0x5;
	[dreg:$0xc] =	wrdreg s18  }
0x1d: {  	s19 =	simm.s32 $0x4;
	[dreg:$0xd] =	wrdreg s22;
	s26 =	sadd.s32 $0x26700, s8  }
0x1e: {  	s13 =	simm.s32 $0x0;
	s8 =	sadd.s32 $0x26C00, s8;
	[dreg:$0x10] =	wrdreg s26  }
0x1f: {  	v0 =	vimm.f32 $0.0e+00;
	s18 =	simm.s32 $0x5200;
	s22 =	simm.s32 $0x7;
	[dreg:$0x11] =	wrdreg s8  }
.LBB2_1:
0x20: {  	[dreg:$0x16] =	wrdreg s13;
	s8 =	simm.s32 $0x0;
	s13 =	simm.s32 $0x200  }
.LBB2_2:
0x21: {  	p0 =	sne.s32 s13, $0xFE00;
	[tilespmem:s8+$0x7A70] =	vst v0  }
0x22: {  	[tilespmem:s8+$0x7A00] =	vst v0  }
0x23: {  	[tilespmem:s8+$0x7A10] =	vst v0  }
.Ltmp0:
0x24: {  	[tilespmem:s8+$0x7A20] =	vst v0;
	(pc) =	sbr.rel @p0 .LBB2_2-.Ltmp0, $4  }
0x25: {  	[tilespmem:s8+$0x7A30] =	vst v0  }
0x26: {  	[tilespmem:s8+$0x7A40] =	vst v0  }
0x27: {  	[tilespmem:s8+$0x7A50] =	vst v0  }
0x28: {  	[tilespmem:s8+$0x7A60] =	vst v0;
	s8 =	sshra.s32 s13, $0x2;
	s13 =	sadd.s32 $0x200, s13  }
0x29: {  	[tilespmem:s8+$0x7A70] =	vst v0  }
0x2a: {  	[tilespmem:s8+$0x7A00] =	vst v0  }
0x2b: {  	[tilespmem:s8+$0x7A10] =	vst v0  }
0x2c: {  	[tilespmem:s8+$0x7A20] =	vst v0  }
0x2d: {  	[tilespmem:s8+$0x7A30] =	vst v0  }
0x2e: {  	[tilespmem:s8+$0x7A40] =	vst v0  }
0x2f: {  	[tilespmem:s8+$0x7A50] =	vst v0  }
0x30: {  	[tilespmem:s8+$0x7A60] =	vst v0;
	s13 =	simm.s32 $0x200;
	s8 =	simm.s32 $0x0  }
.LBB2_4:
0x31: {  	p0 =	sne.s32 s13, $0x9E00;
	[tilespmem:s8+$0x5270] =	vst v0;
	s14 =	smov.u32 s13;
	s13 =	sadd.s32 $0x200, s13  }
.Ltmp1:
0x32: {  	[tilespmem:s8+$0x5260] =	vst v0;
	(pc) =	sbr.rel @p0 .LBB2_4-.Ltmp1, $3  }
0x33: {  	[tilespmem:s8+$0x5240] =	vst v0  }
0x34: {  	[tilespmem:s8+$0x5250] =	vst v0;
	_ =	sdelay $0x1  }
0x35: {  	s8 =	sshra.s32 s14, $0x2  }
0x36: {  	[tilespmem:s8+$0x5270] =	vst v0  }
0x37: {  	[tilespmem:s8+$0x5260] =	vst v0  }
0x38: {  	[tilespmem:s8+$0x5240] =	vst v0  }
0x39: {  	[tilespmem:s8+$0x5250] =	vst v0;
	s13 =	simm.s32 $0x7A00  }
0x3a: {  	[spmem:s24] =	stream.linear.scatter [tilespmem:s13], [sflag:$0x8], $0x4000, $0x38;
	[tilespmem:$0x1FA00] =	vst v63  }
0x3b: {  	_ =	swait.ge [sflag:s25], $0x4000  }
0x3c: {  	[sflag:s25] =	ssyncset.done $0x0  }
0x3d: {  	s14 =	rddreg [dreg:$0x5];
	[sflag:s25] =	ssyncadd.s32 $0xFFFFC000  }
0x3e: {  	[spmem:s14] =	stream.linear.scatter [tilespmem:s13], [sflag:$0x8], $0x4000, $0x38;
	[tilespmem:$0x1FA00] =	vst v63  }
0x3f: {  	_ =	swait.ge [sflag:s25], $0x4000  }
0x40: {  	[sflag:s25] =	ssyncset.done $0x0  }
0x41: {  	s24 =	rddreg [dreg:$0x6];
	[sflag:s25] =	ssyncadd.s32 $0xFFFFC000  }
0x42: {  	[spmem:s24] =	stream.linear.scatter [tilespmem:s13], [sflag:$0x8], $0x4000, $0x38;
	[tilespmem:$0x1FA00] =	vst v63  }
0x43: {  	_ =	swait.ge [sflag:s25], $0x4000  }
0x44: {  	[sflag:s25] =	ssyncset.done $0x0  }
0x45: {  	s26 =	rddreg [dreg:$0x14];
	[sflag:s25] =	ssyncadd.s32 $0xFFFFC000  }
0x46: {  	[spmem:s26] =	stream.linear.scatter [tilespmem:s13], [sflag:$0x8], $0x4000, $0x38;
	[tilespmem:$0x1FA00] =	vst v63  }
0x47: {  	_ =	swait.ge [sflag:s25], $0x4000  }
0x48: {  	[sflag:s25] =	ssyncset.done $0x0  }
0x49: {  	s30 =	rddreg [dreg:$0x15];
	[sflag:s25] =	ssyncadd.s32 $0xFFFFC000  }
0x4a: {  	[spmem:s30] =	stream.linear.scatter [tilespmem:s13], [sflag:$0x8], $0x4000, $0x38;
	[tilespmem:$0x1FA00] =	vst v63  }
0x4b: {  	_ =	swait.ge [sflag:s25], $0x4000  }
0x4c: {  	[sflag:s25] =	ssyncset.done $0x0  }
0x4d: {  	[sflag:s25] =	ssyncadd.s32 $0xFFFFC000  }
0x4e: {  	[bflag:$0x0] =	sbarrier.arrive $0xFFFF  }
0x4f: {  	s13 =	rddreg [dreg:$0x7]  }
0x50: {  	[tilespmem:s3], [sflag:$0x3] =	stream.linear.gather [hbm4b:s13+s3], $0x50, $0x38;
	[tilespmem:$0x1FA00] =	vst v63  }
0x51: {  	s14 =	rddreg [dreg:$0x8]  }
0x52: {  	[tilespmem:s31], [sflag:$0x5] =	stream.linear.gather [hbm4b:s14+s3], $0x50, $0x38;
	[tilespmem:$0x1FA00] =	vst v63  }
0x53: {  	s24 =	rddreg [dreg:$0x9]  }
0x54: {  	[tilespmem:s0], [sflag:$0x4] =	stream.linear.gather [hbm4b:s24+s3], $0x50, $0x38;
	[tilespmem:$0x1FA00] =	vst v63  }
0x55: {  	s25 =	rddreg [dreg:$0xa]  }
0x56: {  	[tilespmem:s4], [sflag:$0x6] =	stream.linear.gather [hbm4b:s25+s3], $0x50, $0x38;
	[tilespmem:$0x1FA00] =	vst v63  }
0x57: {  	_ =	swait.ge [sflag:s9], $0x50  }
0x58: {  	[sflag:s9] =	ssyncset.done $0x0  }
0x59: {  	s26 =	rddreg [dreg:$0xb];
	[sflag:s9] =	ssyncadd.s32 $0xFFFFFFB0  }
0x5a: {  	[tilespmem:s10], [sflag:$0x1] =	stream.linear.gather [hbm4b:s26+s3], $0x2800, $0x38;
	[tilespmem:$0x1FA00] =	vst v63  }
0x5b: {  	_ = 	snop  }
0x5c: {  	[tilespmem:s12], [sflag:$0x2] =	stream.indirect.gather [hbm4b:s1+s11], $0x80, s3, s11, $0xb8;
	[tilespmem:$0x1FA00] =	vst v63  }
0x5d: {  	_ =	swait.ge [sflag:s15], $0x2800  }
0x5e: {  	[sflag:s15] =	ssyncset.done $0x0  }
0x5f: {  	[sflag:s15] =	ssyncadd.s32 $0xFFFFD800  }
0x60: {  	_ =	swait.ge [sflag:s16], $0x2800  }
0x61: {  	[sflag:s16] =	ssyncset.done $0x0  }
0x62: {  	s14 =	simm.s32 $0x300;
	[sflag:s16] =	ssyncadd.s32 $0xFFFFD800  }
0x63: {  	s30 =	simm.s32 $0x2B00;
	v1 =	vld [tilespmem:s14+$0x80]  }
0x64: {  	v2 =	vld [tilespmem:s30+$0x80];
	_ =	sdelay $0x1  }
0x65: {  	v3 =	vld [tilespmem:s14+$0xFFFFFF80]  }
0x66: {  	v4 =	vld [tilespmem:s30+$0xFFFFFF80]  }
0x67: {  	v5 =	vld [tilespmem:s30+$0xFFFFFF00]  }
0x68: {  	v1 =	vadd.f32 v2, v1;
	v2 =	vld [tilespmem:s14+$0xFFFFFF00]  }
0x69: {  	v6 =	vld [tilespmem:s14+$0x0]  }
0x6a: {  	s25 =	simm.s32 $0x5300;
	s26 =	simm.s32 $0x500;
	v7 =	vld [tilespmem:s30+$0x0];
	v1 =	vmax.f32 v1, $0.0e+00  }
0x6b: {  	s28 =	simm.s32 $0x2D00;
	v9 =	vld [tilespmem:s26+$0x80];
	[tilespmem:s25+$0x80] =	vst v1;
	v1 =	vadd.f32 v4, v3  }
0x6c: {  	v10 =	vld [tilespmem:s28+$0x80]  }
0x6d: {  	v3 =	vld [tilespmem:s14+$0x90];
	v1 =	vmax.f32 v1, $0.0e+00;
	v2 =	vadd.f32 v5, v2  }
0x6e: {  	v4 =	vld [tilespmem:s30+$0x90];
	[tilespmem:s25+$0xFFFFFF80] =	vst v1  }
0x6f: {  	v1 =	vadd.f32 v7, v6;
	v5 =	vld [tilespmem:s14+$0xFFFFFF90];
	v2 =	vmax.f32 v2, $0.0e+00  }
0x70: {  	v6 =	vld [tilespmem:s30+$0xFFFFFF90];
	[tilespmem:s25+$0xFFFFFF00] =	vst v2  }
0x71: {  	v1 =	vmax.f32 v1, $0.0e+00;
	v2 =	vld [tilespmem:s14+$0xFFFFFF10]  }
0x72: {  	[tilespmem:s25+$0x0] =	vst v1;
	v1 =	vld [tilespmem:s30+$0xFFFFFF10]  }
0x73: {  	v3 =	vadd.f32 v4, v3;
	v4 =	vld [tilespmem:s14+$0x10]  }
0x74: {  	v7 =	vld [tilespmem:s30+$0x10]  }
0x75: {  	v11 =	vld [tilespmem:s28+$0xFFFFFF00];
	v3 =	vmax.f32 v3, $0.0e+00  }
0x76: {  	v12 =	vld [tilespmem:s26+$0xFFFFFF80];
	[tilespmem:s25+$0x90] =	vst v3;
	v3 =	vadd.f32 v6, v5  }
0x77: {  	v13 =	vld [tilespmem:s26+$0x0];
	v1 =	vadd.f32 v1, v2  }
0x78: {  	v5 =	vld [tilespmem:s14+$0xA0];
	v3 =	vmax.f32 v3, $0.0e+00  }
0x79: {  	v6 =	vld [tilespmem:s30+$0xA0];
	[tilespmem:s25+$0xFFFFFF90] =	vst v3;
	v3 =	vadd.f32 v7, v4;
	v1 =	vmax.f32 v1, $0.0e+00  }
0x7a: {  	v2 =	vld [tilespmem:s14+$0xFFFFFFA0];
	[tilespmem:s25+$0xFFFFFF10] =	vst v1  }
0x7b: {  	v1 =	vmax.f32 v3, $0.0e+00;
	v3 =	vld [tilespmem:s14+$0xFFFFFF20]  }
0x7c: {  	[tilespmem:s25+$0x10] =	vst v1;
	v1 =	vld [tilespmem:s30+$0xFFFFFF20]  }
0x7d: {  	v4 =	vld [tilespmem:s30+$0xFFFFFFA0]  }
0x7e: {  	v9 =	vadd.f32 v10, v9;
	v10 =	vld [tilespmem:s28+$0x0];
	v5 =	vadd.f32 v6, v5  }
0x7f: {  	v6 =	vld [tilespmem:s14+$0x20]  }
0x80: {  	v7 =	vld [tilespmem:s30+$0x20];
	v5 =	vmax.f32 v5, $0.0e+00  }
0x81: {  	[tilespmem:s25+$0xA0] =	vst v5;
	v1 =	vadd.f32 v1, v3;
	v3 =	vld [tilespmem:s28+$0xFFFFFF80]  }
0x82: {  	s8 =	simm.s32 $0x5500;
	v2 =	vadd.f32 v4, v2;
	v4 =	vmax.f32 v9, $0.0e+00;
	v5 =	vld [tilespmem:s14+$0xB0]  }
0x83: {  	v8 =	vld [tilespmem:s30+$0xB0];
	[tilespmem:s8+$0x80] =	vst v4;
	v1 =	vmax.f32 v1, $0.0e+00  }
0x84: {  	[tilespmem:s25+$0xFFFFFF20] =	vst v1;
	v1 =	vld [tilespmem:s26+$0xFFFFFF00]  }
0x85: {  	v59 =	vld [tilespmem:s26+$0x90];
	v6 =	vadd.f32 v7, v6  }
0x86: {  	v2 =	vmax.f32 v2, $0.0e+00;
	v9 =	vld [tilespmem:s14+$0xFFFFFF30];
	v3 =	vadd.f32 v3, v12  }
0x87: {  	[tilespmem:s25+$0xFFFFFFA0] =	vst v2;
	v6 =	vmax.f32 v6, $0.0e+00;
	v4 =	vld [tilespmem:s30+$0xFFFFFF30]  }
0x88: {  	[tilespmem:s25+$0x20] =	vst v6;
	v2 =	vmax.f32 v3, $0.0e+00;
	v3 =	vadd.f32 v10, v13;
	v10 =	vld [tilespmem:s28+$0x90]  }
0x89: {  	v63 =	vld [tilespmem:s14+$0x30];
	v1 =	vadd.f32 v11, v1;
	[tilespmem:s8+$0xFFFFFF80] =	vst v2  }
0x8a: {  	v2 =	vld [tilespmem:s26+$0xFFFFFF90]  }
0x8b: {  	v60 =	vld [tilespmem:s28+$0xFFFFFF90];
	v1 =	vmax.f32 v1, $0.0e+00  }
0x8c: {  	v11 =	vld [tilespmem:s14+$0xFFFFFFB0];
	v3 =	vmax.f32 v3, $0.0e+00;
	[tilespmem:s8+$0xFFFFFF00] =	vst v1  }
0x8d: {  	[tilespmem:s8+$0x0] =	vst v3;
	v3 =	vld [tilespmem:s26+$0xFFFFFF10];
	v10 =	vadd.f32 v10, v59  }
0x8e: {  	v61 =	vld [tilespmem:s28+$0xFFFFFF10]  }
0x8f: {  	v1 =	vld [tilespmem:s26+$0x10];
	v10 =	vmax.f32 v10, $0.0e+00  }
0x90: {  	v7 =	vld [tilespmem:s28+$0x10];
	v2 =	vadd.f32 v60, v2;
	[tilespmem:s8+$0x90] =	vst v10  }
0x91: {  	v62 =	vld [tilespmem:s26+$0xA0]  }
0x92: {  	v2 =	vmax.f32 v2, $0.0e+00;
	v6 =	vld [tilespmem:s28+$0xA0]  }
0x93: {  	v10 =	vld [tilespmem:s30+$0xFFFFFFB0];
	v3 =	vadd.f32 v61, v3;
	[tilespmem:s8+$0xFFFFFF90] =	vst v2  }
0x94: {  	v14 =	vld [tilespmem:s26+$0xFFFFFFA0]  }
0x95: {  	v1 =	vadd.f32 v7, v1;
	v7 =	vld [tilespmem:s28+$0xFFFFFFA0];
	v2 =	vmax.f32 v3, $0.0e+00  }
0x96: {  	v3 =	vadd.f32 v8, v5;
	v8 =	vld [tilespmem:s30+$0x30];
	[tilespmem:s8+$0xFFFFFF10] =	vst v2  }
0x97: {  	v1 =	vmax.f32 v1, $0.0e+00;
	v6 =	vadd.f32 v6, v62;
	v2 =	vld [tilespmem:s26+$0xFFFFFF20]  }
0x98: {  	v4 =	vadd.f32 v4, v9;
	[tilespmem:s8+$0x10] =	vst v1;
	v3 =	vmax.f32 v3, $0.0e+00;
	v5 =	vld [tilespmem:s28+$0xFFFFFF20]  }
0x99: {  	v1 =	vadd.f32 v10, v11;
	[tilespmem:s25+$0xB0] =	vst v3;
	v3 =	vld [tilespmem:s26+$0x20];
	v6 =	vmax.f32 v6, $0.0e+00  }
0x9a: {  	v4 =	vmax.f32 v4, $0.0e+00;
	v9 =	vadd.f32 v7, v14;
	[tilespmem:s8+$0xA0] =	vst v6;
	v6 =	vld [tilespmem:s28+$0x20]  }
0x9b: {  	[tilespmem:s25+$0xFFFFFF30] =	vst v4;
	v4 =	vmax.f32 v1, $0.0e+00;
	v7 =	vadd.f32 v8, v63;
	v1 =	vld [tilespmem:s26+$0xB0]  }
0x9c: {  	s29 =	simm.s32 $0x4;
	s13 =	simm.s32 $0x700;
	s24 =	simm.s32 $0x2D00;
	[tilespmem:s25+$0xFFFFFFB0] =	vst v4;
	v8 =	vmax.f32 v9, $0.0e+00;
	v4 =	vld [tilespmem:s28+$0xB0]  }
.LBB2_6:
0x9d: {  	v9 =	vld [tilespmem:s13+$0x80];
	v2 =	vadd.f32 v5, v2;
	[tilespmem:s8+$0xFFFFFFA0] =	vst v8;
	s28 =	sadd.s32 $0x200, s28;
	v5 =	vmax.f32 v7, $0.0e+00  }
0x9e: {  	v7 =	vld [tilespmem:s28+$0x80];
	[tilespmem:s25+$0x30] =	vst v5;
	s25 =	smov.u32 s8  }
0x9f: {  	v5 =	vld [tilespmem:s28+$0xFFFFFF00];
	v2 =	vmax.f32 v2, $0.0e+00;
	v3 =	vadd.f32 v6, v3  }
0xa0: {  	v6 =	vld [tilespmem:s13+$0xFFFFFF80];
	[tilespmem:s8+$0xFFFFFF20] =	vst v2  }
0xa1: {  	s29 =	sadd.s32 $0x4, s29;
	v2 =	vld [tilespmem:s28+$0xFFFFFF80];
	v3 =	vmax.f32 v3, $0.0e+00;
	v1 =	vadd.f32 v4, v1  }
0xa2: {  	p0 =	slt.u32 s29, $0x4C;
	v4 =	vld [tilespmem:s13+$0x0];
	[tilespmem:s8+$0x20] =	vst v3  }
0xa3: {  	v3 =	vld [tilespmem:s28+$0x0];
	v7 =	vadd.f32 v7, v9;
	v1 =	vmax.f32 v1, $0.0e+00  }
0xa4: {  	v8 =	vld [tilespmem:s13+$0xFFFFFF00];
	[tilespmem:s8+$0xB0] =	vst v1  }
0xa5: {  	s8 =	sadd.s32 $0x200, s8;
	v1 =	vmax.f32 v7, $0.0e+00;
	v7 =	vld [tilespmem:s26+$0xFFFFFF30]  }
0xa6: {  	v2 =	vadd.f32 v2, v6;
	[tilespmem:s8+$0x80] =	vst v1;
	v1 =	vld [tilespmem:s24+$0xFFFFFF30]  }
0xa7: {  	v6 =	vld [tilespmem:s13+$0x90]  }
0xa8: {  	v2 =	vmax.f32 v2, $0.0e+00;
	v3 =	vadd.f32 v3, v4;
	v4 =	vld [tilespmem:s28+$0x90]  }
0xa9: {  	v5 =	vadd.f32 v5, v8;
	[tilespmem:s8+$0xFFFFFF80] =	vst v2;
	v2 =	vld [tilespmem:s26+$0xFFFFFFB0]  }
0xaa: {  	v8 =	vld [tilespmem:s13+$0xFFFFFF90];
	v3 =	vmax.f32 v3, $0.0e+00  }
0xab: {  	v5 =	vmax.f32 v5, $0.0e+00;
	v9 =	vld [tilespmem:s28+$0xFFFFFF90];
	[tilespmem:s8+$0x0] =	vst v3;
	v1 =	vadd.f32 v1, v7  }
0xac: {  	[tilespmem:s8+$0xFFFFFF00] =	vst v5;
	v3 =	vld [tilespmem:s13+$0x10]  }
0xad: {  	v5 =	vld [tilespmem:s13+$0xFFFFFF10];
	v4 =	vadd.f32 v4, v6;
	v1 =	vmax.f32 v1, $0.0e+00  }
0xae: {  	v6 =	vld [tilespmem:s28+$0xFFFFFF10];
	[tilespmem:s25+$0xFFFFFF30] =	vst v1  }
0xaf: {  	v1 =	vld [tilespmem:s28+$0x10];
	v4 =	vmax.f32 v4, $0.0e+00  }
0xb0: {  	v7 =	vadd.f32 v9, v8;
	[tilespmem:s8+$0x90] =	vst v4;
	v4 =	vld [tilespmem:s24+$0xFFFFFFB0]  }
0xb1: {  	v8 =	vld [tilespmem:s13+$0xA0]  }
0xb2: {  	v7 =	vmax.f32 v7, $0.0e+00;
	v9 =	vld [tilespmem:s28+$0xA0]  }
0xb3: {  	v5 =	vadd.f32 v6, v5;
	[tilespmem:s8+$0xFFFFFF90] =	vst v7;
	v7 =	vld [tilespmem:s26+$0x30];
	s26 =	smov.u32 s13  }
0xb4: {  	v6 =	vld [tilespmem:s13+$0xFFFFFFA0];
	v1 =	vadd.f32 v1, v3  }
0xb5: {  	v3 =	vmax.f32 v5, $0.0e+00;
	v10 =	vld [tilespmem:s28+$0xFFFFFFA0];
	v4 =	vadd.f32 v4, v2  }
0xb6: {  	[tilespmem:s8+$0xFFFFFF10] =	vst v3;
	v1 =	vmax.f32 v1, $0.0e+00;
	v11 =	vld [tilespmem:s24+$0x30];
	s24 =	smov.u32 s28  }
0xb7: {  	v2 =	vld [tilespmem:s13+$0xFFFFFF20];
	[tilespmem:s8+$0x10] =	vst v1;
	v1 =	vadd.f32 v9, v8;
	v3 =	vmax.f32 v4, $0.0e+00  }
.Ltmp2:
0xb8: {  	v5 =	vld [tilespmem:s28+$0xFFFFFF20];
	[tilespmem:s25+$0xFFFFFFB0] =	vst v3;
	(pc) =	sbr.rel @p0 .LBB2_6-.Ltmp2, $4  }
0xb9: {  	v3 =	vld [tilespmem:s13+$0x20];
	v1 =	vmax.f32 v1, $0.0e+00  }
0xba: {  	v4 =	vadd.f32 v10, v6;
	v6 =	vld [tilespmem:s28+$0x20];
	[tilespmem:s8+$0xA0] =	vst v1  }
0xbb: {  	v1 =	vld [tilespmem:s13+$0xB0];
	v7 =	vadd.f32 v11, v7  }
0xbc: {  	s13 =	sadd.s32 $0x200, s13;
	v8 =	vmax.f32 v4, $0.0e+00;
	v4 =	vld [tilespmem:s28+$0xB0]  }
0xbd: {  	v2 =	vadd.f32 v5, v2;
	_ =	sdelay $0x1  }
0xbe: {  	[tilespmem:s8+$0xFFFFFFA0] =	vst v8;
	v2 =	vmax.f32 v2, $0.0e+00  }
0xbf: {  	v61 =	vld [tilespmem:s26+$0xFFFFFFB0];
	[tilespmem:s8+$0xFFFFFF20] =	vst v2;
	v2 =	vadd.f32 v6, v3  }
0xc0: {  	v3 =	vld [tilespmem:s26+$0xFFFFFF30]  }
0xc1: {  	v60 =	vld [tilespmem:s24+$0xFFFFFF30];
	v2 =	vmax.f32 v2, $0.0e+00  }
0xc2: {  	[tilespmem:s8+$0x20] =	vst v2;
	v2 =	vld [tilespmem:s24+$0xFFFFFFB0]  }
0xc3: {  	v62 =	vld [tilespmem:s26+$0x30]  }
0xc4: {  	v9 =	vld [tilespmem:s24+$0x30];
	_ =	sdelay $0x1  }
0xc5: {  	v1 =	vadd.f32 v4, v1  }
0xc6: {  	v63 =	vmax.f32 v7, $0.0e+00;
	v3 =	vadd.f32 v60, v3  }
0xc7: {  	[tilespmem:s25+$0x30] =	vst v63;
	v1 =	vmax.f32 v1, $0.0e+00;
	v2 =	vadd.f32 v2, v61  }
0xc8: {  	[tilespmem:s8+$0xB0] =	vst v1;
	v1 =	vmax.f32 v3, $0.0e+00;
	v3 =	vadd.f32 v9, v62  }
0xc9: {  	[tilespmem:s8+$0xFFFFFF30] =	vst v1;
	v1 =	vmax.f32 v2, $0.0e+00  }
0xca: {  	[tilespmem:s8+$0xFFFFFFB0] =	vst v1;
	v1 =	vmax.f32 v3, $0.0e+00  }
0xcb: {  	[tilespmem:s8+$0x30] =	vst v1  }
0xcc: {  	_ =	swait.ge [sflag:s17], $0x50  }
0xcd: {  	[sflag:s17] =	ssyncset.done $0x0  }
0xce: {  	[sflag:s17] =	ssyncadd.s32 $0xFFFFFFB0  }
0xcf: {  	[spmem:s2] =	stream.indirect.scatter.add.f32 [tilespmem:s18], [sflag:$0x7], $0x80, s31, s11, $0xb8;
	[tilespmem:$0x1FA00] =	vst v63  }
0xd0: {  	s25 =	simm.s32 $0x0;
	s29 =	rddreg [dreg:$0xc]  }
0xd1: {  	[tilespmem:s25], [sflag:$0x3] =	stream.linear.gather [hbm4b:s29+s25], $0x50, $0x38;
	[tilespmem:$0x1FA00] =	vst v63  }
0xd2: {  	s30 =	rddreg [dreg:$0xd]  }
0xd3: {  	[tilespmem:s31], [sflag:$0x5] =	stream.linear.gather [hbm4b:s30+s25], $0x50, $0x38;
	[tilespmem:$0x1FA00] =	vst v63  }
.LBB2_8:
0xd4: {  	s26 =	smul.u32 $0xA0, s25;
	_ =	sdelay $0x1  }
0xd5: {  	_ =	swait.ge [sflag:s19], $0x50;
	s8 =	sadd.s32 s26, s20  }
0xd6: {  	[sflag:s19] =	ssyncset.done $0x0;
	s8 =	sshll.u32 s8, $0x4  }
0xd7: {  	[sflag:s19] =	ssyncadd.s32 $0xFFFFFFB0;
	s8 =	sadd.s32 s5, s8  }
0xd8: {  	[tilespmem:s10], [sflag:$0x1] =	stream.linear.gather [hbm4b:s8+s3], $0x2800, $0x38;
	[tilespmem:$0x1FA00] =	vst v63  }
0xd9: {  	_ = 	snop  }
0xda: {  	[tilespmem:s12], [sflag:$0x2] =	stream.indirect.gather [hbm4b:s1+s11], $0x80, s0, s11, $0xb8;
	[tilespmem:$0x1FA00] =	vst v63  }
0xdb: {  	_ =	swait.ge [sflag:s22], $0x2800  }
0xdc: {  	[sflag:s22] =	ssyncset.done $0x0  }
0xdd: {  	[sflag:s22] =	ssyncadd.s32 $0xFFFFD800  }
0xde: {  	_ =	swait.ge [sflag:s15], $0x2800  }
0xdf: {  	[sflag:s15] =	ssyncset.done $0x0  }
0xe0: {  	[sflag:s15] =	ssyncadd.s32 $0xFFFFD800  }
0xe1: {  	_ =	swait.ge [sflag:s16], $0x2800  }
0xe2: {  	[sflag:s16] =	ssyncset.done $0x0  }
0xe3: {  	s14 =	simm.s32 $0x300;
	[sflag:s16] =	ssyncadd.s32 $0xFFFFD800  }
0xe4: {  	s13 =	simm.s32 $0x2B00;
	v1 =	vld [tilespmem:s14+$0x80]  }
0xe5: {  	v2 =	vld [tilespmem:s13+$0x80];
	_ =	sdelay $0x1  }
0xe6: {  	v3 =	vld [tilespmem:s14+$0xFFFFFF80]  }
0xe7: {  	v4 =	vld [tilespmem:s13+$0xFFFFFF80]  }
0xe8: {  	v5 =	vld [tilespmem:s13+$0xFFFFFF00]  }
0xe9: {  	v1 =	vadd.f32 v2, v1;
	v2 =	vld [tilespmem:s14+$0xFFFFFF00]  }
0xea: {  	v6 =	vld [tilespmem:s14+$0x0]  }
0xeb: {  	s28 =	simm.s32 $0x5300;
	s8 =	simm.s32 $0x500;
	v7 =	vld [tilespmem:s13+$0x0];
	v1 =	vmax.f32 v1, $0.0e+00  }
0xec: {  	s24 =	simm.s32 $0x2D00;
	v9 =	vld [tilespmem:s8+$0x80];
	[tilespmem:s28+$0x80] =	vst v1;
	v1 =	vadd.f32 v4, v3  }
0xed: {  	v10 =	vld [tilespmem:s24+$0x80]  }
0xee: {  	v3 =	vld [tilespmem:s14+$0x90];
	v1 =	vmax.f32 v1, $0.0e+00;
	v2 =	vadd.f32 v5, v2  }
0xef: {  	v4 =	vld [tilespmem:s13+$0x90];
	[tilespmem:s28+$0xFFFFFF80] =	vst v1  }
0xf0: {  	v1 =	vadd.f32 v7, v6;
	v5 =	vld [tilespmem:s14+$0xFFFFFF90];
	v2 =	vmax.f32 v2, $0.0e+00  }
0xf1: {  	v6 =	vld [tilespmem:s13+$0xFFFFFF90];
	[tilespmem:s28+$0xFFFFFF00] =	vst v2  }
0xf2: {  	v1 =	vmax.f32 v1, $0.0e+00;
	v2 =	vld [tilespmem:s14+$0xFFFFFF10]  }
0xf3: {  	[tilespmem:s28+$0x0] =	vst v1;
	v1 =	vld [tilespmem:s13+$0xFFFFFF10]  }
0xf4: {  	v3 =	vadd.f32 v4, v3;
	v4 =	vld [tilespmem:s14+$0x10]  }
0xf5: {  	v7 =	vld [tilespmem:s13+$0x10]  }
0xf6: {  	v11 =	vld [tilespmem:s24+$0xFFFFFF00];
	v3 =	vmax.f32 v3, $0.0e+00  }
0xf7: {  	v12 =	vld [tilespmem:s8+$0xFFFFFF80];
	[tilespmem:s28+$0x90] =	vst v3;
	v3 =	vadd.f32 v6, v5  }
0xf8: {  	v13 =	vld [tilespmem:s8+$0x0];
	v1 =	vadd.f32 v1, v2  }
0xf9: {  	v5 =	vld [tilespmem:s14+$0xA0];
	v3 =	vmax.f32 v3, $0.0e+00  }
0xfa: {  	v6 =	vld [tilespmem:s13+$0xA0];
	[tilespmem:s28+$0xFFFFFF90] =	vst v3;
	v3 =	vadd.f32 v7, v4;
	v1 =	vmax.f32 v1, $0.0e+00  }
0xfb: {  	v2 =	vld [tilespmem:s14+$0xFFFFFFA0];
	[tilespmem:s28+$0xFFFFFF10] =	vst v1  }
0xfc: {  	v1 =	vmax.f32 v3, $0.0e+00;
	v3 =	vld [tilespmem:s14+$0xFFFFFF20]  }
0xfd: {  	[tilespmem:s28+$0x10] =	vst v1;
	v1 =	vld [tilespmem:s13+$0xFFFFFF20]  }
0xfe: {  	v4 =	vld [tilespmem:s13+$0xFFFFFFA0]  }
0xff: {  	v9 =	vadd.f32 v10, v9;
	v10 =	vld [tilespmem:s24+$0x0];
	v5 =	vadd.f32 v6, v5  }
0x100: {  	v6 =	vld [tilespmem:s14+$0x20]  }
0x101: {  	v7 =	vld [tilespmem:s13+$0x20];
	v5 =	vmax.f32 v5, $0.0e+00  }
0x102: {  	[tilespmem:s28+$0xA0] =	vst v5;
	v1 =	vadd.f32 v1, v3;
	v3 =	vld [tilespmem:s24+$0xFFFFFF80]  }
0x103: {  	s29 =	simm.s32 $0x5500;
	v2 =	vadd.f32 v4, v2;
	v4 =	vmax.f32 v9, $0.0e+00;
	v5 =	vld [tilespmem:s14+$0xB0]  }
0x104: {  	v8 =	vld [tilespmem:s13+$0xB0];
	[tilespmem:s29+$0x80] =	vst v4;
	v1 =	vmax.f32 v1, $0.0e+00  }
0x105: {  	[tilespmem:s28+$0xFFFFFF20] =	vst v1;
	v1 =	vld [tilespmem:s8+$0xFFFFFF00]  }
0x106: {  	v59 =	vld [tilespmem:s8+$0x90];
	v6 =	vadd.f32 v7, v6  }
0x107: {  	v2 =	vmax.f32 v2, $0.0e+00;
	v9 =	vld [tilespmem:s14+$0xFFFFFF30];
	v3 =	vadd.f32 v3, v12  }
0x108: {  	[tilespmem:s28+$0xFFFFFFA0] =	vst v2;
	v6 =	vmax.f32 v6, $0.0e+00;
	v4 =	vld [tilespmem:s13+$0xFFFFFF30]  }
0x109: {  	[tilespmem:s28+$0x20] =	vst v6;
	v2 =	vmax.f32 v3, $0.0e+00;
	v3 =	vadd.f32 v10, v13;
	v10 =	vld [tilespmem:s24+$0x90]  }
0x10a: {  	v63 =	vld [tilespmem:s14+$0x30];
	v1 =	vadd.f32 v11, v1;
	[tilespmem:s29+$0xFFFFFF80] =	vst v2  }
0x10b: {  	v2 =	vld [tilespmem:s8+$0xFFFFFF90]  }
0x10c: {  	v60 =	vld [tilespmem:s24+$0xFFFFFF90];
	v1 =	vmax.f32 v1, $0.0e+00  }
0x10d: {  	v11 =	vld [tilespmem:s14+$0xFFFFFFB0];
	v3 =	vmax.f32 v3, $0.0e+00;
	[tilespmem:s29+$0xFFFFFF00] =	vst v1  }
0x10e: {  	[tilespmem:s29+$0x0] =	vst v3;
	v3 =	vld [tilespmem:s8+$0xFFFFFF10];
	v10 =	vadd.f32 v10, v59  }
0x10f: {  	v61 =	vld [tilespmem:s24+$0xFFFFFF10]  }
0x110: {  	v1 =	vld [tilespmem:s8+$0x10];
	v10 =	vmax.f32 v10, $0.0e+00  }
0x111: {  	v7 =	vld [tilespmem:s24+$0x10];
	v2 =	vadd.f32 v60, v2;
	[tilespmem:s29+$0x90] =	vst v10  }
0x112: {  	v62 =	vld [tilespmem:s8+$0xA0]  }
0x113: {  	v2 =	vmax.f32 v2, $0.0e+00;
	v6 =	vld [tilespmem:s24+$0xA0]  }
0x114: {  	v10 =	vld [tilespmem:s13+$0xFFFFFFB0];
	v3 =	vadd.f32 v61, v3;
	[tilespmem:s29+$0xFFFFFF90] =	vst v2  }
0x115: {  	v14 =	vld [tilespmem:s8+$0xFFFFFFA0]  }
0x116: {  	v1 =	vadd.f32 v7, v1;
	v7 =	vld [tilespmem:s24+$0xFFFFFFA0];
	v2 =	vmax.f32 v3, $0.0e+00  }
0x117: {  	v3 =	vadd.f32 v8, v5;
	v8 =	vld [tilespmem:s13+$0x30];
	[tilespmem:s29+$0xFFFFFF10] =	vst v2  }
0x118: {  	v1 =	vmax.f32 v1, $0.0e+00;
	v6 =	vadd.f32 v6, v62;
	v2 =	vld [tilespmem:s8+$0xFFFFFF20]  }
0x119: {  	v4 =	vadd.f32 v4, v9;
	[tilespmem:s29+$0x10] =	vst v1;
	v3 =	vmax.f32 v3, $0.0e+00;
	v5 =	vld [tilespmem:s24+$0xFFFFFF20]  }
0x11a: {  	v1 =	vadd.f32 v10, v11;
	[tilespmem:s28+$0xB0] =	vst v3;
	v3 =	vld [tilespmem:s8+$0x20];
	v6 =	vmax.f32 v6, $0.0e+00  }
0x11b: {  	v4 =	vmax.f32 v4, $0.0e+00;
	v9 =	vadd.f32 v7, v14;
	[tilespmem:s29+$0xA0] =	vst v6;
	v6 =	vld [tilespmem:s24+$0x20]  }
0x11c: {  	[tilespmem:s28+$0xFFFFFF30] =	vst v4;
	v4 =	vmax.f32 v1, $0.0e+00;
	v7 =	vadd.f32 v8, v63;
	v1 =	vld [tilespmem:s8+$0xB0]  }
0x11d: {  	s30 =	simm.s32 $0x2D00;
	s14 =	simm.s32 $0x700;
	s13 =	simm.s32 $0x4;
	[tilespmem:s28+$0xFFFFFFB0] =	vst v4;
	v8 =	vmax.f32 v9, $0.0e+00;
	v4 =	vld [tilespmem:s24+$0xB0]  }
.LBB2_9:
0x11e: {  	v9 =	vld [tilespmem:s14+$0x80];
	v2 =	vadd.f32 v5, v2;
	[tilespmem:s29+$0xFFFFFFA0] =	vst v8;
	s24 =	sadd.s32 $0x200, s24;
	v5 =	vmax.f32 v7, $0.0e+00  }
0x11f: {  	v7 =	vld [tilespmem:s24+$0x80];
	[tilespmem:s28+$0x30] =	vst v5;
	s28 =	smov.u32 s29  }
0x120: {  	v5 =	vld [tilespmem:s24+$0xFFFFFF00];
	v2 =	vmax.f32 v2, $0.0e+00;
	v3 =	vadd.f32 v6, v3  }
0x121: {  	v6 =	vld [tilespmem:s14+$0xFFFFFF80];
	[tilespmem:s29+$0xFFFFFF20] =	vst v2  }
0x122: {  	s13 =	sadd.s32 $0x4, s13;
	v2 =	vld [tilespmem:s24+$0xFFFFFF80];
	v3 =	vmax.f32 v3, $0.0e+00;
	v1 =	vadd.f32 v4, v1  }
0x123: {  	p0 =	slt.u32 s13, $0x4C;
	v4 =	vld [tilespmem:s14+$0x0];
	[tilespmem:s29+$0x20] =	vst v3  }
0x124: {  	v3 =	vld [tilespmem:s24+$0x0];
	v7 =	vadd.f32 v7, v9;
	v1 =	vmax.f32 v1, $0.0e+00  }
0x125: {  	v8 =	vld [tilespmem:s14+$0xFFFFFF00];
	[tilespmem:s29+$0xB0] =	vst v1  }
0x126: {  	s29 =	sadd.s32 $0x200, s29;
	v1 =	vmax.f32 v7, $0.0e+00;
	v7 =	vld [tilespmem:s8+$0xFFFFFF30]  }
0x127: {  	v2 =	vadd.f32 v2, v6;
	[tilespmem:s29+$0x80] =	vst v1;
	v1 =	vld [tilespmem:s30+$0xFFFFFF30]  }
0x128: {  	v6 =	vld [tilespmem:s14+$0x90]  }
0x129: {  	v2 =	vmax.f32 v2, $0.0e+00;
	v3 =	vadd.f32 v3, v4;
	v4 =	vld [tilespmem:s24+$0x90]  }
0x12a: {  	v5 =	vadd.f32 v5, v8;
	[tilespmem:s29+$0xFFFFFF80] =	vst v2;
	v2 =	vld [tilespmem:s8+$0xFFFFFFB0]  }
0x12b: {  	v8 =	vld [tilespmem:s14+$0xFFFFFF90];
	v3 =	vmax.f32 v3, $0.0e+00  }
0x12c: {  	v5 =	vmax.f32 v5, $0.0e+00;
	v9 =	vld [tilespmem:s24+$0xFFFFFF90];
	[tilespmem:s29+$0x0] =	vst v3;
	v1 =	vadd.f32 v1, v7  }
0x12d: {  	[tilespmem:s29+$0xFFFFFF00] =	vst v5;
	v3 =	vld [tilespmem:s14+$0x10]  }
0x12e: {  	v5 =	vld [tilespmem:s14+$0xFFFFFF10];
	v4 =	vadd.f32 v4, v6;
	v1 =	vmax.f32 v1, $0.0e+00  }
0x12f: {  	v6 =	vld [tilespmem:s24+$0xFFFFFF10];
	[tilespmem:s28+$0xFFFFFF30] =	vst v1  }
0x130: {  	v1 =	vld [tilespmem:s24+$0x10];
	v4 =	vmax.f32 v4, $0.0e+00  }
0x131: {  	v7 =	vadd.f32 v9, v8;
	[tilespmem:s29+$0x90] =	vst v4;
	v4 =	vld [tilespmem:s30+$0xFFFFFFB0]  }
0x132: {  	v8 =	vld [tilespmem:s14+$0xA0]  }
0x133: {  	v7 =	vmax.f32 v7, $0.0e+00;
	v9 =	vld [tilespmem:s24+$0xA0]  }
0x134: {  	v5 =	vadd.f32 v6, v5;
	[tilespmem:s29+$0xFFFFFF90] =	vst v7;
	v7 =	vld [tilespmem:s8+$0x30];
	s8 =	smov.u32 s14  }
0x135: {  	v6 =	vld [tilespmem:s14+$0xFFFFFFA0];
	v1 =	vadd.f32 v1, v3  }
0x136: {  	v3 =	vmax.f32 v5, $0.0e+00;
	v10 =	vld [tilespmem:s24+$0xFFFFFFA0];
	v4 =	vadd.f32 v4, v2  }
0x137: {  	[tilespmem:s29+$0xFFFFFF10] =	vst v3;
	v1 =	vmax.f32 v1, $0.0e+00;
	v11 =	vld [tilespmem:s30+$0x30];
	s30 =	smov.u32 s24  }
0x138: {  	v2 =	vld [tilespmem:s14+$0xFFFFFF20];
	[tilespmem:s29+$0x10] =	vst v1;
	v1 =	vadd.f32 v9, v8;
	v3 =	vmax.f32 v4, $0.0e+00  }
.Ltmp3:
0x139: {  	v5 =	vld [tilespmem:s24+$0xFFFFFF20];
	[tilespmem:s28+$0xFFFFFFB0] =	vst v3;
	(pc) =	sbr.rel @p0 .LBB2_9-.Ltmp3, $4  }
0x13a: {  	v3 =	vld [tilespmem:s14+$0x20];
	v1 =	vmax.f32 v1, $0.0e+00  }
0x13b: {  	v4 =	vadd.f32 v10, v6;
	v6 =	vld [tilespmem:s24+$0x20];
	[tilespmem:s29+$0xA0] =	vst v1  }
0x13c: {  	v1 =	vld [tilespmem:s14+$0xB0];
	v7 =	vadd.f32 v11, v7  }
0x13d: {  	s14 =	sadd.s32 $0x200, s14;
	v8 =	vmax.f32 v4, $0.0e+00;
	v4 =	vld [tilespmem:s24+$0xB0]  }
0x13e: {  	v2 =	vadd.f32 v5, v2;
	_ =	sdelay $0x1  }
0x13f: {  	[tilespmem:s29+$0xFFFFFFA0] =	vst v8;
	v2 =	vmax.f32 v2, $0.0e+00  }
0x140: {  	[tilespmem:s29+$0xFFFFFF20] =	vst v2;
	v2 =	vadd.f32 v6, v3;
	v6 =	vld [tilespmem:s8+$0xFFFFFFB0]  }
0x141: {  	v3 =	vld [tilespmem:s8+$0xFFFFFF30]  }
0x142: {  	v5 =	vld [tilespmem:s30+$0xFFFFFF30];
	v2 =	vmax.f32 v2, $0.0e+00  }
0x143: {  	[tilespmem:s29+$0x20] =	vst v2;
	v2 =	vld [tilespmem:s30+$0xFFFFFFB0]  }
0x144: {  	v8 =	vld [tilespmem:s8+$0x30]  }
0x145: {  	v9 =	vld [tilespmem:s30+$0x30];
	_ =	sdelay $0x1  }
0x146: {  	v1 =	vadd.f32 v4, v1  }
0x147: {  	v4 =	vmax.f32 v7, $0.0e+00;
	v3 =	vadd.f32 v5, v3  }
0x148: {  	[tilespmem:s28+$0x30] =	vst v4;
	v1 =	vmax.f32 v1, $0.0e+00;
	v2 =	vadd.f32 v2, v6  }
0x149: {  	[tilespmem:s29+$0xB0] =	vst v1;
	v1 =	vmax.f32 v3, $0.0e+00;
	v3 =	vadd.f32 v9, v8  }
0x14a: {  	[tilespmem:s29+$0xFFFFFF30] =	vst v1;
	v1 =	vmax.f32 v2, $0.0e+00  }
0x14b: {  	[tilespmem:s29+$0xFFFFFFB0] =	vst v1;
	v1 =	vmax.f32 v3, $0.0e+00  }
0x14c: {  	[tilespmem:s29+$0x30] =	vst v1  }
0x14d: {  	_ =	swait.ge [sflag:s23], $0x50  }
0x14e: {  	[sflag:s23] =	ssyncset.done $0x0;
	s14 =	rddreg [dreg:$0xe]  }
0x14f: {  	[sflag:s23] =	ssyncadd.s32 $0xFFFFFFB0;
	s8 =	sadd.s32 s26, s14  }
0x150: {  	[spmem:s2] =	stream.indirect.scatter.add.f32 [tilespmem:s18], [sflag:$0x7], $0x80, s4, s11, $0xb8;
	[tilespmem:$0x1FA00] =	vst v63  }
0x151: {  	s8 =	sshrl.u32 s8, $0x3  }
0x152: {  	s13 =	sadd.s32 s6, s8  }
0x153: {  	[tilespmem:s0], [sflag:$0x4] =	stream.linear.gather [hbm4b:s13+s3], $0x50, $0x38;
	[tilespmem:$0x1FA00] =	vst v63  }
0x154: {  	s8 =	sadd.s32 s7, s8  }
0x155: {  	[tilespmem:s4], [sflag:$0x6] =	stream.linear.gather [hbm4b:s8+s3], $0x50, $0x38;
	[tilespmem:$0x1FA00] =	vst v63  }
0x156: {  	s24 =	sadd.s32 s26, s21;
	_ =	swait.ge [sflag:s9], $0x50  }
0x157: {  	s8 =	sshll.u32 s24, $0x4;
	[sflag:s9] =	ssyncset.done $0x0  }
0x158: {  	s8 =	sadd.s32 s5, s8;
	[sflag:s9] =	ssyncadd.s32 $0xFFFFFFB0  }
0x159: {  	[tilespmem:s10], [sflag:$0x1] =	stream.linear.gather [hbm4b:s8+s3], $0x2800, $0x38;
	[tilespmem:$0x1FA00] =	vst v63  }
0x15a: {  	_ = 	snop  }
0x15b: {  	[tilespmem:s12], [sflag:$0x2] =	stream.indirect.gather [hbm4b:s1+s11], $0x80, s3, s11, $0xb8;
	[tilespmem:$0x1FA00] =	vst v63  }
0x15c: {  	_ =	swait.ge [sflag:s22], $0x2800  }
0x15d: {  	[sflag:s22] =	ssyncset.done $0x0  }
0x15e: {  	[sflag:s22] =	ssyncadd.s32 $0xFFFFD800  }
0x15f: {  	_ =	swait.ge [sflag:s15], $0x2800  }
0x160: {  	[sflag:s15] =	ssyncset.done $0x0  }
0x161: {  	[sflag:s15] =	ssyncadd.s32 $0xFFFFD800  }
0x162: {  	_ =	swait.ge [sflag:s16], $0x2800  }
0x163: {  	[sflag:s16] =	ssyncset.done $0x0  }
0x164: {  	s14 =	simm.s32 $0x300;
	[sflag:s16] =	ssyncadd.s32 $0xFFFFD800  }
0x165: {  	s13 =	simm.s32 $0x2B00;
	v1 =	vld [tilespmem:s14+$0x80]  }
0x166: {  	v2 =	vld [tilespmem:s13+$0x80];
	_ =	sdelay $0x1  }
0x167: {  	v3 =	vld [tilespmem:s14+$0xFFFFFF80]  }
0x168: {  	v4 =	vld [tilespmem:s13+$0xFFFFFF80]  }
0x169: {  	v5 =	vld [tilespmem:s13+$0xFFFFFF00]  }
0x16a: {  	v1 =	vadd.f32 v2, v1;
	v2 =	vld [tilespmem:s14+$0xFFFFFF00]  }
0x16b: {  	v6 =	vld [tilespmem:s14+$0x0]  }
0x16c: {  	s28 =	simm.s32 $0x5300;
	s8 =	simm.s32 $0x500;
	v7 =	vld [tilespmem:s13+$0x0];
	v1 =	vmax.f32 v1, $0.0e+00  }
0x16d: {  	s24 =	simm.s32 $0x2D00;
	v9 =	vld [tilespmem:s8+$0x80];
	[tilespmem:s28+$0x80] =	vst v1;
	v1 =	vadd.f32 v4, v3  }
0x16e: {  	v10 =	vld [tilespmem:s24+$0x80]  }
0x16f: {  	v3 =	vld [tilespmem:s14+$0x90];
	v1 =	vmax.f32 v1, $0.0e+00;
	v2 =	vadd.f32 v5, v2  }
0x170: {  	v4 =	vld [tilespmem:s13+$0x90];
	[tilespmem:s28+$0xFFFFFF80] =	vst v1  }
0x171: {  	v1 =	vadd.f32 v7, v6;
	v5 =	vld [tilespmem:s14+$0xFFFFFF90];
	v2 =	vmax.f32 v2, $0.0e+00  }
0x172: {  	v6 =	vld [tilespmem:s13+$0xFFFFFF90];
	[tilespmem:s28+$0xFFFFFF00] =	vst v2  }
0x173: {  	v1 =	vmax.f32 v1, $0.0e+00;
	v2 =	vld [tilespmem:s14+$0xFFFFFF10]  }
0x174: {  	[tilespmem:s28+$0x0] =	vst v1;
	v1 =	vld [tilespmem:s13+$0xFFFFFF10]  }
0x175: {  	v3 =	vadd.f32 v4, v3;
	v4 =	vld [tilespmem:s14+$0x10]  }
0x176: {  	v7 =	vld [tilespmem:s13+$0x10]  }
0x177: {  	v11 =	vld [tilespmem:s24+$0xFFFFFF00];
	v3 =	vmax.f32 v3, $0.0e+00  }
0x178: {  	v12 =	vld [tilespmem:s8+$0xFFFFFF80];
	[tilespmem:s28+$0x90] =	vst v3;
	v3 =	vadd.f32 v6, v5  }
0x179: {  	v13 =	vld [tilespmem:s8+$0x0];
	v1 =	vadd.f32 v1, v2  }
0x17a: {  	v5 =	vld [tilespmem:s14+$0xA0];
	v3 =	vmax.f32 v3, $0.0e+00  }
0x17b: {  	v6 =	vld [tilespmem:s13+$0xA0];
	[tilespmem:s28+$0xFFFFFF90] =	vst v3;
	v3 =	vadd.f32 v7, v4;
	v1 =	vmax.f32 v1, $0.0e+00  }
0x17c: {  	v2 =	vld [tilespmem:s14+$0xFFFFFFA0];
	[tilespmem:s28+$0xFFFFFF10] =	vst v1  }
0x17d: {  	v1 =	vmax.f32 v3, $0.0e+00;
	v3 =	vld [tilespmem:s14+$0xFFFFFF20]  }
0x17e: {  	[tilespmem:s28+$0x10] =	vst v1;
	v1 =	vld [tilespmem:s13+$0xFFFFFF20]  }
0x17f: {  	v4 =	vld [tilespmem:s13+$0xFFFFFFA0]  }
0x180: {  	v9 =	vadd.f32 v10, v9;
	v10 =	vld [tilespmem:s24+$0x0];
	v5 =	vadd.f32 v6, v5  }
0x181: {  	v6 =	vld [tilespmem:s14+$0x20]  }
0x182: {  	v7 =	vld [tilespmem:s13+$0x20];
	v5 =	vmax.f32 v5, $0.0e+00  }
0x183: {  	[tilespmem:s28+$0xA0] =	vst v5;
	v1 =	vadd.f32 v1, v3;
	v3 =	vld [tilespmem:s24+$0xFFFFFF80]  }
0x184: {  	s29 =	simm.s32 $0x5500;
	v2 =	vadd.f32 v4, v2;
	v4 =	vmax.f32 v9, $0.0e+00;
	v5 =	vld [tilespmem:s14+$0xB0]  }
0x185: {  	v8 =	vld [tilespmem:s13+$0xB0];
	[tilespmem:s29+$0x80] =	vst v4;
	v1 =	vmax.f32 v1, $0.0e+00  }
0x186: {  	[tilespmem:s28+$0xFFFFFF20] =	vst v1;
	v1 =	vld [tilespmem:s8+$0xFFFFFF00]  }
0x187: {  	v59 =	vld [tilespmem:s8+$0x90];
	v6 =	vadd.f32 v7, v6  }
0x188: {  	v2 =	vmax.f32 v2, $0.0e+00;
	v9 =	vld [tilespmem:s14+$0xFFFFFF30];
	v3 =	vadd.f32 v3, v12  }
0x189: {  	[tilespmem:s28+$0xFFFFFFA0] =	vst v2;
	v6 =	vmax.f32 v6, $0.0e+00;
	v4 =	vld [tilespmem:s13+$0xFFFFFF30]  }
0x18a: {  	[tilespmem:s28+$0x20] =	vst v6;
	v2 =	vmax.f32 v3, $0.0e+00;
	v3 =	vadd.f32 v10, v13;
	v10 =	vld [tilespmem:s24+$0x90]  }
0x18b: {  	v63 =	vld [tilespmem:s14+$0x30];
	v1 =	vadd.f32 v11, v1;
	[tilespmem:s29+$0xFFFFFF80] =	vst v2  }
0x18c: {  	v2 =	vld [tilespmem:s8+$0xFFFFFF90]  }
0x18d: {  	v60 =	vld [tilespmem:s24+$0xFFFFFF90];
	v1 =	vmax.f32 v1, $0.0e+00  }
0x18e: {  	v11 =	vld [tilespmem:s14+$0xFFFFFFB0];
	v3 =	vmax.f32 v3, $0.0e+00;
	[tilespmem:s29+$0xFFFFFF00] =	vst v1  }
0x18f: {  	[tilespmem:s29+$0x0] =	vst v3;
	v3 =	vld [tilespmem:s8+$0xFFFFFF10];
	v10 =	vadd.f32 v10, v59  }
0x190: {  	v61 =	vld [tilespmem:s24+$0xFFFFFF10]  }
0x191: {  	v1 =	vld [tilespmem:s8+$0x10];
	v10 =	vmax.f32 v10, $0.0e+00  }
0x192: {  	v7 =	vld [tilespmem:s24+$0x10];
	v2 =	vadd.f32 v60, v2;
	[tilespmem:s29+$0x90] =	vst v10  }
0x193: {  	v62 =	vld [tilespmem:s8+$0xA0]  }
0x194: {  	v2 =	vmax.f32 v2, $0.0e+00;
	v6 =	vld [tilespmem:s24+$0xA0]  }
0x195: {  	v10 =	vld [tilespmem:s13+$0xFFFFFFB0];
	v3 =	vadd.f32 v61, v3;
	[tilespmem:s29+$0xFFFFFF90] =	vst v2  }
0x196: {  	v14 =	vld [tilespmem:s8+$0xFFFFFFA0]  }
0x197: {  	v1 =	vadd.f32 v7, v1;
	v7 =	vld [tilespmem:s24+$0xFFFFFFA0];
	v2 =	vmax.f32 v3, $0.0e+00  }
0x198: {  	v3 =	vadd.f32 v8, v5;
	v8 =	vld [tilespmem:s13+$0x30];
	[tilespmem:s29+$0xFFFFFF10] =	vst v2  }
0x199: {  	v1 =	vmax.f32 v1, $0.0e+00;
	v6 =	vadd.f32 v6, v62;
	v2 =	vld [tilespmem:s8+$0xFFFFFF20]  }
0x19a: {  	v4 =	vadd.f32 v4, v9;
	[tilespmem:s29+$0x10] =	vst v1;
	v3 =	vmax.f32 v3, $0.0e+00;
	v5 =	vld [tilespmem:s24+$0xFFFFFF20]  }
0x19b: {  	v1 =	vadd.f32 v10, v11;
	[tilespmem:s28+$0xB0] =	vst v3;
	v3 =	vld [tilespmem:s8+$0x20];
	v6 =	vmax.f32 v6, $0.0e+00  }
0x19c: {  	v4 =	vmax.f32 v4, $0.0e+00;
	v9 =	vadd.f32 v7, v14;
	[tilespmem:s29+$0xA0] =	vst v6;
	v6 =	vld [tilespmem:s24+$0x20]  }
0x19d: {  	[tilespmem:s28+$0xFFFFFF30] =	vst v4;
	v4 =	vmax.f32 v1, $0.0e+00;
	v7 =	vadd.f32 v8, v63;
	v1 =	vld [tilespmem:s8+$0xB0]  }
0x19e: {  	s30 =	simm.s32 $0x2D00;
	s14 =	simm.s32 $0x700;
	s13 =	simm.s32 $0x4;
	[tilespmem:s28+$0xFFFFFFB0] =	vst v4;
	v8 =	vmax.f32 v9, $0.0e+00;
	v4 =	vld [tilespmem:s24+$0xB0]  }
.LBB2_11:
0x19f: {  	v9 =	vld [tilespmem:s14+$0x80];
	v2 =	vadd.f32 v5, v2;
	[tilespmem:s29+$0xFFFFFFA0] =	vst v8;
	s24 =	sadd.s32 $0x200, s24;
	v5 =	vmax.f32 v7, $0.0e+00  }
0x1a0: {  	v7 =	vld [tilespmem:s24+$0x80];
	[tilespmem:s28+$0x30] =	vst v5;
	s28 =	smov.u32 s29  }
0x1a1: {  	v5 =	vld [tilespmem:s24+$0xFFFFFF00];
	v2 =	vmax.f32 v2, $0.0e+00;
	v3 =	vadd.f32 v6, v3  }
0x1a2: {  	v6 =	vld [tilespmem:s14+$0xFFFFFF80];
	[tilespmem:s29+$0xFFFFFF20] =	vst v2  }
0x1a3: {  	s13 =	sadd.s32 $0x4, s13;
	v2 =	vld [tilespmem:s24+$0xFFFFFF80];
	v3 =	vmax.f32 v3, $0.0e+00;
	v1 =	vadd.f32 v4, v1  }
0x1a4: {  	p0 =	slt.u32 s13, $0x4C;
	v4 =	vld [tilespmem:s14+$0x0];
	[tilespmem:s29+$0x20] =	vst v3  }
0x1a5: {  	v3 =	vld [tilespmem:s24+$0x0];
	v7 =	vadd.f32 v7, v9;
	v1 =	vmax.f32 v1, $0.0e+00  }
0x1a6: {  	v8 =	vld [tilespmem:s14+$0xFFFFFF00];
	[tilespmem:s29+$0xB0] =	vst v1  }
0x1a7: {  	s29 =	sadd.s32 $0x200, s29;
	v1 =	vmax.f32 v7, $0.0e+00;
	v7 =	vld [tilespmem:s8+$0xFFFFFF30]  }
0x1a8: {  	v2 =	vadd.f32 v2, v6;
	[tilespmem:s29+$0x80] =	vst v1;
	v1 =	vld [tilespmem:s30+$0xFFFFFF30]  }
0x1a9: {  	v6 =	vld [tilespmem:s14+$0x90]  }
0x1aa: {  	v2 =	vmax.f32 v2, $0.0e+00;
	v3 =	vadd.f32 v3, v4;
	v4 =	vld [tilespmem:s24+$0x90]  }
0x1ab: {  	v5 =	vadd.f32 v5, v8;
	[tilespmem:s29+$0xFFFFFF80] =	vst v2;
	v2 =	vld [tilespmem:s8+$0xFFFFFFB0]  }
0x1ac: {  	v8 =	vld [tilespmem:s14+$0xFFFFFF90];
	v3 =	vmax.f32 v3, $0.0e+00  }
0x1ad: {  	v5 =	vmax.f32 v5, $0.0e+00;
	v9 =	vld [tilespmem:s24+$0xFFFFFF90];
	[tilespmem:s29+$0x0] =	vst v3;
	v1 =	vadd.f32 v1, v7  }
0x1ae: {  	[tilespmem:s29+$0xFFFFFF00] =	vst v5;
	v3 =	vld [tilespmem:s14+$0x10]  }
0x1af: {  	v5 =	vld [tilespmem:s14+$0xFFFFFF10];
	v4 =	vadd.f32 v4, v6;
	v1 =	vmax.f32 v1, $0.0e+00  }
0x1b0: {  	v6 =	vld [tilespmem:s24+$0xFFFFFF10];
	[tilespmem:s28+$0xFFFFFF30] =	vst v1  }
0x1b1: {  	v1 =	vld [tilespmem:s24+$0x10];
	v4 =	vmax.f32 v4, $0.0e+00  }
0x1b2: {  	v7 =	vadd.f32 v9, v8;
	[tilespmem:s29+$0x90] =	vst v4;
	v4 =	vld [tilespmem:s30+$0xFFFFFFB0]  }
0x1b3: {  	v8 =	vld [tilespmem:s14+$0xA0]  }
0x1b4: {  	v7 =	vmax.f32 v7, $0.0e+00;
	v9 =	vld [tilespmem:s24+$0xA0]  }
0x1b5: {  	v5 =	vadd.f32 v6, v5;
	[tilespmem:s29+$0xFFFFFF90] =	vst v7;
	v7 =	vld [tilespmem:s8+$0x30];
	s8 =	smov.u32 s14  }
0x1b6: {  	v6 =	vld [tilespmem:s14+$0xFFFFFFA0];
	v1 =	vadd.f32 v1, v3  }
0x1b7: {  	v3 =	vmax.f32 v5, $0.0e+00;
	v10 =	vld [tilespmem:s24+$0xFFFFFFA0];
	v4 =	vadd.f32 v4, v2  }
0x1b8: {  	[tilespmem:s29+$0xFFFFFF10] =	vst v3;
	v1 =	vmax.f32 v1, $0.0e+00;
	v11 =	vld [tilespmem:s30+$0x30];
	s30 =	smov.u32 s24  }
0x1b9: {  	v2 =	vld [tilespmem:s14+$0xFFFFFF20];
	[tilespmem:s29+$0x10] =	vst v1;
	v1 =	vadd.f32 v9, v8;
	v3 =	vmax.f32 v4, $0.0e+00  }
.Ltmp4:
0x1ba: {  	v5 =	vld [tilespmem:s24+$0xFFFFFF20];
	[tilespmem:s28+$0xFFFFFFB0] =	vst v3;
	(pc) =	sbr.rel @p0 .LBB2_11-.Ltmp4, $4  }
0x1bb: {  	v3 =	vld [tilespmem:s14+$0x20];
	v1 =	vmax.f32 v1, $0.0e+00  }
0x1bc: {  	v4 =	vadd.f32 v10, v6;
	v6 =	vld [tilespmem:s24+$0x20];
	[tilespmem:s29+$0xA0] =	vst v1  }
0x1bd: {  	v1 =	vld [tilespmem:s14+$0xB0];
	v7 =	vadd.f32 v11, v7  }
0x1be: {  	s14 =	sadd.s32 $0x200, s14;
	v8 =	vmax.f32 v4, $0.0e+00;
	v4 =	vld [tilespmem:s24+$0xB0]  }
0x1bf: {  	v2 =	vadd.f32 v5, v2;
	_ =	sdelay $0x1  }
0x1c0: {  	[tilespmem:s29+$0xFFFFFFA0] =	vst v8;
	v2 =	vmax.f32 v2, $0.0e+00  }
0x1c1: {  	v61 =	vld [tilespmem:s8+$0xFFFFFFB0];
	[tilespmem:s29+$0xFFFFFF20] =	vst v2;
	v2 =	vadd.f32 v6, v3  }
0x1c2: {  	v3 =	vld [tilespmem:s8+$0xFFFFFF30]  }
0x1c3: {  	v60 =	vld [tilespmem:s30+$0xFFFFFF30];
	v2 =	vmax.f32 v2, $0.0e+00  }
0x1c4: {  	[tilespmem:s29+$0x20] =	vst v2;
	v2 =	vld [tilespmem:s30+$0xFFFFFFB0]  }
0x1c5: {  	v62 =	vld [tilespmem:s8+$0x30]  }
0x1c6: {  	v9 =	vld [tilespmem:s30+$0x30];
	_ =	sdelay $0x1  }
0x1c7: {  	v1 =	vadd.f32 v4, v1  }
0x1c8: {  	v63 =	vmax.f32 v7, $0.0e+00;
	v3 =	vadd.f32 v60, v3  }
0x1c9: {  	[tilespmem:s28+$0x30] =	vst v63;
	v1 =	vmax.f32 v1, $0.0e+00;
	v2 =	vadd.f32 v2, v61  }
0x1ca: {  	[tilespmem:s29+$0xB0] =	vst v1;
	v1 =	vmax.f32 v3, $0.0e+00;
	v3 =	vadd.f32 v9, v62  }
0x1cb: {  	[tilespmem:s29+$0xFFFFFF30] =	vst v1;
	v1 =	vmax.f32 v2, $0.0e+00  }
0x1cc: {  	[tilespmem:s29+$0xFFFFFFB0] =	vst v1;
	v1 =	vmax.f32 v3, $0.0e+00  }
0x1cd: {  	[tilespmem:s29+$0x30] =	vst v1  }
0x1ce: {  	_ =	swait.ge [sflag:s17], $0x50  }
0x1cf: {  	s25 =	sadd.s32 $0x1, s25;
	[sflag:s17] =	ssyncset.done $0x0;
	s30 =	rddreg [dreg:$0xf]  }
0x1d0: {  	p0 =	sne.s32 s25, $0x3D;
	[sflag:s17] =	ssyncadd.s32 $0xFFFFFFB0;
	s8 =	sadd.s32 s26, s30  }
0x1d1: {  	[spmem:s2] =	stream.indirect.scatter.add.f32 [tilespmem:s18], [sflag:$0x7], $0x80, s31, s11, $0xb8;
	[tilespmem:$0x1FA00] =	vst v63  }
.Ltmp5:
0x1d2: {  	s8 =	sshrl.u32 s8, $0x3;
	(pc) =	sbr.rel @p0 .LBB2_8-.Ltmp5, $4  }
0x1d3: {  	s13 =	sadd.s32 s6, s8  }
0x1d4: {  	[tilespmem:s3], [sflag:$0x3] =	stream.linear.gather [hbm4b:s13+s3], $0x50, $0x38;
	[tilespmem:$0x1FA00] =	vst v63  }
0x1d5: {  	s8 =	sadd.s32 s7, s8  }
0x1d6: {  	[tilespmem:s31], [sflag:$0x5] =	stream.linear.gather [hbm4b:s8+s3], $0x50, $0x38;
	[tilespmem:$0x1FA00] =	vst v63  }
0x1d7: {  	_ =	swait.ge [sflag:s19], $0x50  }
0x1d8: {  	[sflag:s19] =	ssyncset.done $0x0  }
0x1d9: {  	s8 =	rddreg [dreg:$0x10];
	[sflag:s19] =	ssyncadd.s32 $0xFFFFFFB0  }
0x1da: {  	[tilespmem:s10], [sflag:$0x1] =	stream.linear.gather [hbm4b:s8+s3], $0x2800, $0x38;
	[tilespmem:$0x1FA00] =	vst v63  }
0x1db: {  	_ = 	snop  }
0x1dc: {  	[tilespmem:s12], [sflag:$0x2] =	stream.indirect.gather [hbm4b:s1+s11], $0x80, s0, s11, $0xb8;
	[tilespmem:$0x1FA00] =	vst v63  }
0x1dd: {  	_ =	swait.ge [sflag:s22], $0x2800  }
0x1de: {  	[sflag:s22] =	ssyncset.done $0x0  }
0x1df: {  	[sflag:s22] =	ssyncadd.s32 $0xFFFFD800  }
0x1e0: {  	_ =	swait.ge [sflag:s15], $0x2800  }
0x1e1: {  	[sflag:s15] =	ssyncset.done $0x0  }
0x1e2: {  	[sflag:s15] =	ssyncadd.s32 $0xFFFFD800  }
0x1e3: {  	_ =	swait.ge [sflag:s16], $0x2800  }
0x1e4: {  	[sflag:s16] =	ssyncset.done $0x0  }
0x1e5: {  	s14 =	simm.s32 $0x300;
	[sflag:s16] =	ssyncadd.s32 $0xFFFFD800  }
0x1e6: {  	s13 =	simm.s32 $0x2B00;
	v1 =	vld [tilespmem:s14+$0x80]  }
0x1e7: {  	v2 =	vld [tilespmem:s13+$0x80];
	_ =	sdelay $0x1  }
0x1e8: {  	v3 =	vld [tilespmem:s14+$0xFFFFFF80]  }
0x1e9: {  	v4 =	vld [tilespmem:s13+$0xFFFFFF80]  }
0x1ea: {  	v5 =	vld [tilespmem:s13+$0xFFFFFF00]  }
0x1eb: {  	v1 =	vadd.f32 v2, v1;
	v2 =	vld [tilespmem:s14+$0xFFFFFF00]  }
0x1ec: {  	v6 =	vld [tilespmem:s14+$0x0]  }
0x1ed: {  	s25 =	simm.s32 $0x5300;
	s8 =	simm.s32 $0x500;
	v7 =	vld [tilespmem:s13+$0x0];
	v1 =	vmax.f32 v1, $0.0e+00  }
0x1ee: {  	s24 =	simm.s32 $0x2D00;
	v9 =	vld [tilespmem:s8+$0x80];
	[tilespmem:s25+$0x80] =	vst v1;
	v1 =	vadd.f32 v4, v3  }
0x1ef: {  	v10 =	vld [tilespmem:s24+$0x80]  }
0x1f0: {  	v3 =	vld [tilespmem:s14+$0x90];
	v1 =	vmax.f32 v1, $0.0e+00;
	v2 =	vadd.f32 v5, v2  }
0x1f1: {  	v4 =	vld [tilespmem:s13+$0x90];
	[tilespmem:s25+$0xFFFFFF80] =	vst v1  }
0x1f2: {  	v1 =	vadd.f32 v7, v6;
	v5 =	vld [tilespmem:s14+$0xFFFFFF90];
	v2 =	vmax.f32 v2, $0.0e+00  }
0x1f3: {  	v6 =	vld [tilespmem:s13+$0xFFFFFF90];
	[tilespmem:s25+$0xFFFFFF00] =	vst v2  }
0x1f4: {  	v1 =	vmax.f32 v1, $0.0e+00;
	v2 =	vld [tilespmem:s14+$0xFFFFFF10]  }
0x1f5: {  	[tilespmem:s25+$0x0] =	vst v1;
	v1 =	vld [tilespmem:s13+$0xFFFFFF10]  }
0x1f6: {  	v3 =	vadd.f32 v4, v3;
	v4 =	vld [tilespmem:s14+$0x10]  }
0x1f7: {  	v7 =	vld [tilespmem:s13+$0x10]  }
0x1f8: {  	v11 =	vld [tilespmem:s24+$0xFFFFFF00];
	v3 =	vmax.f32 v3, $0.0e+00  }
0x1f9: {  	v12 =	vld [tilespmem:s8+$0xFFFFFF80];
	[tilespmem:s25+$0x90] =	vst v3;
	v3 =	vadd.f32 v6, v5  }
0x1fa: {  	v13 =	vld [tilespmem:s8+$0x0];
	v1 =	vadd.f32 v1, v2  }
0x1fb: {  	v5 =	vld [tilespmem:s14+$0xA0];
	v3 =	vmax.f32 v3, $0.0e+00  }
0x1fc: {  	v6 =	vld [tilespmem:s13+$0xA0];
	[tilespmem:s25+$0xFFFFFF90] =	vst v3;
	v3 =	vadd.f32 v7, v4;
	v1 =	vmax.f32 v1, $0.0e+00  }
0x1fd: {  	v2 =	vld [tilespmem:s14+$0xFFFFFFA0];
	[tilespmem:s25+$0xFFFFFF10] =	vst v1  }
0x1fe: {  	v1 =	vmax.f32 v3, $0.0e+00;
	v3 =	vld [tilespmem:s14+$0xFFFFFF20]  }
0x1ff: {  	[tilespmem:s25+$0x10] =	vst v1;
	v1 =	vld [tilespmem:s13+$0xFFFFFF20]  }
0x200: {  	v4 =	vld [tilespmem:s13+$0xFFFFFFA0]  }
0x201: {  	v9 =	vadd.f32 v10, v9;
	v10 =	vld [tilespmem:s24+$0x0];
	v5 =	vadd.f32 v6, v5  }
0x202: {  	v6 =	vld [tilespmem:s14+$0x20]  }
0x203: {  	v7 =	vld [tilespmem:s13+$0x20];
	v5 =	vmax.f32 v5, $0.0e+00  }
0x204: {  	[tilespmem:s25+$0xA0] =	vst v5;
	v1 =	vadd.f32 v1, v3;
	v3 =	vld [tilespmem:s24+$0xFFFFFF80]  }
0x205: {  	s26 =	simm.s32 $0x5500;
	v2 =	vadd.f32 v4, v2;
	v4 =	vmax.f32 v9, $0.0e+00;
	v5 =	vld [tilespmem:s14+$0xB0]  }
0x206: {  	v8 =	vld [tilespmem:s13+$0xB0];
	[tilespmem:s26+$0x80] =	vst v4;
	v1 =	vmax.f32 v1, $0.0e+00  }
0x207: {  	[tilespmem:s25+$0xFFFFFF20] =	vst v1;
	v1 =	vld [tilespmem:s8+$0xFFFFFF00]  }
0x208: {  	v59 =	vld [tilespmem:s8+$0x90];
	v6 =	vadd.f32 v7, v6  }
0x209: {  	v2 =	vmax.f32 v2, $0.0e+00;
	v9 =	vld [tilespmem:s14+$0xFFFFFF30];
	v3 =	vadd.f32 v3, v12  }
0x20a: {  	[tilespmem:s25+$0xFFFFFFA0] =	vst v2;
	v6 =	vmax.f32 v6, $0.0e+00;
	v4 =	vld [tilespmem:s13+$0xFFFFFF30]  }
0x20b: {  	[tilespmem:s25+$0x20] =	vst v6;
	v2 =	vmax.f32 v3, $0.0e+00;
	v3 =	vadd.f32 v10, v13;
	v10 =	vld [tilespmem:s24+$0x90]  }
0x20c: {  	v63 =	vld [tilespmem:s14+$0x30];
	v1 =	vadd.f32 v11, v1;
	[tilespmem:s26+$0xFFFFFF80] =	vst v2  }
0x20d: {  	v2 =	vld [tilespmem:s8+$0xFFFFFF90]  }
0x20e: {  	v60 =	vld [tilespmem:s24+$0xFFFFFF90];
	v1 =	vmax.f32 v1, $0.0e+00  }
0x20f: {  	v11 =	vld [tilespmem:s14+$0xFFFFFFB0];
	v3 =	vmax.f32 v3, $0.0e+00;
	[tilespmem:s26+$0xFFFFFF00] =	vst v1  }
0x210: {  	[tilespmem:s26+$0x0] =	vst v3;
	v3 =	vld [tilespmem:s8+$0xFFFFFF10];
	v10 =	vadd.f32 v10, v59  }
0x211: {  	v61 =	vld [tilespmem:s24+$0xFFFFFF10]  }
0x212: {  	v1 =	vld [tilespmem:s8+$0x10];
	v10 =	vmax.f32 v10, $0.0e+00  }
0x213: {  	v7 =	vld [tilespmem:s24+$0x10];
	v2 =	vadd.f32 v60, v2;
	[tilespmem:s26+$0x90] =	vst v10  }
0x214: {  	v62 =	vld [tilespmem:s8+$0xA0]  }
0x215: {  	v2 =	vmax.f32 v2, $0.0e+00;
	v6 =	vld [tilespmem:s24+$0xA0]  }
0x216: {  	v10 =	vld [tilespmem:s13+$0xFFFFFFB0];
	v3 =	vadd.f32 v61, v3;
	[tilespmem:s26+$0xFFFFFF90] =	vst v2  }
0x217: {  	v14 =	vld [tilespmem:s8+$0xFFFFFFA0]  }
0x218: {  	v1 =	vadd.f32 v7, v1;
	v7 =	vld [tilespmem:s24+$0xFFFFFFA0];
	v2 =	vmax.f32 v3, $0.0e+00  }
0x219: {  	v3 =	vadd.f32 v8, v5;
	v8 =	vld [tilespmem:s13+$0x30];
	[tilespmem:s26+$0xFFFFFF10] =	vst v2  }
0x21a: {  	v1 =	vmax.f32 v1, $0.0e+00;
	v6 =	vadd.f32 v6, v62;
	v2 =	vld [tilespmem:s8+$0xFFFFFF20]  }
0x21b: {  	v4 =	vadd.f32 v4, v9;
	[tilespmem:s26+$0x10] =	vst v1;
	v3 =	vmax.f32 v3, $0.0e+00;
	v5 =	vld [tilespmem:s24+$0xFFFFFF20]  }
0x21c: {  	v1 =	vadd.f32 v10, v11;
	[tilespmem:s25+$0xB0] =	vst v3;
	v3 =	vld [tilespmem:s8+$0x20];
	v6 =	vmax.f32 v6, $0.0e+00  }
0x21d: {  	v4 =	vmax.f32 v4, $0.0e+00;
	v9 =	vadd.f32 v7, v14;
	[tilespmem:s26+$0xA0] =	vst v6;
	v6 =	vld [tilespmem:s24+$0x20]  }
0x21e: {  	[tilespmem:s25+$0xFFFFFF30] =	vst v4;
	v4 =	vmax.f32 v1, $0.0e+00;
	v7 =	vadd.f32 v8, v63;
	v1 =	vld [tilespmem:s8+$0xB0]  }
0x21f: {  	s28 =	simm.s32 $0x2D00;
	s14 =	simm.s32 $0x700;
	s13 =	simm.s32 $0x4;
	[tilespmem:s25+$0xFFFFFFB0] =	vst v4;
	v8 =	vmax.f32 v9, $0.0e+00;
	v4 =	vld [tilespmem:s24+$0xB0]  }
.LBB2_14:
0x220: {  	v9 =	vld [tilespmem:s14+$0x80];
	v2 =	vadd.f32 v5, v2;
	[tilespmem:s26+$0xFFFFFFA0] =	vst v8;
	s24 =	sadd.s32 $0x200, s24;
	v5 =	vmax.f32 v7, $0.0e+00  }
0x221: {  	v7 =	vld [tilespmem:s24+$0x80];
	[tilespmem:s25+$0x30] =	vst v5;
	s25 =	smov.u32 s26  }
0x222: {  	v5 =	vld [tilespmem:s24+$0xFFFFFF00];
	v2 =	vmax.f32 v2, $0.0e+00;
	v3 =	vadd.f32 v6, v3  }
0x223: {  	v6 =	vld [tilespmem:s14+$0xFFFFFF80];
	[tilespmem:s26+$0xFFFFFF20] =	vst v2  }
0x224: {  	s13 =	sadd.s32 $0x4, s13;
	v2 =	vld [tilespmem:s24+$0xFFFFFF80];
	v3 =	vmax.f32 v3, $0.0e+00;
	v1 =	vadd.f32 v4, v1  }
0x225: {  	p0 =	slt.u32 s13, $0x4C;
	v4 =	vld [tilespmem:s14+$0x0];
	[tilespmem:s26+$0x20] =	vst v3  }
0x226: {  	v3 =	vld [tilespmem:s24+$0x0];
	v7 =	vadd.f32 v7, v9;
	v1 =	vmax.f32 v1, $0.0e+00  }
0x227: {  	v8 =	vld [tilespmem:s14+$0xFFFFFF00];
	[tilespmem:s26+$0xB0] =	vst v1  }
0x228: {  	s26 =	sadd.s32 $0x200, s26;
	v1 =	vmax.f32 v7, $0.0e+00;
	v7 =	vld [tilespmem:s8+$0xFFFFFF30]  }
0x229: {  	v2 =	vadd.f32 v2, v6;
	[tilespmem:s26+$0x80] =	vst v1;
	v1 =	vld [tilespmem:s28+$0xFFFFFF30]  }
0x22a: {  	v6 =	vld [tilespmem:s14+$0x90]  }
0x22b: {  	v2 =	vmax.f32 v2, $0.0e+00;
	v3 =	vadd.f32 v3, v4;
	v4 =	vld [tilespmem:s24+$0x90]  }
0x22c: {  	v5 =	vadd.f32 v5, v8;
	[tilespmem:s26+$0xFFFFFF80] =	vst v2;
	v2 =	vld [tilespmem:s8+$0xFFFFFFB0]  }
0x22d: {  	v8 =	vld [tilespmem:s14+$0xFFFFFF90];
	v3 =	vmax.f32 v3, $0.0e+00  }
0x22e: {  	v5 =	vmax.f32 v5, $0.0e+00;
	v9 =	vld [tilespmem:s24+$0xFFFFFF90];
	[tilespmem:s26+$0x0] =	vst v3;
	v1 =	vadd.f32 v1, v7  }
0x22f: {  	[tilespmem:s26+$0xFFFFFF00] =	vst v5;
	v3 =	vld [tilespmem:s14+$0x10]  }
0x230: {  	v5 =	vld [tilespmem:s14+$0xFFFFFF10];
	v4 =	vadd.f32 v4, v6;
	v1 =	vmax.f32 v1, $0.0e+00  }
0x231: {  	v6 =	vld [tilespmem:s24+$0xFFFFFF10];
	[tilespmem:s25+$0xFFFFFF30] =	vst v1  }
0x232: {  	v1 =	vld [tilespmem:s24+$0x10];
	v4 =	vmax.f32 v4, $0.0e+00  }
0x233: {  	v7 =	vadd.f32 v9, v8;
	[tilespmem:s26+$0x90] =	vst v4;
	v4 =	vld [tilespmem:s28+$0xFFFFFFB0]  }
0x234: {  	v8 =	vld [tilespmem:s14+$0xA0]  }
0x235: {  	v7 =	vmax.f32 v7, $0.0e+00;
	v9 =	vld [tilespmem:s24+$0xA0]  }
0x236: {  	v5 =	vadd.f32 v6, v5;
	[tilespmem:s26+$0xFFFFFF90] =	vst v7;
	v7 =	vld [tilespmem:s8+$0x30];
	s8 =	smov.u32 s14  }
0x237: {  	v6 =	vld [tilespmem:s14+$0xFFFFFFA0];
	v1 =	vadd.f32 v1, v3  }
0x238: {  	v3 =	vmax.f32 v5, $0.0e+00;
	v10 =	vld [tilespmem:s24+$0xFFFFFFA0];
	v4 =	vadd.f32 v4, v2  }
0x239: {  	[tilespmem:s26+$0xFFFFFF10] =	vst v3;
	v1 =	vmax.f32 v1, $0.0e+00;
	v11 =	vld [tilespmem:s28+$0x30];
	s28 =	smov.u32 s24  }
0x23a: {  	v2 =	vld [tilespmem:s14+$0xFFFFFF20];
	[tilespmem:s26+$0x10] =	vst v1;
	v1 =	vadd.f32 v9, v8;
	v3 =	vmax.f32 v4, $0.0e+00  }
.Ltmp6:
0x23b: {  	v5 =	vld [tilespmem:s24+$0xFFFFFF20];
	[tilespmem:s25+$0xFFFFFFB0] =	vst v3;
	(pc) =	sbr.rel @p0 .LBB2_14-.Ltmp6, $4  }
0x23c: {  	v3 =	vld [tilespmem:s14+$0x20];
	v1 =	vmax.f32 v1, $0.0e+00  }
0x23d: {  	v4 =	vadd.f32 v10, v6;
	v6 =	vld [tilespmem:s24+$0x20];
	[tilespmem:s26+$0xA0] =	vst v1  }
0x23e: {  	v1 =	vld [tilespmem:s14+$0xB0];
	v7 =	vadd.f32 v11, v7  }
0x23f: {  	s14 =	sadd.s32 $0x200, s14;
	v8 =	vmax.f32 v4, $0.0e+00;
	v4 =	vld [tilespmem:s24+$0xB0]  }
0x240: {  	v2 =	vadd.f32 v5, v2;
	_ =	sdelay $0x1  }
0x241: {  	[tilespmem:s26+$0xFFFFFFA0] =	vst v8;
	v2 =	vmax.f32 v2, $0.0e+00  }
0x242: {  	[tilespmem:s26+$0xFFFFFF20] =	vst v2;
	v2 =	vadd.f32 v6, v3;
	v6 =	vld [tilespmem:s8+$0xFFFFFFB0]  }
0x243: {  	v3 =	vld [tilespmem:s8+$0xFFFFFF30]  }
0x244: {  	v5 =	vld [tilespmem:s28+$0xFFFFFF30];
	v2 =	vmax.f32 v2, $0.0e+00  }
0x245: {  	[tilespmem:s26+$0x20] =	vst v2;
	v2 =	vld [tilespmem:s28+$0xFFFFFFB0]  }
0x246: {  	v8 =	vld [tilespmem:s8+$0x30]  }
0x247: {  	v9 =	vld [tilespmem:s28+$0x30];
	_ =	sdelay $0x1  }
0x248: {  	v1 =	vadd.f32 v4, v1  }
0x249: {  	v4 =	vmax.f32 v7, $0.0e+00;
	v3 =	vadd.f32 v5, v3  }
0x24a: {  	[tilespmem:s25+$0x30] =	vst v4;
	v1 =	vmax.f32 v1, $0.0e+00;
	v2 =	vadd.f32 v2, v6  }
0x24b: {  	[tilespmem:s26+$0xB0] =	vst v1;
	v1 =	vmax.f32 v3, $0.0e+00;
	v3 =	vadd.f32 v9, v8  }
0x24c: {  	[tilespmem:s26+$0xFFFFFF30] =	vst v1;
	v1 =	vmax.f32 v2, $0.0e+00  }
0x24d: {  	[tilespmem:s26+$0xFFFFFFB0] =	vst v1;
	v1 =	vmax.f32 v3, $0.0e+00  }
0x24e: {  	[tilespmem:s26+$0x30] =	vst v1  }
0x24f: {  	_ =	swait.ge [sflag:s23], $0x50  }
0x250: {  	[sflag:s23] =	ssyncset.done $0x0  }
0x251: {  	[sflag:s23] =	ssyncadd.s32 $0xFFFFFFB0  }
0x252: {  	[spmem:s2] =	stream.indirect.scatter.add.f32 [tilespmem:s18], [sflag:$0x7], $0x80, s4, s11, $0xb8;
	[tilespmem:$0x1FA00] =	vst v63  }
0x253: {  	_ =	swait.ge [sflag:s9], $0x50  }
0x254: {  	[sflag:s9] =	ssyncset.done $0x0  }
0x255: {  	s30 =	rddreg [dreg:$0x11];
	[sflag:s9] =	ssyncadd.s32 $0xFFFFFFB0  }
0x256: {  	[tilespmem:s10], [sflag:$0x1] =	stream.linear.gather [hbm4b:s30+s3], $0x2800, $0x38;
	[tilespmem:$0x1FA00] =	vst v63  }
0x257: {  	_ = 	snop  }
0x258: {  	[tilespmem:s12], [sflag:$0x2] =	stream.indirect.gather [hbm4b:s1+s11], $0x80, s3, s11, $0xb8;
	[tilespmem:$0x1FA00] =	vst v63  }
0x259: {  	_ =	swait.ge [sflag:s22], $0x2800  }
0x25a: {  	[sflag:s22] =	ssyncset.done $0x0  }
0x25b: {  	[sflag:s22] =	ssyncadd.s32 $0xFFFFD800  }
0x25c: {  	_ =	swait.ge [sflag:s15], $0x2800  }
0x25d: {  	[sflag:s15] =	ssyncset.done $0x0  }
0x25e: {  	[sflag:s15] =	ssyncadd.s32 $0xFFFFD800  }
0x25f: {  	_ =	swait.ge [sflag:s16], $0x2800  }
0x260: {  	[sflag:s16] =	ssyncset.done $0x0  }
0x261: {  	s14 =	simm.s32 $0x300;
	[sflag:s16] =	ssyncadd.s32 $0xFFFFD800  }
0x262: {  	s13 =	simm.s32 $0x2B00;
	v1 =	vld [tilespmem:s14+$0x80]  }
0x263: {  	v2 =	vld [tilespmem:s13+$0x80];
	_ =	sdelay $0x1  }
0x264: {  	v3 =	vld [tilespmem:s14+$0xFFFFFF80]  }
0x265: {  	v4 =	vld [tilespmem:s13+$0xFFFFFF80]  }
0x266: {  	v5 =	vld [tilespmem:s13+$0xFFFFFF00]  }
0x267: {  	v1 =	vadd.f32 v2, v1;
	v2 =	vld [tilespmem:s14+$0xFFFFFF00]  }
0x268: {  	v6 =	vld [tilespmem:s14+$0x0]  }
0x269: {  	s25 =	simm.s32 $0x5300;
	s8 =	simm.s32 $0x500;
	v7 =	vld [tilespmem:s13+$0x0];
	v1 =	vmax.f32 v1, $0.0e+00  }
0x26a: {  	s24 =	simm.s32 $0x2D00;
	v9 =	vld [tilespmem:s8+$0x80];
	[tilespmem:s25+$0x80] =	vst v1;
	v1 =	vadd.f32 v4, v3  }
0x26b: {  	v10 =	vld [tilespmem:s24+$0x80]  }
0x26c: {  	v3 =	vld [tilespmem:s14+$0x90];
	v1 =	vmax.f32 v1, $0.0e+00;
	v2 =	vadd.f32 v5, v2  }
0x26d: {  	v4 =	vld [tilespmem:s13+$0x90];
	[tilespmem:s25+$0xFFFFFF80] =	vst v1  }
0x26e: {  	v1 =	vadd.f32 v7, v6;
	v5 =	vld [tilespmem:s14+$0xFFFFFF90];
	v2 =	vmax.f32 v2, $0.0e+00  }
0x26f: {  	v6 =	vld [tilespmem:s13+$0xFFFFFF90];
	[tilespmem:s25+$0xFFFFFF00] =	vst v2  }
0x270: {  	v1 =	vmax.f32 v1, $0.0e+00;
	v2 =	vld [tilespmem:s14+$0xFFFFFF10]  }
0x271: {  	[tilespmem:s25+$0x0] =	vst v1;
	v1 =	vld [tilespmem:s13+$0xFFFFFF10]  }
0x272: {  	v3 =	vadd.f32 v4, v3;
	v4 =	vld [tilespmem:s14+$0x10]  }
0x273: {  	v7 =	vld [tilespmem:s13+$0x10]  }
0x274: {  	v11 =	vld [tilespmem:s24+$0xFFFFFF00];
	v3 =	vmax.f32 v3, $0.0e+00  }
0x275: {  	v12 =	vld [tilespmem:s8+$0xFFFFFF80];
	[tilespmem:s25+$0x90] =	vst v3;
	v3 =	vadd.f32 v6, v5  }
0x276: {  	v13 =	vld [tilespmem:s8+$0x0];
	v1 =	vadd.f32 v1, v2  }
0x277: {  	v5 =	vld [tilespmem:s14+$0xA0];
	v3 =	vmax.f32 v3, $0.0e+00  }
0x278: {  	v6 =	vld [tilespmem:s13+$0xA0];
	[tilespmem:s25+$0xFFFFFF90] =	vst v3;
	v3 =	vadd.f32 v7, v4;
	v1 =	vmax.f32 v1, $0.0e+00  }
0x279: {  	v2 =	vld [tilespmem:s14+$0xFFFFFFA0];
	[tilespmem:s25+$0xFFFFFF10] =	vst v1  }
0x27a: {  	v1 =	vmax.f32 v3, $0.0e+00;
	v3 =	vld [tilespmem:s14+$0xFFFFFF20]  }
0x27b: {  	[tilespmem:s25+$0x10] =	vst v1;
	v1 =	vld [tilespmem:s13+$0xFFFFFF20]  }
0x27c: {  	v4 =	vld [tilespmem:s13+$0xFFFFFFA0]  }
0x27d: {  	v9 =	vadd.f32 v10, v9;
	v10 =	vld [tilespmem:s24+$0x0];
	v5 =	vadd.f32 v6, v5  }
0x27e: {  	v6 =	vld [tilespmem:s14+$0x20]  }
0x27f: {  	v7 =	vld [tilespmem:s13+$0x20];
	v5 =	vmax.f32 v5, $0.0e+00  }
0x280: {  	[tilespmem:s25+$0xA0] =	vst v5;
	v1 =	vadd.f32 v1, v3;
	v3 =	vld [tilespmem:s24+$0xFFFFFF80]  }
0x281: {  	s26 =	simm.s32 $0x5500;
	v2 =	vadd.f32 v4, v2;
	v4 =	vmax.f32 v9, $0.0e+00;
	v5 =	vld [tilespmem:s14+$0xB0]  }
0x282: {  	v8 =	vld [tilespmem:s13+$0xB0];
	[tilespmem:s26+$0x80] =	vst v4;
	v1 =	vmax.f32 v1, $0.0e+00  }
0x283: {  	[tilespmem:s25+$0xFFFFFF20] =	vst v1;
	v1 =	vld [tilespmem:s8+$0xFFFFFF00]  }
0x284: {  	v59 =	vld [tilespmem:s8+$0x90];
	v6 =	vadd.f32 v7, v6  }
0x285: {  	v2 =	vmax.f32 v2, $0.0e+00;
	v9 =	vld [tilespmem:s14+$0xFFFFFF30];
	v3 =	vadd.f32 v3, v12  }
0x286: {  	[tilespmem:s25+$0xFFFFFFA0] =	vst v2;
	v6 =	vmax.f32 v6, $0.0e+00;
	v4 =	vld [tilespmem:s13+$0xFFFFFF30]  }
0x287: {  	[tilespmem:s25+$0x20] =	vst v6;
	v2 =	vmax.f32 v3, $0.0e+00;
	v3 =	vadd.f32 v10, v13;
	v10 =	vld [tilespmem:s24+$0x90]  }
0x288: {  	v63 =	vld [tilespmem:s14+$0x30];
	v1 =	vadd.f32 v11, v1;
	[tilespmem:s26+$0xFFFFFF80] =	vst v2  }
0x289: {  	v2 =	vld [tilespmem:s8+$0xFFFFFF90]  }
0x28a: {  	v60 =	vld [tilespmem:s24+$0xFFFFFF90];
	v1 =	vmax.f32 v1, $0.0e+00  }
0x28b: {  	v11 =	vld [tilespmem:s14+$0xFFFFFFB0];
	v3 =	vmax.f32 v3, $0.0e+00;
	[tilespmem:s26+$0xFFFFFF00] =	vst v1  }
0x28c: {  	[tilespmem:s26+$0x0] =	vst v3;
	v3 =	vld [tilespmem:s8+$0xFFFFFF10];
	v10 =	vadd.f32 v10, v59  }
0x28d: {  	v61 =	vld [tilespmem:s24+$0xFFFFFF10]  }
0x28e: {  	v1 =	vld [tilespmem:s8+$0x10];
	v10 =	vmax.f32 v10, $0.0e+00  }
0x28f: {  	v7 =	vld [tilespmem:s24+$0x10];
	v2 =	vadd.f32 v60, v2;
	[tilespmem:s26+$0x90] =	vst v10  }
0x290: {  	v62 =	vld [tilespmem:s8+$0xA0]  }
0x291: {  	v2 =	vmax.f32 v2, $0.0e+00;
	v6 =	vld [tilespmem:s24+$0xA0]  }
0x292: {  	v10 =	vld [tilespmem:s13+$0xFFFFFFB0];
	v3 =	vadd.f32 v61, v3;
	[tilespmem:s26+$0xFFFFFF90] =	vst v2  }
0x293: {  	v14 =	vld [tilespmem:s8+$0xFFFFFFA0]  }
0x294: {  	v1 =	vadd.f32 v7, v1;
	v7 =	vld [tilespmem:s24+$0xFFFFFFA0];
	v2 =	vmax.f32 v3, $0.0e+00  }
0x295: {  	v3 =	vadd.f32 v8, v5;
	v8 =	vld [tilespmem:s13+$0x30];
	[tilespmem:s26+$0xFFFFFF10] =	vst v2  }
0x296: {  	v1 =	vmax.f32 v1, $0.0e+00;
	v6 =	vadd.f32 v6, v62;
	v2 =	vld [tilespmem:s8+$0xFFFFFF20]  }
0x297: {  	v4 =	vadd.f32 v4, v9;
	[tilespmem:s26+$0x10] =	vst v1;
	v3 =	vmax.f32 v3, $0.0e+00;
	v5 =	vld [tilespmem:s24+$0xFFFFFF20]  }
0x298: {  	v1 =	vadd.f32 v10, v11;
	[tilespmem:s25+$0xB0] =	vst v3;
	v3 =	vld [tilespmem:s8+$0x20];
	v6 =	vmax.f32 v6, $0.0e+00  }
0x299: {  	v4 =	vmax.f32 v4, $0.0e+00;
	v9 =	vadd.f32 v7, v14;
	[tilespmem:s26+$0xA0] =	vst v6;
	v6 =	vld [tilespmem:s24+$0x20]  }
0x29a: {  	[tilespmem:s25+$0xFFFFFF30] =	vst v4;
	v4 =	vmax.f32 v1, $0.0e+00;
	v7 =	vadd.f32 v8, v63;
	v1 =	vld [tilespmem:s8+$0xB0]  }
0x29b: {  	s28 =	simm.s32 $0x2D00;
	s14 =	simm.s32 $0x700;
	s13 =	simm.s32 $0x4;
	[tilespmem:s25+$0xFFFFFFB0] =	vst v4;
	v8 =	vmax.f32 v9, $0.0e+00;
	v4 =	vld [tilespmem:s24+$0xB0]  }
.LBB2_16:
0x29c: {  	v9 =	vld [tilespmem:s14+$0x80];
	v2 =	vadd.f32 v5, v2;
	[tilespmem:s26+$0xFFFFFFA0] =	vst v8;
	s24 =	sadd.s32 $0x200, s24;
	v5 =	vmax.f32 v7, $0.0e+00  }
0x29d: {  	v7 =	vld [tilespmem:s24+$0x80];
	[tilespmem:s25+$0x30] =	vst v5;
	s25 =	smov.u32 s26  }
0x29e: {  	v5 =	vld [tilespmem:s24+$0xFFFFFF00];
	v2 =	vmax.f32 v2, $0.0e+00;
	v3 =	vadd.f32 v6, v3  }
0x29f: {  	v6 =	vld [tilespmem:s14+$0xFFFFFF80];
	[tilespmem:s26+$0xFFFFFF20] =	vst v2  }
0x2a0: {  	s13 =	sadd.s32 $0x4, s13;
	v2 =	vld [tilespmem:s24+$0xFFFFFF80];
	v3 =	vmax.f32 v3, $0.0e+00;
	v1 =	vadd.f32 v4, v1  }
0x2a1: {  	p0 =	slt.u32 s13, $0x4C;
	v4 =	vld [tilespmem:s14+$0x0];
	[tilespmem:s26+$0x20] =	vst v3  }
0x2a2: {  	v3 =	vld [tilespmem:s24+$0x0];
	v7 =	vadd.f32 v7, v9;
	v1 =	vmax.f32 v1, $0.0e+00  }
0x2a3: {  	v8 =	vld [tilespmem:s14+$0xFFFFFF00];
	[tilespmem:s26+$0xB0] =	vst v1  }
0x2a4: {  	s26 =	sadd.s32 $0x200, s26;
	v1 =	vmax.f32 v7, $0.0e+00;
	v7 =	vld [tilespmem:s8+$0xFFFFFF30]  }
0x2a5: {  	v2 =	vadd.f32 v2, v6;
	[tilespmem:s26+$0x80] =	vst v1;
	v1 =	vld [tilespmem:s28+$0xFFFFFF30]  }
0x2a6: {  	v6 =	vld [tilespmem:s14+$0x90]  }
0x2a7: {  	v2 =	vmax.f32 v2, $0.0e+00;
	v3 =	vadd.f32 v3, v4;
	v4 =	vld [tilespmem:s24+$0x90]  }
0x2a8: {  	v5 =	vadd.f32 v5, v8;
	[tilespmem:s26+$0xFFFFFF80] =	vst v2;
	v2 =	vld [tilespmem:s8+$0xFFFFFFB0]  }
0x2a9: {  	v8 =	vld [tilespmem:s14+$0xFFFFFF90];
	v3 =	vmax.f32 v3, $0.0e+00  }
0x2aa: {  	v5 =	vmax.f32 v5, $0.0e+00;
	v9 =	vld [tilespmem:s24+$0xFFFFFF90];
	[tilespmem:s26+$0x0] =	vst v3;
	v1 =	vadd.f32 v1, v7  }
0x2ab: {  	[tilespmem:s26+$0xFFFFFF00] =	vst v5;
	v3 =	vld [tilespmem:s14+$0x10]  }
0x2ac: {  	v5 =	vld [tilespmem:s14+$0xFFFFFF10];
	v4 =	vadd.f32 v4, v6;
	v1 =	vmax.f32 v1, $0.0e+00  }
0x2ad: {  	v6 =	vld [tilespmem:s24+$0xFFFFFF10];
	[tilespmem:s25+$0xFFFFFF30] =	vst v1  }
0x2ae: {  	v1 =	vld [tilespmem:s24+$0x10];
	v4 =	vmax.f32 v4, $0.0e+00  }
0x2af: {  	v7 =	vadd.f32 v9, v8;
	[tilespmem:s26+$0x90] =	vst v4;
	v4 =	vld [tilespmem:s28+$0xFFFFFFB0]  }
0x2b0: {  	v8 =	vld [tilespmem:s14+$0xA0]  }
0x2b1: {  	v7 =	vmax.f32 v7, $0.0e+00;
	v9 =	vld [tilespmem:s24+$0xA0]  }
0x2b2: {  	v5 =	vadd.f32 v6, v5;
	[tilespmem:s26+$0xFFFFFF90] =	vst v7;
	v7 =	vld [tilespmem:s8+$0x30];
	s8 =	smov.u32 s14  }
0x2b3: {  	v6 =	vld [tilespmem:s14+$0xFFFFFFA0];
	v1 =	vadd.f32 v1, v3  }
0x2b4: {  	v3 =	vmax.f32 v5, $0.0e+00;
	v10 =	vld [tilespmem:s24+$0xFFFFFFA0];
	v4 =	vadd.f32 v4, v2  }
0x2b5: {  	[tilespmem:s26+$0xFFFFFF10] =	vst v3;
	v1 =	vmax.f32 v1, $0.0e+00;
	v11 =	vld [tilespmem:s28+$0x30];
	s28 =	smov.u32 s24  }
0x2b6: {  	v2 =	vld [tilespmem:s14+$0xFFFFFF20];
	[tilespmem:s26+$0x10] =	vst v1;
	v1 =	vadd.f32 v9, v8;
	v3 =	vmax.f32 v4, $0.0e+00  }
.Ltmp7:
0x2b7: {  	v5 =	vld [tilespmem:s24+$0xFFFFFF20];
	[tilespmem:s25+$0xFFFFFFB0] =	vst v3;
	(pc) =	sbr.rel @p0 .LBB2_16-.Ltmp7, $4  }
0x2b8: {  	v3 =	vld [tilespmem:s14+$0x20];
	v1 =	vmax.f32 v1, $0.0e+00  }
0x2b9: {  	v4 =	vadd.f32 v10, v6;
	v6 =	vld [tilespmem:s24+$0x20];
	[tilespmem:s26+$0xA0] =	vst v1  }
0x2ba: {  	v1 =	vld [tilespmem:s14+$0xB0];
	v7 =	vadd.f32 v11, v7  }
0x2bb: {  	s14 =	sadd.s32 $0x200, s14;
	v8 =	vmax.f32 v4, $0.0e+00;
	v4 =	vld [tilespmem:s24+$0xB0]  }
0x2bc: {  	v2 =	vadd.f32 v5, v2;
	_ =	sdelay $0x1  }
0x2bd: {  	[tilespmem:s26+$0xFFFFFFA0] =	vst v8;
	v2 =	vmax.f32 v2, $0.0e+00  }
0x2be: {  	v61 =	vld [tilespmem:s8+$0xFFFFFFB0];
	[tilespmem:s26+$0xFFFFFF20] =	vst v2;
	v2 =	vadd.f32 v6, v3  }
0x2bf: {  	v3 =	vld [tilespmem:s8+$0xFFFFFF30]  }
0x2c0: {  	v60 =	vld [tilespmem:s28+$0xFFFFFF30];
	v2 =	vmax.f32 v2, $0.0e+00  }
0x2c1: {  	[tilespmem:s26+$0x20] =	vst v2;
	v2 =	vld [tilespmem:s28+$0xFFFFFFB0]  }
0x2c2: {  	v62 =	vld [tilespmem:s8+$0x30]  }
0x2c3: {  	v9 =	vld [tilespmem:s28+$0x30];
	_ =	sdelay $0x1  }
0x2c4: {  	v1 =	vadd.f32 v4, v1  }
0x2c5: {  	v63 =	vmax.f32 v7, $0.0e+00;
	v3 =	vadd.f32 v60, v3  }
0x2c6: {  	[tilespmem:s25+$0x30] =	vst v63;
	v1 =	vmax.f32 v1, $0.0e+00;
	v2 =	vadd.f32 v2, v61  }
0x2c7: {  	[tilespmem:s26+$0xB0] =	vst v1;
	v1 =	vmax.f32 v3, $0.0e+00;
	v3 =	vadd.f32 v9, v62  }
0x2c8: {  	[tilespmem:s26+$0xFFFFFF30] =	vst v1;
	v1 =	vmax.f32 v2, $0.0e+00  }
0x2c9: {  	[tilespmem:s26+$0xFFFFFFB0] =	vst v1;
	v1 =	vmax.f32 v3, $0.0e+00  }
0x2ca: {  	[tilespmem:s26+$0x30] =	vst v1  }
0x2cb: {  	_ =	swait.ge [sflag:s17], $0x50  }
0x2cc: {  	[sflag:s17] =	ssyncset.done $0x0  }
0x2cd: {  	[sflag:s17] =	ssyncadd.s32 $0xFFFFFFB0  }
0x2ce: {  	[spmem:s2] =	stream.indirect.scatter.add.f32 [tilespmem:s18], [sflag:$0x7], $0x80, s31, s11, $0xb8;
	[tilespmem:$0x1FA00] =	vst v63  }
0x2cf: {  	_ =	swait.ge [sflag:s22], $0x2800  }
0x2d0: {  	[sflag:s22] =	ssyncset.done $0x0  }
0x2d1: {  	[sflag:s22] =	ssyncadd.s32 $0xFFFFD800  }
0x2d2: {  	s28 =	stileid.u32;
	[bflag:$0x0] =	sbarrier.arrive $0xFFFF  }
0x2d3: {  	s25 =	simm.s32 $0x8;
	s8 =	sshll.u32 s28, $0x6;
	s24 =	rddreg [dreg:$0x4]  }
0x2d4: {  	s8 =	sor.u32 $0x1C08, s8;
	s14 =	rddreg [dreg:$0x12];
	s13 =	sshrl.u32 s24, $0x3  }
0x2d5: {  	[hbm:s14], [sflag:s8] =	dma.local [spmem:s13], $0x2800  }
0x2d6: {  	_ =	swait.ge [sflag:s25], $0x2800  }
0x2d7: {  	s29 =	rddreg [dreg:$0x16]  }
0x2d8: {  	s30 =	rddreg [dreg:$0x13];
	s13 =	sadd.s32 $0x1, s29  }
0x2d9: {  	p0 =	sne.s32 s13, s30  }
.Ltmp8:
0x2da: {  	_ = 	snop;
	(pc) =	sbr.rel @p0 .LBB2_1-.Ltmp8, $3  }
0x2db: {  	_ =	sdelay $0x1  }
0x2dc: {  	[sflag:s25] =	ssyncset.done $0x0  }
0x2dd: {  	[sflag:s25] =	ssyncadd.s32 $0xFFFFD800  }
0x2de: {  	_ =	sfence.sel $0x180000  }
0x2df: {  	[bflag:$0x0] =	sbarrier.arrive $0xFFFF  }
0x2e0: {  	_ =	strace $0x90000047  }
0x2e1: {  	s0 =	stileid.u32;
	[bflag:$0x2] =	sbarrier.arrive $0xFFFF  }
0x2e2: {  	p0 =	sne.s32 s0, $0x0;
	s0 =	rddreg [dreg:$0x3]  }
0x2e3: {  	s0 =	sadd.s32 @!p0 $0x100000, s0  }
0x2e4: {  	[sflag:s0] =	ssyncadd.tile.s32 @!p0 $0x1;
	_ =	shalt  }
.Lfunc_end2:
_tile_overlayer_lowered:
.L_overlay_start_2:
0x2e5: {  	(tag) =	ssettag $0x2  }
0x2e6: {  	s0 =	rddreg [dreg:$0x0];
	s2 =	stileid.u32  }
0x2e7: {  	s1 =	rddreg [dreg:$0x1];
	p0 =	sne.s32 s2, $0x0  }
0x2e8: {  	s3 =	rddreg [dreg:$0x2];
	[bflag:$0x3] =	sbarrier.arrive $0xFFFF;
	s2 =	simm.s32 @!p0 $0x1C08  }
0x2e9: {  	[timem:s3], [sflag:s2] =	dma.local @!p0 [hbm:s0], s1  }
0x2ea: {  	s0 =	simm.s32 @!p0 $0x8  }
0x2eb: {  	_ =	swait.ge @!p0 [sflag:s0], s1  }
0x2ec: {  	s1 =	ssub.s32 @!p0 $0x0, s1;
	[sflag:s0] =	ssyncset.done @!p0 $0x0  }
0x2ed: {  	[sflag:s0] =	ssyncadd.s32 @!p0 s1  }
0x2ee: {  	[bflag:$0x3] =	sbarrier.arrive $0xFFFF  }
0x2ef: {  	_ =	shalt  }

</sc_bundles>
